<compile_context>
chip_gen: v7x
topology: tpu7x:2x2x1
jax: 0.10.2.dev20260603
libtpu: 0.0.44.dev20260713+nightly
codegen_flags: <defaults>
</compile_context>

<pallas_src>
import jax
import jax.numpy as jnp
from jax import lax
from jax.experimental import pallas as pl
from jax.experimental.pallas import tpu as pltpu
from jax.experimental.pallas import tpu_sc as plsc

N = 10000
E = 320000
D_IN = 128
D_HID = 128
D_OUT = 64

NC, NS = 2, 16
NW = NC * NS
CHUNK = 128
CHUNKS_PER_TILE = 80
GROUP = 2
NGROUPS = CHUNKS_PER_TILE // GROUP
P0, P1 = 77, 3
E_TILE = CHUNKS_PER_TILE * CHUNK
E_PAD = NW * E_TILE
N_PAD = 10240
ROWS_PER_SUB = N_PAD // NS


def _sc_segsum(d, want_deg):
    mesh = plsc.VectorSubcoreMesh(core_axis_name="c", subcore_axis_name="s")

    def body(x_hbm, idx_hbm, *rest):
        if want_deg:
            agg_hbm, deg_hbm = rest[0], rest[1]
            scr = rest[2:]
        else:
            agg_hbm = rest[0]
            scr = rest[1:]
        idx, rows, ones, acc, dacc, isem, gsem, ssem = scr
        c = lax.axis_index("c")
        s = lax.axis_index("s")
        nloc = jnp.where(c == 0, P0, P1)
        gbase = jnp.where(c == 0, s * P0, NS * P0 + s * P1)

        def load_group(g):
            return pltpu.async_copy(idx_hbm.at[gbase + g], idx.at[g % 2], isem)

        ip = load_group(0)

        def zr(i, _):
            for jj in range(d // 16):
                rows[0, i, pl.ds(jj * 16, 16)] = jnp.zeros((16,), jnp.float32)
            return 0
        lax.fori_loop(0, CHUNK, zr, 0)
        for jj in range(CHUNK // 16):
            ones[pl.ds(jj * 16, 16)] = jnp.ones((16,), jnp.float32)

        def zc(k, _):
            r0 = s * ROWS_PER_SUB + k * CHUNK
            pltpu.sync_copy(rows.at[0], acc.at[pl.ds(r0, CHUNK)])
            if want_deg:
                pltpu.sync_copy(rows.at[0, 0], dacc.at[pl.ds(r0, CHUNK)])
            return 0
        lax.fori_loop(0, ROWS_PER_SUB // CHUNK, zc, 0)
        plsc.subcore_barrier()

        def gathers(par):
            gds = [pltpu.async_copy(x_hbm.at[idx.at[par, b, 0]],
                                    rows.at[b], gsem)
                   for b in range(GROUP)]
            for gd in gds:
                gd.wait()

        def scatters(par):
            for b in range(GROUP):
                pltpu.async_copy(rows.at[b], acc.at[idx.at[par, b, 1]],
                                 ssem, add=True)
                if want_deg:
                    pltpu.async_copy(ones, dacc.at[idx.at[par, b, 1]],
                                     ssem, add=True)

        def drain_scatters(par):
            for b in range(GROUP):
                pltpu.make_async_copy(rows.at[b], acc.at[idx.at[par, b, 1]],
                                      ssem).wait()
                if want_deg:
                    pltpu.make_async_copy(ones, dacc.at[idx.at[par, b, 1]],
                                          ssem).wait()

        ip.wait()
        load_group(1)
        gathers(0)
        scatters(0)
        drain_scatters(0)

        def step(g, carry):
            par = g % 2
            pltpu.make_async_copy(idx_hbm.at[gbase + g], idx.at[par], isem).wait()
            gn = jnp.minimum(g + 1, nloc - 1)
            pltpu.async_copy(idx_hbm.at[gbase + gn], idx.at[(g + 1) % 2], isem)
            gathers(par)
            scatters(par)
            drain_scatters(par)
            return carry

        lax.fori_loop(1, nloc, step, 0)
        pltpu.make_async_copy(idx_hbm.at[gbase + nloc - 1],
                              idx.at[nloc % 2], isem).wait()
        plsc.subcore_barrier()

        wds = []
        for k in range(ROWS_PER_SUB // CHUNK):
            r0 = s * ROWS_PER_SUB + k * CHUNK
            wds.append(pltpu.async_copy(acc.at[pl.ds(r0, CHUNK)],
                                        agg_hbm.at[c, pl.ds(r0, CHUNK)], isem))
        if want_deg:
            wds.append(pltpu.async_copy(dacc.at[pl.ds(s * ROWS_PER_SUB, ROWS_PER_SUB)],
                                        deg_hbm.at[c, pl.ds(s * ROWS_PER_SUB,
                                                            ROWS_PER_SUB)], isem))
        for wd in wds:
            wd.wait()

    out_type = [jax.ShapeDtypeStruct((NC, N_PAD, d), jnp.float32)]
    if want_deg:
        out_type.append(jax.ShapeDtypeStruct((NC, N_PAD), jnp.float32))
    return pl.kernel(
        body,
        out_type=tuple(out_type),
        mesh=mesh,
        scratch_types=[
            pltpu.VMEM((2, GROUP, 2, CHUNK), jnp.int32),
            pltpu.VMEM((GROUP, CHUNK, d), jnp.float32),
            pltpu.VMEM((CHUNK,), jnp.float32),
            pltpu.VMEM_SHARED((N_PAD, d), jnp.float32),
            pltpu.VMEM_SHARED((N_PAD,), jnp.float32),
            pltpu.SemaphoreType.DMA,
            pltpu.SemaphoreType.DMA,
            pltpu.SemaphoreType.DMA,
        ],
    )


RB = 400


def _dense(d_in, d_out, relu):

    def body(aggp_ref, degp_ref, x_ref, wlt_ref, wrt_ref, bl_ref, o_ref):
        agg = aggp_ref[0] + aggp_ref[1]
        deg = degp_ref[0, 0, 0] + degp_ref[1, 0, 0]
        mean = agg / jnp.clip(deg, 1.0, None)[:, None]
        out = (jnp.dot(mean, wlt_ref[...], preferred_element_type=jnp.float32)
               + jnp.dot(x_ref[...], wrt_ref[...], preferred_element_type=jnp.float32)
               + bl_ref[...])
        o_ref[...] = jnp.maximum(out, 0.0) if relu else out

    return pl.pallas_call(
        body,
        grid=(N // RB,),
        in_specs=[
            pl.BlockSpec((NC, RB, d_in), lambda i: (0, i, 0)),
            pl.BlockSpec((NC, 1, 1, RB), lambda i: (0, i, 0, 0)),
            pl.BlockSpec((RB, d_in), lambda i: (i, 0)),
            pl.BlockSpec((d_in, d_out), lambda i: (0, 0)),
            pl.BlockSpec((d_in, d_out), lambda i: (0, 0)),
            pl.BlockSpec((1, d_out), lambda i: (0, 0)),
        ],
        out_specs=pl.BlockSpec((RB, d_out), lambda i: (i, 0)),
        out_shape=jax.ShapeDtypeStruct((N, d_out), jnp.float32),
    )


_segsum_deg = _sc_segsum(D_IN, want_deg=True)
_segsum_nodeg = _sc_segsum(D_IN, want_deg=False)
_dense1 = _dense(D_IN, D_HID, relu=True)
_dense2 = _dense(D_HID, D_OUT, relu=False)


@jax.jit
def kernel(x, edge_index, Wl1, bl1, Wr1, Wl2, bl2, Wr2):
    src = edge_index[0].astype(jnp.int32)
    dst = edge_index[1].astype(jnp.int32)
    pad = E_PAD - E
    src_p = jnp.concatenate([src, jnp.zeros((pad,), jnp.int32)]).reshape(-1, CHUNK)
    dst_p = jnp.concatenate([dst, jnp.full((pad,), N, jnp.int32)]).reshape(-1, CHUNK)
    idx_all = jnp.stack([src_p, dst_p], axis=1).reshape(-1, GROUP, 2, CHUNK)

    agg1, deg = _segsum_deg(x, idx_all)
    deg_r = deg[:, :N].reshape(NC, N // RB, 1, RB)
    h = _dense1(agg1, deg_r, x, Wl1.T, Wr1.T, bl1.reshape(1, -1))
    res2 = _segsum_nodeg(h, idx_all)
    agg2 = res2[0] if isinstance(res2, (tuple, list)) else res2
    return _dense2(agg2, deg_r, h, Wl2.T, Wr2.T, bl2.reshape(1, -1))

# --- scband reference (transcript-rebuilt; emitter-appended) ---
"""Pipeline reference for scband-web-graph-encoder-82918638616927 (READ-ONLY COPY).

The authoritative reference and input builder live on the scoring server;
editing this copy changes nothing except your own understanding.
"""

import jax, jax.numpy as jnp
import numpy as np

N_NODES = 10000
N_EDGES = 320000
IN_DIM = 128
HID_DIM = 128
OUT_DIM = 64


def setup_inputs(seed: int = 0) -> dict:
    key = jax.random.key(seed)
    ks = jax.random.split(key, 8)
    x = jax.random.normal(ks[0], (N_NODES, IN_DIM), dtype=jnp.float32)
    edge_index = jax.random.randint(ks[1], (2, N_EDGES), 0, N_NODES, dtype=jnp.int64)
    # SAGEConv layer 1: lin_l (aggregated neighbors, with bias), lin_r (root, no bias)
    s1 = 1.0 / np.sqrt(IN_DIM)
    Wl1 = jax.random.uniform(ks[2], (HID_DIM, IN_DIM), minval=-s1, maxval=s1, dtype=jnp.float32)
    bl1 = jnp.zeros((HID_DIM,), dtype=jnp.float32)
    Wr1 = jax.random.uniform(ks[3], (HID_DIM, IN_DIM), minval=-s1, maxval=s1, dtype=jnp.float32)
    # SAGEConv layer 2
    s2 = 1.0 / np.sqrt(HID_DIM)
    Wl2 = jax.random.uniform(ks[4], (OUT_DIM, HID_DIM), minval=-s2, maxval=s2, dtype=jnp.float32)
    bl2 = jnp.zeros((OUT_DIM,), dtype=jnp.float32)
    Wr2 = jax.random.uniform(ks[5], (OUT_DIM, HID_DIM), minval=-s2, maxval=s2, dtype=jnp.float32)
    return {"x": x, "edge_index": edge_index,
            "Wl1": Wl1, "bl1": bl1, "Wr1": Wr1,
            "Wl2": Wl2, "bl2": bl2, "Wr2": Wr2}


def _sage_conv(x, src, dst, Wl, bl, Wr):
    # mean aggregation of source-node messages at destination nodes
    msg = jnp.take(x, src, axis=0)                                   # [E, d] gather
    agg = jax.ops.segment_sum(msg, dst, num_segments=N_NODES)        # [N, d] scatter-add
    deg = jax.ops.segment_sum(jnp.ones((msg.shape[0],), dtype=x.dtype), dst, num_segments=N_NODES)
    mean = agg / jnp.clip(deg, 1.0, None)[:, None]
    return mean @ Wl.T + bl + x @ Wr.T


def reference(x, edge_index, Wl1, bl1, Wr1, Wl2, bl2, Wr2):
    src = edge_index[0]
    dst = edge_index[1]
    h = _sage_conv(x, src, dst, Wl1, bl1, Wr1)
    h = jax.nn.relu(h)
    # dropout is identity at inference (module frozen / eval)
    out = _sage_conv(h, src, dst, Wl2, bl2, Wr2)
    return out

if __name__ == "__main__":
    import jax
    _d = setup_inputs()
    print(jax.jit(kernel)(*tuple(_d.values())))

</pallas_src>

<mosaic_0001>
#map = affine_map<(d0, d1) -> (0, 0)>
#map1 = affine_map<(d0, d1) -> (0, 0, 0, 0)>
#map2 = affine_map<(d0, d1) -> (0, 0, 0)>
module attributes {stable_mosaic.version = 14 : i64} {
  func.func @body(%arg0: i32, %arg1: i32, %arg2: memref<10000x128xf32, #tpu.memory_space<hbm>>, %arg3: memref<1280x2x2x128xi32, #tpu.memory_space<hbm>>, %arg4: memref<2x10240x128xf32, #tpu.memory_space<hbm>>, %arg5: memref<2x2x2x128xi32, #tpu.memory_space<vmem>>, %arg6: memref<2x128x128xf32, #tpu.memory_space<vmem>>, %arg7: memref<128xf32, #tpu.memory_space<vmem>>, %arg8: memref<10240x128xf32, #tpu.memory_space<vmem_shared>>, %arg9: memref<10240xf32, #tpu.memory_space<vmem_shared>>, %arg10: memref<!tpu.dma_semaphore, #tpu.memory_space<semaphore_mem>>, %arg11: memref<!tpu.dma_semaphore, #tpu.memory_space<semaphore_mem>>, %arg12: memref<!tpu.dma_semaphore, #tpu.memory_space<semaphore_mem>>) attributes {dimension_semantics = [#tpu.dimension_semantics<core_parallel>, #tpu.dimension_semantics<subcore_parallel>], iteration_bounds = array<i64: 2, 16>, scalar_prefetch = 0 : i64, scratch_operands = 8 : i64, tpu.core_type = #tpu.core_type<sc_vector_subcore>, window_params = [{transform_indices = #map}, {transform_indices = #map1}, {transform_indices = #map2}]} {
    %eq3A = arith.constant 0 : i32
    %eq3A_0 = arith.cmpi eq, %arg0, %eq3A : i32
    %jit3A = arith.constant 77 : i32
    %jit3A_1 = arith.constant 3 : i32
    %select_n3A = arith.select %eq3A_0, %jit3A, %jit3A_1 : i32
    %eq3A_2 = arith.constant 0 : i32
    %eq3A_3 = arith.cmpi eq, %arg0, %eq3A_2 : i32
    %mul3A = arith.constant 77 : i32
    %mul3A_4 = arith.muli %arg1, %mul3A : i32
    %mul3A_5 = arith.constant 3 : i32
    %mul3A_6 = arith.muli %arg1, %mul3A_5 : i32
    %add3A = arith.constant 1232 : i32
    %add3A_7 = arith.addi %add3A, %mul3A_6 : i32
    %select_n3A_8 = arith.select %eq3A_3, %mul3A_4, %add3A_7 : i32
    %add3A_9 = arith.constant 0 : i32
    %add3A_10 = arith.addi %select_n3A_8, %add3A_9 : i32
    %dma_start3A = arith.constant 0 : i32
    %dma_start3A_11 = arith.constant 0 : i32
    %dma_start3A_12 = arith.constant 0 : i32
    %dma_start3A_13 = arith.constant 0 : i32
    %dma_start3A_14 = tpu.memref_slice %arg5[%dma_start3A, %dma_start3A_11, %dma_start3A_12, %dma_start3A_13] : memref<2x2x2x128xi32, #tpu.memory_space<vmem>> -> memref<1x2x2x128xi32, #tpu.memory_space<vmem>>
    %dma_start3A_15 = tpu.memref_squeeze %dma_start3A_14 : memref<1x2x2x128xi32, #tpu.memory_space<vmem>> -> memref<2x2x128xi32, #tpu.memory_space<vmem>>
    %dma_start3A_16 = arith.constant 0 : i32
    %dma_start3A_17 = arith.constant 0 : i32
    %dma_start3A_18 = arith.constant 0 : i32
    %dma_start3A_19 = tpu.memref_slice %arg3[%add3A_10, %dma_start3A_16, %dma_start3A_17, %dma_start3A_18] : memref<1280x2x2x128xi32, #tpu.memory_space<hbm>> -> memref<1x2x2x128xi32, #tpu.memory_space<hbm>>
    %dma_start3A_20 = tpu.memref_squeeze %dma_start3A_19 : memref<1x2x2x128xi32, #tpu.memory_space<hbm>> -> memref<2x2x128xi32, #tpu.memory_space<hbm>>
    %dma_start3A_21 = arith.constant 0 : i32
    %dma_start3A_22 = arith.constant 0 : i32
    %dma_start3A_23 = arith.constant 0 : i32
    %dma_start3A_24 = tpu.memref_slice %arg5[%dma_start3A, %dma_start3A_21, %dma_start3A_22, %dma_start3A_23] : memref<2x2x2x128xi32, #tpu.memory_space<vmem>> -> memref<1x2x2x128xi32, #tpu.memory_space<vmem>>
    %dma_start3A_25 = tpu.memref_squeeze %dma_start3A_24 : memref<1x2x2x128xi32, #tpu.memory_space<vmem>> -> memref<2x2x128xi32, #tpu.memory_space<vmem>>
    %dma_start3A_26 = arith.constant 0 : i32
    %dma_start3A_27 = arith.constant 0 : i32
    %dma_start3A_28 = arith.constant 0 : i32
    %dma_start3A_29 = tpu.memref_slice %arg3[%add3A_10, %dma_start3A_26, %dma_start3A_27, %dma_start3A_28] : memref<1280x2x2x128xi32, #tpu.memory_space<hbm>> -> memref<1x2x2x128xi32, #tpu.memory_space<hbm>>
    %dma_start3A_30 = tpu.memref_squeeze %dma_start3A_29 : memref<1x2x2x128xi32, #tpu.memory_space<hbm>> -> memref<2x2x128xi32, #tpu.memory_space<hbm>>
    tpu.enqueue_dma source(%dma_start3A_30 : memref<2x2x128xi32, #tpu.memory_space<hbm>>) target(%dma_start3A_25 : memref<2x2x128xi32, #tpu.memory_space<vmem>>) target_semaphore(%arg10 : memref<!tpu.dma_semaphore, #tpu.memory_space<semaphore_mem>>)
    %scan3A = arith.constant 0 : i32
    %scan3A_31 = arith.constant 0 : i32
    %scan3A_32 = arith.constant 128 : i32
    %scan3A_33 = arith.addi %scan3A_31, %scan3A_32 : i32
    %scan3A_34 = arith.constant 1 : i32
    %scan3A_35 = scf.for %scan3A_359 = %scan3A_31 to %scan3A_33 step %scan3A_34 iter_args(%scan3A_360 = %scan3A) -> (i32)  : i32 {
      %broadcast_in_dim3A_361 = arith.constant 0.000000e+00 : f32
      %broadcast_in_dim3A_362 = vector.broadcast %broadcast_in_dim3A_361 : f32 to vector<16xf32>
      %swap3A_363 = arith.constant 0 : i32
      %swap3A_364 = arith.index_cast %swap3A_363 : i32 to index
      %swap3A_365 = arith.index_cast %scan3A_359 : i32 to index
      %swap3A_366 = arith.constant 0 : index
      %swap3A_367 = tpu.vector_load %arg6[%swap3A_364, %swap3A_365, %swap3A_366] {strides = array<i32>} : memref<2x128x128xf32, #tpu.memory_space<vmem>>, vector<1x1x16xf32>,
      %swap3A_368 = vector.shape_cast %swap3A_367 : vector<1x1x16xf32> to vector<16xf32>
      %swap3A_369 = vector.shape_cast %broadcast_in_dim3A_362 : vector<16xf32> to vector<1x1x16xf32>
      tpu.vector_store %arg6[%swap3A_364, %swap3A_365, %swap3A_366], %swap3A_369 {strides = array<i32>} : memref<2x128x128xf32, #tpu.memory_space<vmem>>, vector<1x1x16xf32>,
      %broadcast_in_dim3A_370 = arith.constant 0.000000e+00 : f32
      %broadcast_in_dim3A_371 = vector.broadcast %broadcast_in_dim3A_370 : f32 to vector<16xf32>
      %swap3A_372 = arith.constant 0 : i32
      %swap3A_373 = arith.index_cast %swap3A_372 : i32 to index
      %swap3A_374 = arith.index_cast %scan3A_359 : i32 to index
      %swap3A_375 = arith.constant 16 : index
      %swap3A_376 = tpu.vector_load %arg6[%swap3A_373, %swap3A_374, %swap3A_375] {strides = array<i32>} : memref<2x128x128xf32, #tpu.memory_space<vmem>>, vector<1x1x16xf32>,
      %swap3A_377 = vector.shape_cast %swap3A_376 : vector<1x1x16xf32> to vector<16xf32>
      %swap3A_378 = vector.shape_cast %broadcast_in_dim3A_371 : vector<16xf32> to vector<1x1x16xf32>
      tpu.vector_store %arg6[%swap3A_373, %swap3A_374, %swap3A_375], %swap3A_378 {strides = array<i32>} : memref<2x128x128xf32, #tpu.memory_space<vmem>>, vector<1x1x16xf32>,
      %broadcast_in_dim3A_379 = arith.constant 0.000000e+00 : f32
      %broadcast_in_dim3A_380 = vector.broadcast %broadcast_in_dim3A_379 : f32 to vector<16xf32>
      %swap3A_381 = arith.constant 0 : i32
      %swap3A_382 = arith.index_cast %swap3A_381 : i32 to index
      %swap3A_383 = arith.index_cast %scan3A_359 : i32 to index
      %swap3A_384 = arith.constant 32 : index
      %swap3A_385 = tpu.vector_load %arg6[%swap3A_382, %swap3A_383, %swap3A_384] {strides = array<i32>} : memref<2x128x128xf32, #tpu.memory_space<vmem>>, vector<1x1x16xf32>,
      %swap3A_386 = vector.shape_cast %swap3A_385 : vector<1x1x16xf32> to vector<16xf32>
      %swap3A_387 = vector.shape_cast %broadcast_in_dim3A_380 : vector<16xf32> to vector<1x1x16xf32>
      tpu.vector_store %arg6[%swap3A_382, %swap3A_383, %swap3A_384], %swap3A_387 {strides = array<i32>} : memref<2x128x128xf32, #tpu.memory_space<vmem>>, vector<1x1x16xf32>,
      %broadcast_in_dim3A_388 = arith.constant 0.000000e+00 : f32
      %broadcast_in_dim3A_389 = vector.broadcast %broadcast_in_dim3A_388 : f32 to vector<16xf32>
      %swap3A_390 = arith.constant 0 : i32
      %swap3A_391 = arith.index_cast %swap3A_390 : i32 to index
      %swap3A_392 = arith.index_cast %scan3A_359 : i32 to index
      %swap3A_393 = arith.constant 48 : index
      %swap3A_394 = tpu.vector_load %arg6[%swap3A_391, %swap3A_392, %swap3A_393] {strides = array<i32>} : memref<2x128x128xf32, #tpu.memory_space<vmem>>, vector<1x1x16xf32>,
      %swap3A_395 = vector.shape_cast %swap3A_394 : vector<1x1x16xf32> to vector<16xf32>
      %swap3A_396 = vector.shape_cast %broadcast_in_dim3A_389 : vector<16xf32> to vector<1x1x16xf32>
      tpu.vector_store %arg6[%swap3A_391, %swap3A_392, %swap3A_393], %swap3A_396 {strides = array<i32>} : memref<2x128x128xf32, #tpu.memory_space<vmem>>, vector<1x1x16xf32>,
      %broadcast_in_dim3A_397 = arith.constant 0.000000e+00 : f32
      %broadcast_in_dim3A_398 = vector.broadcast %broadcast_in_dim3A_397 : f32 to vector<16xf32>
      %swap3A_399 = arith.constant 0 : i32
      %swap3A_400 = arith.index_cast %swap3A_399 : i32 to index
      %swap3A_401 = arith.index_cast %scan3A_359 : i32 to index
      %swap3A_402 = arith.constant 64 : index
      %swap3A_403 = tpu.vector_load %arg6[%swap3A_400, %swap3A_401, %swap3A_402] {strides = array<i32>} : memref<2x128x128xf32, #tpu.memory_space<vmem>>, vector<1x1x16xf32>,
      %swap3A_404 = vector.shape_cast %swap3A_403 : vector<1x1x16xf32> to vector<16xf32>
      %swap3A_405 = vector.shape_cast %broadcast_in_dim3A_398 : vector<16xf32> to vector<1x1x16xf32>
      tpu.vector_store %arg6[%swap3A_400, %swap3A_401, %swap3A_402], %swap3A_405 {strides = array<i32>} : memref<2x128x128xf32, #tpu.memory_space<vmem>>, vector<1x1x16xf32>,
      %broadcast_in_dim3A_406 = arith.constant 0.000000e+00 : f32
      %broadcast_in_dim3A_407 = vector.broadcast %broadcast_in_dim3A_406 : f32 to vector<16xf32>
      %swap3A_408 = arith.constant 0 : i32
      %swap3A_409 = arith.index_cast %swap3A_408 : i32 to index
      %swap3A_410 = arith.index_cast %scan3A_359 : i32 to index
      %swap3A_411 = arith.constant 80 : index
      %swap3A_412 = tpu.vector_load %arg6[%swap3A_409, %swap3A_410, %swap3A_411] {strides = array<i32>} : memref<2x128x128xf32, #tpu.memory_space<vmem>>, vector<1x1x16xf32>,
      %swap3A_413 = vector.shape_cast %swap3A_412 : vector<1x1x16xf32> to vector<16xf32>
      %swap3A_414 = vector.shape_cast %broadcast_in_dim3A_407 : vector<16xf32> to vector<1x1x16xf32>
      tpu.vector_store %arg6[%swap3A_409, %swap3A_410, %swap3A_411], %swap3A_414 {strides = array<i32>} : memref<2x128x128xf32, #tpu.memory_space<vmem>>, vector<1x1x16xf32>,
      %broadcast_in_dim3A_415 = arith.constant 0.000000e+00 : f32
      %broadcast_in_dim3A_416 = vector.broadcast %broadcast_in_dim3A_415 : f32 to vector<16xf32>
      %swap3A_417 = arith.constant 0 : i32
      %swap3A_418 = arith.index_cast %swap3A_417 : i32 to index
      %swap3A_419 = arith.index_cast %scan3A_359 : i32 to index
      %swap3A_420 = arith.constant 96 : index
      %swap3A_421 = tpu.vector_load %arg6[%swap3A_418, %swap3A_419, %swap3A_420] {strides = array<i32>} : memref<2x128x128xf32, #tpu.memory_space<vmem>>, vector<1x1x16xf32>,
      %swap3A_422 = vector.shape_cast %swap3A_421 : vector<1x1x16xf32> to vector<16xf32>
      %swap3A_423 = vector.shape_cast %broadcast_in_dim3A_416 : vector<16xf32> to vector<1x1x16xf32>
      tpu.vector_store %arg6[%swap3A_418, %swap3A_419, %swap3A_420], %swap3A_423 {strides = array<i32>} : memref<2x128x128xf32, #tpu.memory_space<vmem>>, vector<1x1x16xf32>,
      %broadcast_in_dim3A_424 = arith.constant 0.000000e+00 : f32
      %broadcast_in_dim3A_425 = vector.broadcast %broadcast_in_dim3A_424 : f32 to vector<16xf32>
      %swap3A_426 = arith.constant 0 : i32
      %swap3A_427 = arith.index_cast %swap3A_426 : i32 to index
      %swap3A_428 = arith.index_cast %scan3A_359 : i32 to index
      %swap3A_429 = arith.constant 112 : index
      %swap3A_430 = tpu.vector_load %arg6[%swap3A_427, %swap3A_428, %swap3A_429] {strides = array<i32>} : memref<2x128x128xf32, #tpu.memory_space<vmem>>, vector<1x1x16xf32>,
      %swap3A_431 = vector.shape_cast %swap3A_430 : vector<1x1x16xf32> to vector<16xf32>
      %swap3A_432 = vector.shape_cast %broadcast_in_dim3A_425 : vector<16xf32> to vector<1x1x16xf32>
      tpu.vector_store %arg6[%swap3A_427, %swap3A_428, %swap3A_429], %swap3A_432 {strides = array<i32>} : memref<2x128x128xf32, #tpu.memory_space<vmem>>, vector<1x1x16xf32>,
      %scan3A_433 = arith.constant 0 : i32
      scf.yield %scan3A_433 : i32
    }
    %scan3A_36 = arith.constant 128 : i32
    %broadcast_in_dim3A = arith.constant 1.000000e+00 : f32
    %broadcast_in_dim3A_37 = vector.broadcast %broadcast_in_dim3A : f32 to vector<16xf32>
    %swap3A = arith.constant 0 : index
    %swap3A_38 = tpu.vector_load %arg7[%swap3A] {strides = array<i32>} : memref<128xf32, #tpu.memory_space<vmem>>, vector<16xf32>,
    %swap3A_39 = vector.shape_cast %swap3A_38 : vector<16xf32> to vector<16xf32>
    %swap3A_40 = vector.shape_cast %broadcast_in_dim3A_37 : vector<16xf32> to vector<16xf32>
    tpu.vector_store %arg7[%swap3A], %swap3A_40 {strides = array<i32>} : memref<128xf32, #tpu.memory_space<vmem>>, vector<16xf32>,
    %broadcast_in_dim3A_41 = arith.constant 1.000000e+00 : f32
    %broadcast_in_dim3A_42 = vector.broadcast %broadcast_in_dim3A_41 : f32 to vector<16xf32>
    %swap3A_43 = arith.constant 16 : index
    %swap3A_44 = tpu.vector_load %arg7[%swap3A_43] {strides = array<i32>} : memref<128xf32, #tpu.memory_space<vmem>>, vector<16xf32>,
    %swap3A_45 = vector.shape_cast %swap3A_44 : vector<16xf32> to vector<16xf32>
    %swap3A_46 = vector.shape_cast %broadcast_in_dim3A_42 : vector<16xf32> to vector<16xf32>
    tpu.vector_store %arg7[%swap3A_43], %swap3A_46 {strides = array<i32>} : memref<128xf32, #tpu.memory_space<vmem>>, vector<16xf32>,
    %broadcast_in_dim3A_47 = arith.constant 1.000000e+00 : f32
    %broadcast_in_dim3A_48 = vector.broadcast %broadcast_in_dim3A_47 : f32 to vector<16xf32>
    %swap3A_49 = arith.constant 32 : index
    %swap3A_50 = tpu.vector_load %arg7[%swap3A_49] {strides = array<i32>} : memref<128xf32, #tpu.memory_space<vmem>>, vector<16xf32>,
    %swap3A_51 = vector.shape_cast %swap3A_50 : vector<16xf32> to vector<16xf32>
    %swap3A_52 = vector.shape_cast %broadcast_in_dim3A_48 : vector<16xf32> to vector<16xf32>
    tpu.vector_store %arg7[%swap3A_49], %swap3A_52 {strides = array<i32>} : memref<128xf32, #tpu.memory_space<vmem>>, vector<16xf32>,
    %broadcast_in_dim3A_53 = arith.constant 1.000000e+00 : f32
    %broadcast_in_dim3A_54 = vector.broadcast %broadcast_in_dim3A_53 : f32 to vector<16xf32>
    %swap3A_55 = arith.constant 48 : index
    %swap3A_56 = tpu.vector_load %arg7[%swap3A_55] {strides = array<i32>} : memref<128xf32, #tpu.memory_space<vmem>>, vector<16xf32>,
    %swap3A_57 = vector.shape_cast %swap3A_56 : vector<16xf32> to vector<16xf32>
    %swap3A_58 = vector.shape_cast %broadcast_in_dim3A_54 : vector<16xf32> to vector<16xf32>
    tpu.vector_store %arg7[%swap3A_55], %swap3A_58 {strides = array<i32>} : memref<128xf32, #tpu.memory_space<vmem>>, vector<16xf32>,
    %broadcast_in_dim3A_59 = arith.constant 1.000000e+00 : f32
    %broadcast_in_dim3A_60 = vector.broadcast %broadcast_in_dim3A_59 : f32 to vector<16xf32>
    %swap3A_61 = arith.constant 64 : index
    %swap3A_62 = tpu.vector_load %arg7[%swap3A_61] {strides = array<i32>} : memref<128xf32, #tpu.memory_space<vmem>>, vector<16xf32>,
    %swap3A_63 = vector.shape_cast %swap3A_62 : vector<16xf32> to vector<16xf32>
    %swap3A_64 = vector.shape_cast %broadcast_in_dim3A_60 : vector<16xf32> to vector<16xf32>
    tpu.vector_store %arg7[%swap3A_61], %swap3A_64 {strides = array<i32>} : memref<128xf32, #tpu.memory_space<vmem>>, vector<16xf32>,
    %broadcast_in_dim3A_65 = arith.constant 1.000000e+00 : f32
    %broadcast_in_dim3A_66 = vector.broadcast %broadcast_in_dim3A_65 : f32 to vector<16xf32>
    %swap3A_67 = arith.constant 80 : index
    %swap3A_68 = tpu.vector_load %arg7[%swap3A_67] {strides = array<i32>} : memref<128xf32, #tpu.memory_space<vmem>>, vector<16xf32>,
    %swap3A_69 = vector.shape_cast %swap3A_68 : vector<16xf32> to vector<16xf32>
    %swap3A_70 = vector.shape_cast %broadcast_in_dim3A_66 : vector<16xf32> to vector<16xf32>
    tpu.vector_store %arg7[%swap3A_67], %swap3A_70 {strides = array<i32>} : memref<128xf32, #tpu.memory_space<vmem>>, vector<16xf32>,
    %broadcast_in_dim3A_71 = arith.constant 1.000000e+00 : f32
    %broadcast_in_dim3A_72 = vector.broadcast %broadcast_in_dim3A_71 : f32 to vector<16xf32>
    %swap3A_73 = arith.constant 96 : index
    %swap3A_74 = tpu.vector_load %arg7[%swap3A_73] {strides = array<i32>} : memref<128xf32, #tpu.memory_space<vmem>>, vector<16xf32>,
    %swap3A_75 = vector.shape_cast %swap3A_74 : vector<16xf32> to vector<16xf32>
    %swap3A_76 = vector.shape_cast %broadcast_in_dim3A_72 : vector<16xf32> to vector<16xf32>
    tpu.vector_store %arg7[%swap3A_73], %swap3A_76 {strides = array<i32>} : memref<128xf32, #tpu.memory_space<vmem>>, vector<16xf32>,
    %broadcast_in_dim3A_77 = arith.constant 1.000000e+00 : f32
    %broadcast_in_dim3A_78 = vector.broadcast %broadcast_in_dim3A_77 : f32 to vector<16xf32>
    %swap3A_79 = arith.constant 112 : index
    %swap3A_80 = tpu.vector_load %arg7[%swap3A_79] {strides = array<i32>} : memref<128xf32, #tpu.memory_space<vmem>>, vector<16xf32>,
    %swap3A_81 = vector.shape_cast %swap3A_80 : vector<16xf32> to vector<16xf32>
    %swap3A_82 = vector.shape_cast %broadcast_in_dim3A_78 : vector<16xf32> to vector<16xf32>
    tpu.vector_store %arg7[%swap3A_79], %swap3A_82 {strides = array<i32>} : memref<128xf32, #tpu.memory_space<vmem>>, vector<16xf32>,
    %scan3A_83 = arith.constant 0 : i32
    %scan3A_84 = arith.constant 0 : i32
    %scan3A_85 = arith.constant 5 : i32
    %scan3A_86 = arith.addi %scan3A_84, %scan3A_85 : i32
    %scan3A_87 = arith.constant 1 : i32
    %scan3A_88 = scf.for %scan3A_359 = %scan3A_84 to %scan3A_86 step %scan3A_87 iter_args(%scan3A_360 = %scan3A_83) -> (i32)  : i32 {
      %mul3A_361 = arith.constant 640 : i32
      %mul3A_362 = arith.muli %arg1, %mul3A_361 : i32
      %mul3A_363 = arith.constant 128 : i32
      %mul3A_364 = arith.muli %scan3A_359, %mul3A_363 : i32
      %add3A_365 = arith.addi %mul3A_362, %mul3A_364 : i32
      %run_scoped3A = arith.constant 0 : i32
      "tpu.region"() ({
        %run_scoped3A_367 = tpu.sem_alloc : memref<!tpu.dma_semaphore, #tpu.memory_space<semaphore_mem>>
        %dma_start3A_368 = arith.constant 0 : i32
        %dma_start3A_369 = arith.constant 0 : i32
        %dma_start3A_370 = tpu.memref_slice %arg6[%run_scoped3A, %dma_start3A_368, %dma_start3A_369] : memref<2x128x128xf32, #tpu.memory_space<vmem>> -> memref<1x128x128xf32, #tpu.memory_space<vmem>>
        %dma_start3A_371 = tpu.memref_squeeze %dma_start3A_370 : memref<1x128x128xf32, #tpu.memory_space<vmem>> -> memref<128x128xf32, #tpu.memory_space<vmem>>
        %dma_start3A_372 = arith.constant 0 : i32
        %dma_start3A_373 = tpu.memref_slice %arg8[%add3A_365, %dma_start3A_372] : memref<10240x128xf32, #tpu.memory_space<vmem_shared>> -> memref<128x128xf32, #tpu.memory_space<vmem_shared>>
        %dma_start3A_374 = arith.constant 0 : i32
        %dma_start3A_375 = tpu.memref_slice %arg8[%add3A_365, %dma_start3A_374] : memref<10240x128xf32, #tpu.memory_space<vmem_shared>> -> memref<128x128xf32, #tpu.memory_space<vmem_shared>>
        %dma_start3A_376 = arith.constant 0 : i32
        %dma_start3A_377 = arith.constant 0 : i32
        %dma_start3A_378 = tpu.memref_slice %arg6[%run_scoped3A, %dma_start3A_376, %dma_start3A_377] : memref<2x128x128xf32, #tpu.memory_space<vmem>> -> memref<1x128x128xf32, #tpu.memory_space<vmem>>
        %dma_start3A_379 = tpu.memref_squeeze %dma_start3A_378 : memref<1x128x128xf32, #tpu.memory_space<vmem>> -> memref<128x128xf32, #tpu.memory_space<vmem>>
        tpu.enqueue_dma source(%dma_start3A_379 : memref<128x128xf32, #tpu.memory_space<vmem>>) target(%dma_start3A_375 : memref<128x128xf32, #tpu.memory_space<vmem_shared>>) target_semaphore(%run_scoped3A_367 : memref<!tpu.dma_semaphore, #tpu.memory_space<semaphore_mem>>)
        %dma_wait3A_380 = arith.constant 0 : i32
        %dma_wait3A_381 = arith.constant 0 : i32
        %dma_wait3A_382 = tpu.memref_slice %arg6[%run_scoped3A, %dma_wait3A_380, %dma_wait3A_381] : memref<2x128x128xf32, #tpu.memory_space<vmem>> -> memref<1x128x128xf32, #tpu.memory_space<vmem>>
        %dma_wait3A_383 = tpu.memref_squeeze %dma_wait3A_382 : memref<1x128x128xf32, #tpu.memory_space<vmem>> -> memref<128x128xf32, #tpu.memory_space<vmem>>
        %dma_wait3A_384 = arith.constant 0 : i32
        %dma_wait3A_385 = tpu.memref_slice %arg8[%add3A_365, %dma_wait3A_384] : memref<10240x128xf32, #tpu.memory_space<vmem_shared>> -> memref<128x128xf32, #tpu.memory_space<vmem_shared>>
        %dma_wait3A_386 = arith.constant 0 : i32
        %dma_wait3A_387 = tpu.memref_slice %arg8[%add3A_365, %dma_wait3A_386] : memref<10240x128xf32, #tpu.memory_space<vmem_shared>> -> memref<128x128xf32, #tpu.memory_space<vmem_shared>>
        %dma_wait3A_388 = arith.constant 0 : i32
        %dma_wait3A_389 = arith.constant 0 : i32
        %dma_wait3A_390 = tpu.memref_slice %arg6[%run_scoped3A, %dma_wait3A_388, %dma_wait3A_389] : memref<2x128x128xf32, #tpu.memory_space<vmem>> -> memref<1x128x128xf32, #tpu.memory_space<vmem>>
        %dma_wait3A_391 = tpu.memref_squeeze %dma_wait3A_390 : memref<1x128x128xf32, #tpu.memory_space<vmem>> -> memref<128x128xf32, #tpu.memory_space<vmem>>
        tpu.wait_dma2 semaphore(%run_scoped3A_367 : memref<!tpu.dma_semaphore, #tpu.memory_space<semaphore_mem>>) src(%dma_wait3A_391 : memref<128x128xf32, #tpu.memory_space<vmem>>) dst(%dma_wait3A_387 : memref<128x128xf32, #tpu.memory_space<vmem_shared>>)
        tpu.yield
      }) : () -> ()
      %scan3A_366 = arith.constant 0 : i32
      scf.yield %scan3A_366 : i32
    }
    %scan3A_89 = arith.constant 5 : i32
    %barrier3A = arith.constant 0 : index
    tpu.barrier barrier_id(%barrier3A)
    %dma_wait3A = arith.constant 0 : i32
    %dma_wait3A_90 = arith.constant 0 : i32
    %dma_wait3A_91 = arith.constant 0 : i32
    %dma_wait3A_92 = arith.constant 0 : i32
    %dma_wait3A_93 = tpu.memref_slice %arg5[%dma_wait3A, %dma_wait3A_90, %dma_wait3A_91, %dma_wait3A_92] : memref<2x2x2x128xi32, #tpu.memory_space<vmem>> -> memref<1x2x2x128xi32, #tpu.memory_space<vmem>>
    %dma_wait3A_94 = tpu.memref_squeeze %dma_wait3A_93 : memref<1x2x2x128xi32, #tpu.memory_space<vmem>> -> memref<2x2x128xi32, #tpu.memory_space<vmem>>
    %dma_wait3A_95 = arith.constant 0 : i32
    %dma_wait3A_96 = arith.constant 0 : i32
    %dma_wait3A_97 = arith.constant 0 : i32
    %dma_wait3A_98 = tpu.memref_slice %arg3[%add3A_10, %dma_wait3A_95, %dma_wait3A_96, %dma_wait3A_97] : memref<1280x2x2x128xi32, #tpu.memory_space<hbm>> -> memref<1x2x2x128xi32, #tpu.memory_space<hbm>>
    %dma_wait3A_99 = tpu.memref_squeeze %dma_wait3A_98 : memref<1x2x2x128xi32, #tpu.memory_space<hbm>> -> memref<2x2x128xi32, #tpu.memory_space<hbm>>
    %dma_wait3A_100 = arith.constant 0 : i32
    %dma_wait3A_101 = arith.constant 0 : i32
    %dma_wait3A_102 = arith.constant 0 : i32
    %dma_wait3A_103 = tpu.memref_slice %arg5[%dma_wait3A, %dma_wait3A_100, %dma_wait3A_101, %dma_wait3A_102] : memref<2x2x2x128xi32, #tpu.memory_space<vmem>> -> memref<1x2x2x128xi32, #tpu.memory_space<vmem>>
    %dma_wait3A_104 = tpu.memref_squeeze %dma_wait3A_103 : memref<1x2x2x128xi32, #tpu.memory_space<vmem>> -> memref<2x2x128xi32, #tpu.memory_space<vmem>>
    %dma_wait3A_105 = arith.constant 0 : i32
    %dma_wait3A_106 = arith.constant 0 : i32
    %dma_wait3A_107 = arith.constant 0 : i32
    %dma_wait3A_108 = tpu.memref_slice %arg3[%add3A_10, %dma_wait3A_105, %dma_wait3A_106, %dma_wait3A_107] : memref<1280x2x2x128xi32, #tpu.memory_space<hbm>> -> memref<1x2x2x128xi32, #tpu.memory_space<hbm>>
    %dma_wait3A_109 = tpu.memref_squeeze %dma_wait3A_108 : memref<1x2x2x128xi32, #tpu.memory_space<hbm>> -> memref<2x2x128xi32, #tpu.memory_space<hbm>>
    tpu.wait_dma2 semaphore(%arg10 : memref<!tpu.dma_semaphore, #tpu.memory_space<semaphore_mem>>) src(%dma_wait3A_109 : memref<2x2x128xi32, #tpu.memory_space<hbm>>) dst(%dma_wait3A_104 : memref<2x2x128xi32, #tpu.memory_space<vmem>>)
    %add3A_110 = arith.constant 1 : i32
    %add3A_111 = arith.addi %select_n3A_8, %add3A_110 : i32
    %dma_start3A_112 = arith.constant 1 : i32
    %dma_start3A_113 = arith.constant 0 : i32
    %dma_start3A_114 = arith.constant 0 : i32
    %dma_start3A_115 = arith.constant 0 : i32
    %dma_start3A_116 = tpu.memref_slice %arg5[%dma_start3A_112, %dma_start3A_113, %dma_start3A_114, %dma_start3A_115] : memref<2x2x2x128xi32, #tpu.memory_space<vmem>> -> memref<1x2x2x128xi32, #tpu.memory_space<vmem>>
    %dma_start3A_117 = tpu.memref_squeeze %dma_start3A_116 : memref<1x2x2x128xi32, #tpu.memory_space<vmem>> -> memref<2x2x128xi32, #tpu.memory_space<vmem>>
    %dma_start3A_118 = arith.constant 0 : i32
    %dma_start3A_119 = arith.constant 0 : i32
    %dma_start3A_120 = arith.constant 0 : i32
    %dma_start3A_121 = tpu.memref_slice %arg3[%add3A_111, %dma_start3A_118, %dma_start3A_119, %dma_start3A_120] : memref<1280x2x2x128xi32, #tpu.memory_space<hbm>> -> memref<1x2x2x128xi32, #tpu.memory_space<hbm>>
    %dma_start3A_122 = tpu.memref_squeeze %dma_start3A_121 : memref<1x2x2x128xi32, #tpu.memory_space<hbm>> -> memref<2x2x128xi32, #tpu.memory_space<hbm>>
    %dma_start3A_123 = arith.constant 0 : i32
    %dma_start3A_124 = arith.constant 0 : i32
    %dma_start3A_125 = arith.constant 0 : i32
    %dma_start3A_126 = tpu.memref_slice %arg5[%dma_start3A_112, %dma_start3A_123, %dma_start3A_124, %dma_start3A_125] : memref<2x2x2x128xi32, #tpu.memory_space<vmem>> -> memref<1x2x2x128xi32, #tpu.memory_space<vmem>>
    %dma_start3A_127 = tpu.memref_squeeze %dma_start3A_126 : memref<1x2x2x128xi32, #tpu.memory_space<vmem>> -> memref<2x2x128xi32, #tpu.memory_space<vmem>>
    %dma_start3A_128 = arith.constant 0 : i32
    %dma_start3A_129 = arith.constant 0 : i32
    %dma_start3A_130 = arith.constant 0 : i32
    %dma_start3A_131 = tpu.memref_slice %arg3[%add3A_111, %dma_start3A_128, %dma_start3A_129, %dma_start3A_130] : memref<1280x2x2x128xi32, #tpu.memory_space<hbm>> -> memref<1x2x2x128xi32, #tpu.memory_space<hbm>>
    %dma_start3A_132 = tpu.memref_squeeze %dma_start3A_131 : memref<1x2x2x128xi32, #tpu.memory_space<hbm>> -> memref<2x2x128xi32, #tpu.memory_space<hbm>>
    tpu.enqueue_dma source(%dma_start3A_132 : memref<2x2x128xi32, #tpu.memory_space<hbm>>) target(%dma_start3A_127 : memref<2x2x128xi32, #tpu.memory_space<vmem>>) target_semaphore(%arg10 : memref<!tpu.dma_semaphore, #tpu.memory_space<semaphore_mem>>)
    %dma_start3A_133 = arith.constant 0 : i32
    %dma_start3A_134 = arith.constant 0 : i32
    %dma_start3A_135 = arith.constant 0 : i32
    %dma_start3A_136 = arith.constant 0 : i32
    %dma_start3A_137 = arith.constant 0 : i32
    %dma_start3A_138 = arith.constant 0 : i32
    %dma_start3A_139 = tpu.memref_slice %arg6[%dma_start3A_136, %dma_start3A_137, %dma_start3A_138] : memref<2x128x128xf32, #tpu.memory_space<vmem>> -> memref<1x128x128xf32, #tpu.memory_space<vmem>>
    %dma_start3A_140 = tpu.memref_squeeze %dma_start3A_139 : memref<1x128x128xf32, #tpu.memory_space<vmem>> -> memref<128x128xf32, #tpu.memory_space<vmem>>
    %dma_start3A_141 = arith.constant 0 : i32
    %dma_start3A_142 = tpu.memref_slice %arg5[%dma_start3A_133, %dma_start3A_134, %dma_start3A_135, %dma_start3A_141] : memref<2x2x2x128xi32, #tpu.memory_space<vmem>> -> memref<1x1x1x128xi32, #tpu.memory_space<vmem>>
    %dma_start3A_143 = tpu.memref_squeeze %dma_start3A_142 : memref<1x1x1x128xi32, #tpu.memory_space<vmem>> -> memref<128xi32, #tpu.memory_space<vmem>>
    %dma_start3A_144 = arith.constant 0 : i32
    %dma_start3A_145 = arith.constant 0 : i32
    %dma_start3A_146 = tpu.memref_slice %arg2[%dma_start3A_144, %dma_start3A_145] : memref<10000x128xf32, #tpu.memory_space<hbm>> -> memref<10000x128xf32, #tpu.memory_space<hbm>>
    tpu.enqueue_indirect_dma source(%dma_start3A_146 : memref<10000x128xf32, #tpu.memory_space<hbm>>) target(%dma_start3A_140 : memref<128x128xf32, #tpu.memory_space<vmem>>) offsets(%dma_start3A_143 : memref<128xi32, #tpu.memory_space<vmem>>) semaphore(%arg11 : memref<!tpu.dma_semaphore, #tpu.memory_space<semaphore_mem>>)
    %dma_start3A_147 = arith.constant 0 : i32
    %dma_start3A_148 = arith.constant 1 : i32
    %dma_start3A_149 = arith.constant 0 : i32
    %dma_start3A_150 = arith.constant 1 : i32
    %dma_start3A_151 = arith.constant 0 : i32
    %dma_start3A_152 = arith.constant 0 : i32
    %dma_start3A_153 = tpu.memref_slice %arg6[%dma_start3A_150, %dma_start3A_151, %dma_start3A_152] : memref<2x128x128xf32, #tpu.memory_space<vmem>> -> memref<1x128x128xf32, #tpu.memory_space<vmem>>
    %dma_start3A_154 = tpu.memref_squeeze %dma_start3A_153 : memref<1x128x128xf32, #tpu.memory_space<vmem>> -> memref<128x128xf32, #tpu.memory_space<vmem>>
    %dma_start3A_155 = arith.constant 0 : i32
    %dma_start3A_156 = tpu.memref_slice %arg5[%dma_start3A_147, %dma_start3A_148, %dma_start3A_149, %dma_start3A_155] : memref<2x2x2x128xi32, #tpu.memory_space<vmem>> -> memref<1x1x1x128xi32, #tpu.memory_space<vmem>>
    %dma_start3A_157 = tpu.memref_squeeze %dma_start3A_156 : memref<1x1x1x128xi32, #tpu.memory_space<vmem>> -> memref<128xi32, #tpu.memory_space<vmem>>
    %dma_start3A_158 = arith.constant 0 : i32
    %dma_start3A_159 = arith.constant 0 : i32
    %dma_start3A_160 = tpu.memref_slice %arg2[%dma_start3A_158, %dma_start3A_159] : memref<10000x128xf32, #tpu.memory_space<hbm>> -> memref<10000x128xf32, #tpu.memory_space<hbm>>
    tpu.enqueue_indirect_dma source(%dma_start3A_160 : memref<10000x128xf32, #tpu.memory_space<hbm>>) target(%dma_start3A_154 : memref<128x128xf32, #tpu.memory_space<vmem>>) offsets(%dma_start3A_157 : memref<128xi32, #tpu.memory_space<vmem>>) semaphore(%arg11 : memref<!tpu.dma_semaphore, #tpu.memory_space<semaphore_mem>>)
    %dma_wait3A_161 = arith.constant 0 : i32
    %dma_wait3A_162 = arith.constant 0 : i32
    %dma_wait3A_163 = arith.constant 0 : i32
    %dma_wait3A_164 = arith.constant 0 : i32
    %dma_wait3A_165 = arith.constant 0 : i32
    %dma_wait3A_166 = arith.constant 0 : i32
    %dma_wait3A_167 = tpu.memref_slice %arg6[%dma_wait3A_164, %dma_wait3A_165, %dma_wait3A_166] : memref<2x128x128xf32, #tpu.memory_space<vmem>> -> memref<1x128x128xf32, #tpu.memory_space<vmem>>
    %dma_wait3A_168 = tpu.memref_squeeze %dma_wait3A_167 : memref<1x128x128xf32, #tpu.memory_space<vmem>> -> memref<128x128xf32, #tpu.memory_space<vmem>>
    %dma_wait3A_169 = arith.constant 0 : i32
    %dma_wait3A_170 = tpu.memref_slice %arg5[%dma_wait3A_161, %dma_wait3A_162, %dma_wait3A_163, %dma_wait3A_169] : memref<2x2x2x128xi32, #tpu.memory_space<vmem>> -> memref<1x1x1x128xi32, #tpu.memory_space<vmem>>
    %dma_wait3A_171 = tpu.memref_squeeze %dma_wait3A_170 : memref<1x1x1x128xi32, #tpu.memory_space<vmem>> -> memref<128xi32, #tpu.memory_space<vmem>>
    %dma_wait3A_172 = arith.constant 0 : i32
    %dma_wait3A_173 = arith.constant 0 : i32
    %dma_wait3A_174 = tpu.memref_slice %arg2[%dma_wait3A_172, %dma_wait3A_173] : memref<10000x128xf32, #tpu.memory_space<hbm>> -> memref<10000x128xf32, #tpu.memory_space<hbm>>
    tpu.wait_indirect_dma semaphore(%arg11 : memref<!tpu.dma_semaphore, #tpu.memory_space<semaphore_mem>>) src(%dma_wait3A_174 : memref<10000x128xf32, #tpu.memory_space<hbm>>) dst(%dma_wait3A_168 : memref<128x128xf32, #tpu.memory_space<vmem>>)
    %dma_wait3A_175 = arith.constant 0 : i32
    %dma_wait3A_176 = arith.constant 1 : i32
    %dma_wait3A_177 = arith.constant 0 : i32
    %dma_wait3A_178 = arith.constant 1 : i32
    %dma_wait3A_179 = arith.constant 0 : i32
    %dma_wait3A_180 = arith.constant 0 : i32
    %dma_wait3A_181 = tpu.memref_slice %arg6[%dma_wait3A_178, %dma_wait3A_179, %dma_wait3A_180] : memref<2x128x128xf32, #tpu.memory_space<vmem>> -> memref<1x128x128xf32, #tpu.memory_space<vmem>>
    %dma_wait3A_182 = tpu.memref_squeeze %dma_wait3A_181 : memref<1x128x128xf32, #tpu.memory_space<vmem>> -> memref<128x128xf32, #tpu.memory_space<vmem>>
    %dma_wait3A_183 = arith.constant 0 : i32
    %dma_wait3A_184 = tpu.memref_slice %arg5[%dma_wait3A_175, %dma_wait3A_176, %dma_wait3A_177, %dma_wait3A_183] : memref<2x2x2x128xi32, #tpu.memory_space<vmem>> -> memref<1x1x1x128xi32, #tpu.memory_space<vmem>>
    %dma_wait3A_185 = tpu.memref_squeeze %dma_wait3A_184 : memref<1x1x1x128xi32, #tpu.memory_space<vmem>> -> memref<128xi32, #tpu.memory_space<vmem>>
    %dma_wait3A_186 = arith.constant 0 : i32
    %dma_wait3A_187 = arith.constant 0 : i32
    %dma_wait3A_188 = tpu.memref_slice %arg2[%dma_wait3A_186, %dma_wait3A_187] : memref<10000x128xf32, #tpu.memory_space<hbm>> -> memref<10000x128xf32, #tpu.memory_space<hbm>>
    tpu.wait_indirect_dma semaphore(%arg11 : memref<!tpu.dma_semaphore, #tpu.memory_space<semaphore_mem>>) src(%dma_wait3A_188 : memref<10000x128xf32, #tpu.memory_space<hbm>>) dst(%dma_wait3A_182 : memref<128x128xf32, #tpu.memory_space<vmem>>)
    %dma_start3A_189 = arith.constant 0 : i32
    %dma_start3A_190 = arith.constant 0 : i32
    %dma_start3A_191 = arith.constant 0 : i32
    %dma_start3A_192 = arith.constant 1 : i32
    %dma_start3A_193 = arith.constant 0 : i32
    %dma_start3A_194 = arith.constant 0 : i32
    %dma_start3A_195 = tpu.memref_slice %arg6[%dma_start3A_189, %dma_start3A_193, %dma_start3A_194] : memref<2x128x128xf32, #tpu.memory_space<vmem>> -> memref<1x128x128xf32, #tpu.memory_space<vmem>>
    %dma_start3A_196 = tpu.memref_squeeze %dma_start3A_195 : memref<1x128x128xf32, #tpu.memory_space<vmem>> -> memref<128x128xf32, #tpu.memory_space<vmem>>
    %dma_start3A_197 = arith.constant 0 : i32
    %dma_start3A_198 = tpu.memref_slice %arg5[%dma_start3A_190, %dma_start3A_191, %dma_start3A_192, %dma_start3A_197] : memref<2x2x2x128xi32, #tpu.memory_space<vmem>> -> memref<1x1x1x128xi32, #tpu.memory_space<vmem>>
    %dma_start3A_199 = tpu.memref_squeeze %dma_start3A_198 : memref<1x1x1x128xi32, #tpu.memory_space<vmem>> -> memref<128xi32, #tpu.memory_space<vmem>>
    %dma_start3A_200 = arith.constant 0 : i32
    %dma_start3A_201 = arith.constant 0 : i32
    %dma_start3A_202 = tpu.memref_slice %arg8[%dma_start3A_200, %dma_start3A_201] : memref<10240x128xf32, #tpu.memory_space<vmem_shared>> -> memref<10240x128xf32, #tpu.memory_space<vmem_shared>>
    tpu.enqueue_indirect_dma source(%dma_start3A_196 : memref<128x128xf32, #tpu.memory_space<vmem>>) target(%dma_start3A_202 : memref<10240x128xf32, #tpu.memory_space<vmem_shared>>) offsets(%dma_start3A_199 : memref<128xi32, #tpu.memory_space<vmem>>) semaphore(%arg12 : memref<!tpu.dma_semaphore, #tpu.memory_space<semaphore_mem>>) {add = true}
    %dma_start3A_203 = arith.constant 1 : i32
    %dma_start3A_204 = arith.constant 0 : i32
    %dma_start3A_205 = arith.constant 1 : i32
    %dma_start3A_206 = arith.constant 1 : i32
    %dma_start3A_207 = arith.constant 0 : i32
    %dma_start3A_208 = arith.constant 0 : i32
    %dma_start3A_209 = tpu.memref_slice %arg6[%dma_start3A_203, %dma_start3A_207, %dma_start3A_208] : memref<2x128x128xf32, #tpu.memory_space<vmem>> -> memref<1x128x128xf32, #tpu.memory_space<vmem>>
    %dma_start3A_210 = tpu.memref_squeeze %dma_start3A_209 : memref<1x128x128xf32, #tpu.memory_space<vmem>> -> memref<128x128xf32, #tpu.memory_space<vmem>>
    %dma_start3A_211 = arith.constant 0 : i32
    %dma_start3A_212 = tpu.memref_slice %arg5[%dma_start3A_204, %dma_start3A_205, %dma_start3A_206, %dma_start3A_211] : memref<2x2x2x128xi32, #tpu.memory_space<vmem>> -> memref<1x1x1x128xi32, #tpu.memory_space<vmem>>
    %dma_start3A_213 = tpu.memref_squeeze %dma_start3A_212 : memref<1x1x1x128xi32, #tpu.memory_space<vmem>> -> memref<128xi32, #tpu.memory_space<vmem>>
    %dma_start3A_214 = arith.constant 0 : i32
    %dma_start3A_215 = arith.constant 0 : i32
    %dma_start3A_216 = tpu.memref_slice %arg8[%dma_start3A_214, %dma_start3A_215] : memref<10240x128xf32, #tpu.memory_space<vmem_shared>> -> memref<10240x128xf32, #tpu.memory_space<vmem_shared>>
    tpu.enqueue_indirect_dma source(%dma_start3A_210 : memref<128x128xf32, #tpu.memory_space<vmem>>) target(%dma_start3A_216 : memref<10240x128xf32, #tpu.memory_space<vmem_shared>>) offsets(%dma_start3A_213 : memref<128xi32, #tpu.memory_space<vmem>>) semaphore(%arg12 : memref<!tpu.dma_semaphore, #tpu.memory_space<semaphore_mem>>) {add = true}
    %dma_wait3A_217 = arith.constant 0 : i32
    %dma_wait3A_218 = arith.constant 0 : i32
    %dma_wait3A_219 = arith.constant 0 : i32
    %dma_wait3A_220 = arith.constant 1 : i32
    %dma_wait3A_221 = arith.constant 0 : i32
    %dma_wait3A_222 = arith.constant 0 : i32
    %dma_wait3A_223 = tpu.memref_slice %arg6[%dma_wait3A_217, %dma_wait3A_221, %dma_wait3A_222] : memref<2x128x128xf32, #tpu.memory_space<vmem>> -> memref<1x128x128xf32, #tpu.memory_space<vmem>>
    %dma_wait3A_224 = tpu.memref_squeeze %dma_wait3A_223 : memref<1x128x128xf32, #tpu.memory_space<vmem>> -> memref<128x128xf32, #tpu.memory_space<vmem>>
    %dma_wait3A_225 = arith.constant 0 : i32
    %dma_wait3A_226 = tpu.memref_slice %arg5[%dma_wait3A_218, %dma_wait3A_219, %dma_wait3A_220, %dma_wait3A_225] : memref<2x2x2x128xi32, #tpu.memory_space<vmem>> -> memref<1x1x1x128xi32, #tpu.memory_space<vmem>>
    %dma_wait3A_227 = tpu.memref_squeeze %dma_wait3A_226 : memref<1x1x1x128xi32, #tpu.memory_space<vmem>> -> memref<128xi32, #tpu.memory_space<vmem>>
    %dma_wait3A_228 = arith.constant 0 : i32
    %dma_wait3A_229 = arith.constant 0 : i32
    %dma_wait3A_230 = tpu.memref_slice %arg8[%dma_wait3A_228, %dma_wait3A_229] : memref<10240x128xf32, #tpu.memory_space<vmem_shared>> -> memref<10240x128xf32, #tpu.memory_space<vmem_shared>>
    tpu.wait_indirect_dma semaphore(%arg12 : memref<!tpu.dma_semaphore, #tpu.memory_space<semaphore_mem>>) src(%dma_wait3A_224 : memref<128x128xf32, #tpu.memory_space<vmem>>) dst(%dma_wait3A_230 : memref<10240x128xf32, #tpu.memory_space<vmem_shared>>)
    %dma_wait3A_231 = arith.constant 1 : i32
    %dma_wait3A_232 = arith.constant 0 : i32
    %dma_wait3A_233 = arith.constant 1 : i32
    %dma_wait3A_234 = arith.constant 1 : i32
    %dma_wait3A_235 = arith.constant 0 : i32
    %dma_wait3A_236 = arith.constant 0 : i32
    %dma_wait3A_237 = tpu.memref_slice %arg6[%dma_wait3A_231, %dma_wait3A_235, %dma_wait3A_236] : memref<2x128x128xf32, #tpu.memory_space<vmem>> -> memref<1x128x128xf32, #tpu.memory_space<vmem>>
    %dma_wait3A_238 = tpu.memref_squeeze %dma_wait3A_237 : memref<1x128x128xf32, #tpu.memory_space<vmem>> -> memref<128x128xf32, #tpu.memory_space<vmem>>
    %dma_wait3A_239 = arith.constant 0 : i32
    %dma_wait3A_240 = tpu.memref_slice %arg5[%dma_wait3A_232, %dma_wait3A_233, %dma_wait3A_234, %dma_wait3A_239] : memref<2x2x2x128xi32, #tpu.memory_space<vmem>> -> memref<1x1x1x128xi32, #tpu.memory_space<vmem>>
    %dma_wait3A_241 = tpu.memref_squeeze %dma_wait3A_240 : memref<1x1x1x128xi32, #tpu.memory_space<vmem>> -> memref<128xi32, #tpu.memory_space<vmem>>
    %dma_wait3A_242 = arith.constant 0 : i32
    %dma_wait3A_243 = arith.constant 0 : i32
    %dma_wait3A_244 = tpu.memref_slice %arg8[%dma_wait3A_242, %dma_wait3A_243] : memref<10240x128xf32, #tpu.memory_space<vmem_shared>> -> memref<10240x128xf32, #tpu.memory_space<vmem_shared>>
    tpu.wait_indirect_dma semaphore(%arg12 : memref<!tpu.dma_semaphore, #tpu.memory_space<semaphore_mem>>) src(%dma_wait3A_238 : memref<128x128xf32, #tpu.memory_space<vmem>>) dst(%dma_wait3A_244 : memref<10240x128xf32, #tpu.memory_space<vmem_shared>>)
    %while3A = arith.constant 0 : i32
    %while3A_245 = arith.constant 1 : i32
    %while3A_246 = arith.subi %select_n3A, %while3A_245 : i32
    %while3A_247 = arith.addi %while3A_245, %while3A_246 : i32
    %while3A_248 = arith.constant 1 : i32
    %while3A_249 = arith.divsi %while3A_246, %while3A_248 : i32
    %while3A_250 = arith.muli %while3A_249, %while3A_248 : i32
    %while3A_251 = arith.addi %while3A_245, %while3A_250 : i32
    %while3A_252 = arith.constant 1 : i32
    scf.for %while3A_359 = %while3A_245 to %while3A_251 step %while3A_252  : i32 {
      %jit3A_360 = arith.constant 2 : i32
      %eq3A_361 = arith.constant 0 : i32
      %eq3A_362 = arith.cmpi eq, %jit3A_360, %eq3A_361 : i32
      %jit3A_363 = arith.constant 1 : i32
      %select_n3A_364 = arith.select %eq3A_362, %jit3A_363, %jit3A_360 : i32
      %rem3A_365 = arith.remsi %while3A_359, %select_n3A_364 : i32
      %ne3A_366 = arith.constant 0 : i32
      %ne3A_367 = arith.cmpi ne, %rem3A_365, %ne3A_366 : i32
      %lt3A_368 = arith.constant 0 : i32
      %lt3A_369 = arith.cmpi slt, %rem3A_365, %lt3A_368 : i32
      %lt3A_370 = arith.constant 0 : i32
      %lt3A_371 = arith.cmpi slt, %select_n3A_364, %lt3A_370 : i32
      %ne3A_372 = arith.xori %lt3A_369, %lt3A_371 : i1
      %and3A_373 = arith.andi %ne3A_372, %ne3A_367 : i1
      %add3A_374 = arith.addi %rem3A_365, %select_n3A_364 : i32
      %select_n3A_375 = arith.select %and3A_373, %add3A_374, %rem3A_365 : i32
      %add3A_376 = arith.addi %select_n3A_8, %while3A_359 : i32
      %dma_wait3A_377 = arith.constant 0 : i32
      %dma_wait3A_378 = arith.constant 0 : i32
      %dma_wait3A_379 = arith.constant 0 : i32
      %dma_wait3A_380 = tpu.memref_slice %arg5[%select_n3A_375, %dma_wait3A_377, %dma_wait3A_378, %dma_wait3A_379] : memref<2x2x2x128xi32, #tpu.memory_space<vmem>> -> memref<1x2x2x128xi32, #tpu.memory_space<vmem>>
      %dma_wait3A_381 = tpu.memref_squeeze %dma_wait3A_380 : memref<1x2x2x128xi32, #tpu.memory_space<vmem>> -> memref<2x2x128xi32, #tpu.memory_space<vmem>>
      %dma_wait3A_382 = arith.constant 0 : i32
      %dma_wait3A_383 = arith.constant 0 : i32
      %dma_wait3A_384 = arith.constant 0 : i32
      %dma_wait3A_385 = tpu.memref_slice %arg3[%add3A_376, %dma_wait3A_382, %dma_wait3A_383, %dma_wait3A_384] : memref<1280x2x2x128xi32, #tpu.memory_space<hbm>> -> memref<1x2x2x128xi32, #tpu.memory_space<hbm>>
      %dma_wait3A_386 = tpu.memref_squeeze %dma_wait3A_385 : memref<1x2x2x128xi32, #tpu.memory_space<hbm>> -> memref<2x2x128xi32, #tpu.memory_space<hbm>>
      %dma_wait3A_387 = arith.constant 0 : i32
      %dma_wait3A_388 = arith.constant 0 : i32
      %dma_wait3A_389 = arith.constant 0 : i32
      %dma_wait3A_390 = tpu.memref_slice %arg5[%select_n3A_375, %dma_wait3A_387, %dma_wait3A_388, %dma_wait3A_389] : memref<2x2x2x128xi32, #tpu.memory_space<vmem>> -> memref<1x2x2x128xi32, #tpu.memory_space<vmem>>
      %dma_wait3A_391 = tpu.memref_squeeze %dma_wait3A_390 : memref<1x2x2x128xi32, #tpu.memory_space<vmem>> -> memref<2x2x128xi32, #tpu.memory_space<vmem>>
      %dma_wait3A_392 = arith.constant 0 : i32
      %dma_wait3A_393 = arith.constant 0 : i32
      %dma_wait3A_394 = arith.constant 0 : i32
      %dma_wait3A_395 = tpu.memref_slice %arg3[%add3A_376, %dma_wait3A_392, %dma_wait3A_393, %dma_wait3A_394] : memref<1280x2x2x128xi32, #tpu.memory_space<hbm>> -> memref<1x2x2x128xi32, #tpu.memory_space<hbm>>
      %dma_wait3A_396 = tpu.memref_squeeze %dma_wait3A_395 : memref<1x2x2x128xi32, #tpu.memory_space<hbm>> -> memref<2x2x128xi32, #tpu.memory_space<hbm>>
      tpu.wait_dma2 semaphore(%arg10 : memref<!tpu.dma_semaphore, #tpu.memory_space<semaphore_mem>>) src(%dma_wait3A_396 : memref<2x2x128xi32, #tpu.memory_space<hbm>>) dst(%dma_wait3A_391 : memref<2x2x128xi32, #tpu.memory_space<vmem>>)
      %add3A_397 = arith.constant 1 : i32
      %add3A_398 = arith.addi %while3A_359, %add3A_397 : i32
      %sub3A_399 = arith.constant 1 : i32
      %sub3A_400 = arith.subi %select_n3A, %sub3A_399 : i32
      %min3A = arith.minsi %add3A_398, %sub3A_400 : i32
      %add3A_401 = arith.addi %select_n3A_8, %min3A : i32
      %add3A_402 = arith.constant 1 : i32
      %add3A_403 = arith.addi %while3A_359, %add3A_402 : i32
      %jit3A_404 = arith.constant 2 : i32
      %eq3A_405 = arith.constant 0 : i32
      %eq3A_406 = arith.cmpi eq, %jit3A_404, %eq3A_405 : i32
      %jit3A_407 = arith.constant 1 : i32
      %select_n3A_408 = arith.select %eq3A_406, %jit3A_407, %jit3A_404 : i32
      %rem3A_409 = arith.remsi %add3A_403, %select_n3A_408 : i32
      %ne3A_410 = arith.constant 0 : i32
      %ne3A_411 = arith.cmpi ne, %rem3A_409, %ne3A_410 : i32
      %lt3A_412 = arith.constant 0 : i32
      %lt3A_413 = arith.cmpi slt, %rem3A_409, %lt3A_412 : i32
      %lt3A_414 = arith.constant 0 : i32
      %lt3A_415 = arith.cmpi slt, %select_n3A_408, %lt3A_414 : i32
      %ne3A_416 = arith.xori %lt3A_413, %lt3A_415 : i1
      %and3A_417 = arith.andi %ne3A_416, %ne3A_411 : i1
      %add3A_418 = arith.addi %rem3A_409, %select_n3A_408 : i32
      %select_n3A_419 = arith.select %and3A_417, %add3A_418, %rem3A_409 : i32
      %dma_start3A_420 = arith.constant 0 : i32
      %dma_start3A_421 = arith.constant 0 : i32
      %dma_start3A_422 = arith.constant 0 : i32
      %dma_start3A_423 = tpu.memref_slice %arg5[%select_n3A_419, %dma_start3A_420, %dma_start3A_421, %dma_start3A_422] : memref<2x2x2x128xi32, #tpu.memory_space<vmem>> -> memref<1x2x2x128xi32, #tpu.memory_space<vmem>>
      %dma_start3A_424 = tpu.memref_squeeze %dma_start3A_423 : memref<1x2x2x128xi32, #tpu.memory_space<vmem>> -> memref<2x2x128xi32, #tpu.memory_space<vmem>>
      %dma_start3A_425 = arith.constant 0 : i32
      %dma_start3A_426 = arith.constant 0 : i32
      %dma_start3A_427 = arith.constant 0 : i32
      %dma_start3A_428 = tpu.memref_slice %arg3[%add3A_401, %dma_start3A_425, %dma_start3A_426, %dma_start3A_427] : memref<1280x2x2x128xi32, #tpu.memory_space<hbm>> -> memref<1x2x2x128xi32, #tpu.memory_space<hbm>>
      %dma_start3A_429 = tpu.memref_squeeze %dma_start3A_428 : memref<1x2x2x128xi32, #tpu.memory_space<hbm>> -> memref<2x2x128xi32, #tpu.memory_space<hbm>>
      %dma_start3A_430 = arith.constant 0 : i32
      %dma_start3A_431 = arith.constant 0 : i32
      %dma_start3A_432 = arith.constant 0 : i32
      %dma_start3A_433 = tpu.memref_slice %arg5[%select_n3A_419, %dma_start3A_430, %dma_start3A_431, %dma_start3A_432] : memref<2x2x2x128xi32, #tpu.memory_space<vmem>> -> memref<1x2x2x128xi32, #tpu.memory_space<vmem>>
      %dma_start3A_434 = tpu.memref_squeeze %dma_start3A_433 : memref<1x2x2x128xi32, #tpu.memory_space<vmem>> -> memref<2x2x128xi32, #tpu.memory_space<vmem>>
      %dma_start3A_435 = arith.constant 0 : i32
      %dma_start3A_436 = arith.constant 0 : i32
      %dma_start3A_437 = arith.constant 0 : i32
      %dma_start3A_438 = tpu.memref_slice %arg3[%add3A_401, %dma_start3A_435, %dma_start3A_436, %dma_start3A_437] : memref<1280x2x2x128xi32, #tpu.memory_space<hbm>> -> memref<1x2x2x128xi32, #tpu.memory_space<hbm>>
      %dma_start3A_439 = tpu.memref_squeeze %dma_start3A_438 : memref<1x2x2x128xi32, #tpu.memory_space<hbm>> -> memref<2x2x128xi32, #tpu.memory_space<hbm>>
      tpu.enqueue_dma source(%dma_start3A_439 : memref<2x2x128xi32, #tpu.memory_space<hbm>>) target(%dma_start3A_434 : memref<2x2x128xi32, #tpu.memory_space<vmem>>) target_semaphore(%arg10 : memref<!tpu.dma_semaphore, #tpu.memory_space<semaphore_mem>>)
      %dma_start3A_440 = arith.constant 0 : i32
      %dma_start3A_441 = arith.constant 0 : i32
      %dma_start3A_442 = arith.constant 0 : i32
      %dma_start3A_443 = arith.constant 0 : i32
      %dma_start3A_444 = arith.constant 0 : i32
      %dma_start3A_445 = tpu.memref_slice %arg6[%dma_start3A_442, %dma_start3A_443, %dma_start3A_444] : memref<2x128x128xf32, #tpu.memory_space<vmem>> -> memref<1x128x128xf32, #tpu.memory_space<vmem>>
      %dma_start3A_446 = tpu.memref_squeeze %dma_start3A_445 : memref<1x128x128xf32, #tpu.memory_space<vmem>> -> memref<128x128xf32, #tpu.memory_space<vmem>>
      %dma_start3A_447 = arith.constant 0 : i32
      %dma_start3A_448 = tpu.memref_slice %arg5[%select_n3A_375, %dma_start3A_440, %dma_start3A_441, %dma_start3A_447] : memref<2x2x2x128xi32, #tpu.memory_space<vmem>> -> memref<1x1x1x128xi32, #tpu.memory_space<vmem>>
      %dma_start3A_449 = tpu.memref_squeeze %dma_start3A_448 : memref<1x1x1x128xi32, #tpu.memory_space<vmem>> -> memref<128xi32, #tpu.memory_space<vmem>>
      %dma_start3A_450 = arith.constant 0 : i32
      %dma_start3A_451 = arith.constant 0 : i32
      %dma_start3A_452 = tpu.memref_slice %arg2[%dma_start3A_450, %dma_start3A_451] : memref<10000x128xf32, #tpu.memory_space<hbm>> -> memref<10000x128xf32, #tpu.memory_space<hbm>>
      tpu.enqueue_indirect_dma source(%dma_start3A_452 : memref<10000x128xf32, #tpu.memory_space<hbm>>) target(%dma_start3A_446 : memref<128x128xf32, #tpu.memory_space<vmem>>) offsets(%dma_start3A_449 : memref<128xi32, #tpu.memory_space<vmem>>) semaphore(%arg11 : memref<!tpu.dma_semaphore, #tpu.memory_space<semaphore_mem>>)
      %dma_start3A_453 = arith.constant 1 : i32
      %dma_start3A_454 = arith.constant 0 : i32
      %dma_start3A_455 = arith.constant 1 : i32
      %dma_start3A_456 = arith.constant 0 : i32
      %dma_start3A_457 = arith.constant 0 : i32
      %dma_start3A_458 = tpu.memref_slice %arg6[%dma_start3A_455, %dma_start3A_456, %dma_start3A_457] : memref<2x128x128xf32, #tpu.memory_space<vmem>> -> memref<1x128x128xf32, #tpu.memory_space<vmem>>
      %dma_start3A_459 = tpu.memref_squeeze %dma_start3A_458 : memref<1x128x128xf32, #tpu.memory_space<vmem>> -> memref<128x128xf32, #tpu.memory_space<vmem>>
      %dma_start3A_460 = arith.constant 0 : i32
      %dma_start3A_461 = tpu.memref_slice %arg5[%select_n3A_375, %dma_start3A_453, %dma_start3A_454, %dma_start3A_460] : memref<2x2x2x128xi32, #tpu.memory_space<vmem>> -> memref<1x1x1x128xi32, #tpu.memory_space<vmem>>
      %dma_start3A_462 = tpu.memref_squeeze %dma_start3A_461 : memref<1x1x1x128xi32, #tpu.memory_space<vmem>> -> memref<128xi32, #tpu.memory_space<vmem>>
      %dma_start3A_463 = arith.constant 0 : i32
      %dma_start3A_464 = arith.constant 0 : i32
      %dma_start3A_465 = tpu.memref_slice %arg2[%dma_start3A_463, %dma_start3A_464] : memref<10000x128xf32, #tpu.memory_space<hbm>> -> memref<10000x128xf32, #tpu.memory_space<hbm>>
      tpu.enqueue_indirect_dma source(%dma_start3A_465 : memref<10000x128xf32, #tpu.memory_space<hbm>>) target(%dma_start3A_459 : memref<128x128xf32, #tpu.memory_space<vmem>>) offsets(%dma_start3A_462 : memref<128xi32, #tpu.memory_space<vmem>>) semaphore(%arg11 : memref<!tpu.dma_semaphore, #tpu.memory_space<semaphore_mem>>)
      %dma_wait3A_466 = arith.constant 0 : i32
      %dma_wait3A_467 = arith.constant 0 : i32
      %dma_wait3A_468 = arith.constant 0 : i32
      %dma_wait3A_469 = arith.constant 0 : i32
      %dma_wait3A_470 = arith.constant 0 : i32
      %dma_wait3A_471 = tpu.memref_slice %arg6[%dma_wait3A_468, %dma_wait3A_469, %dma_wait3A_470] : memref<2x128x128xf32, #tpu.memory_space<vmem>> -> memref<1x128x128xf32, #tpu.memory_space<vmem>>
      %dma_wait3A_472 = tpu.memref_squeeze %dma_wait3A_471 : memref<1x128x128xf32, #tpu.memory_space<vmem>> -> memref<128x128xf32, #tpu.memory_space<vmem>>
      %dma_wait3A_473 = arith.constant 0 : i32
      %dma_wait3A_474 = tpu.memref_slice %arg5[%select_n3A_375, %dma_wait3A_466, %dma_wait3A_467, %dma_wait3A_473] : memref<2x2x2x128xi32, #tpu.memory_space<vmem>> -> memref<1x1x1x128xi32, #tpu.memory_space<vmem>>
      %dma_wait3A_475 = tpu.memref_squeeze %dma_wait3A_474 : memref<1x1x1x128xi32, #tpu.memory_space<vmem>> -> memref<128xi32, #tpu.memory_space<vmem>>
      %dma_wait3A_476 = arith.constant 0 : i32
      %dma_wait3A_477 = arith.constant 0 : i32
      %dma_wait3A_478 = tpu.memref_slice %arg2[%dma_wait3A_476, %dma_wait3A_477] : memref<10000x128xf32, #tpu.memory_space<hbm>> -> memref<10000x128xf32, #tpu.memory_space<hbm>>
      tpu.wait_indirect_dma semaphore(%arg11 : memref<!tpu.dma_semaphore, #tpu.memory_space<semaphore_mem>>) src(%dma_wait3A_478 : memref<10000x128xf32, #tpu.memory_space<hbm>>) dst(%dma_wait3A_472 : memref<128x128xf32, #tpu.memory_space<vmem>>)
      %dma_wait3A_479 = arith.constant 1 : i32
      %dma_wait3A_480 = arith.constant 0 : i32
      %dma_wait3A_481 = arith.constant 1 : i32
      %dma_wait3A_482 = arith.constant 0 : i32
      %dma_wait3A_483 = arith.constant 0 : i32
      %dma_wait3A_484 = tpu.memref_slice %arg6[%dma_wait3A_481, %dma_wait3A_482, %dma_wait3A_483] : memref<2x128x128xf32, #tpu.memory_space<vmem>> -> memref<1x128x128xf32, #tpu.memory_space<vmem>>
      %dma_wait3A_485 = tpu.memref_squeeze %dma_wait3A_484 : memref<1x128x128xf32, #tpu.memory_space<vmem>> -> memref<128x128xf32, #tpu.memory_space<vmem>>
      %dma_wait3A_486 = arith.constant 0 : i32
      %dma_wait3A_487 = tpu.memref_slice %arg5[%select_n3A_375, %dma_wait3A_479, %dma_wait3A_480, %dma_wait3A_486] : memref<2x2x2x128xi32, #tpu.memory_space<vmem>> -> memref<1x1x1x128xi32, #tpu.memory_space<vmem>>
      %dma_wait3A_488 = tpu.memref_squeeze %dma_wait3A_487 : memref<1x1x1x128xi32, #tpu.memory_space<vmem>> -> memref<128xi32, #tpu.memory_space<vmem>>
      %dma_wait3A_489 = arith.constant 0 : i32
      %dma_wait3A_490 = arith.constant 0 : i32
      %dma_wait3A_491 = tpu.memref_slice %arg2[%dma_wait3A_489, %dma_wait3A_490] : memref<10000x128xf32, #tpu.memory_space<hbm>> -> memref<10000x128xf32, #tpu.memory_space<hbm>>
      tpu.wait_indirect_dma semaphore(%arg11 : memref<!tpu.dma_semaphore, #tpu.memory_space<semaphore_mem>>) src(%dma_wait3A_491 : memref<10000x128xf32, #tpu.memory_space<hbm>>) dst(%dma_wait3A_485 : memref<128x128xf32, #tpu.memory_space<vmem>>)
      %dma_start3A_492 = arith.constant 0 : i32
      %dma_start3A_493 = arith.constant 0 : i32
      %dma_start3A_494 = arith.constant 1 : i32
      %dma_start3A_495 = arith.constant 0 : i32
      %dma_start3A_496 = arith.constant 0 : i32
      %dma_start3A_497 = tpu.memref_slice %arg6[%dma_start3A_492, %dma_start3A_495, %dma_start3A_496] : memref<2x128x128xf32, #tpu.memory_space<vmem>> -> memref<1x128x128xf32, #tpu.memory_space<vmem>>
      %dma_start3A_498 = tpu.memref_squeeze %dma_start3A_497 : memref<1x128x128xf32, #tpu.memory_space<vmem>> -> memref<128x128xf32, #tpu.memory_space<vmem>>
      %dma_start3A_499 = arith.constant 0 : i32
      %dma_start3A_500 = tpu.memref_slice %arg5[%select_n3A_375, %dma_start3A_493, %dma_start3A_494, %dma_start3A_499] : memref<2x2x2x128xi32, #tpu.memory_space<vmem>> -> memref<1x1x1x128xi32, #tpu.memory_space<vmem>>
      %dma_start3A_501 = tpu.memref_squeeze %dma_start3A_500 : memref<1x1x1x128xi32, #tpu.memory_space<vmem>> -> memref<128xi32, #tpu.memory_space<vmem>>
      %dma_start3A_502 = arith.constant 0 : i32
      %dma_start3A_503 = arith.constant 0 : i32
      %dma_start3A_504 = tpu.memref_slice %arg8[%dma_start3A_502, %dma_start3A_503] : memref<10240x128xf32, #tpu.memory_space<vmem_shared>> -> memref<10240x128xf32, #tpu.memory_space<vmem_shared>>
      tpu.enqueue_indirect_dma source(%dma_start3A_498 : memref<128x128xf32, #tpu.memory_space<vmem>>) target(%dma_start3A_504 : memref<10240x128xf32, #tpu.memory_space<vmem_shared>>) offsets(%dma_start3A_501 : memref<128xi32, #tpu.memory_space<vmem>>) semaphore(%arg12 : memref<!tpu.dma_semaphore, #tpu.memory_space<semaphore_mem>>) {add = true}
      %dma_start3A_505 = arith.constant 1 : i32
      %dma_start3A_506 = arith.constant 1 : i32
      %dma_start3A_507 = arith.constant 1 : i32
      %dma_start3A_508 = arith.constant 0 : i32
      %dma_start3A_509 = arith.constant 0 : i32
      %dma_start3A_510 = tpu.memref_slice %arg6[%dma_start3A_505, %dma_start3A_508, %dma_start3A_509] : memref<2x128x128xf32, #tpu.memory_space<vmem>> -> memref<1x128x128xf32, #tpu.memory_space<vmem>>
      %dma_start3A_511 = tpu.memref_squeeze %dma_start3A_510 : memref<1x128x128xf32, #tpu.memory_space<vmem>> -> memref<128x128xf32, #tpu.memory_space<vmem>>
      %dma_start3A_512 = arith.constant 0 : i32
      %dma_start3A_513 = tpu.memref_slice %arg5[%select_n3A_375, %dma_start3A_506, %dma_start3A_507, %dma_start3A_512] : memref<2x2x2x128xi32, #tpu.memory_space<vmem>> -> memref<1x1x1x128xi32, #tpu.memory_space<vmem>>
      %dma_start3A_514 = tpu.memref_squeeze %dma_start3A_513 : memref<1x1x1x128xi32, #tpu.memory_space<vmem>> -> memref<128xi32, #tpu.memory_space<vmem>>
      %dma_start3A_515 = arith.constant 0 : i32
      %dma_start3A_516 = arith.constant 0 : i32
      %dma_start3A_517 = tpu.memref_slice %arg8[%dma_start3A_515, %dma_start3A_516] : memref<10240x128xf32, #tpu.memory_space<vmem_shared>> -> memref<10240x128xf32, #tpu.memory_space<vmem_shared>>
      tpu.enqueue_indirect_dma source(%dma_start3A_511 : memref<128x128xf32, #tpu.memory_space<vmem>>) target(%dma_start3A_517 : memref<10240x128xf32, #tpu.memory_space<vmem_shared>>) offsets(%dma_start3A_514 : memref<128xi32, #tpu.memory_space<vmem>>) semaphore(%arg12 : memref<!tpu.dma_semaphore, #tpu.memory_space<semaphore_mem>>) {add = true}
      %dma_wait3A_518 = arith.constant 0 : i32
      %dma_wait3A_519 = arith.constant 0 : i32
      %dma_wait3A_520 = arith.constant 1 : i32
      %dma_wait3A_521 = arith.constant 0 : i32
      %dma_wait3A_522 = arith.constant 0 : i32
      %dma_wait3A_523 = tpu.memref_slice %arg6[%dma_wait3A_518, %dma_wait3A_521, %dma_wait3A_522] : memref<2x128x128xf32, #tpu.memory_space<vmem>> -> memref<1x128x128xf32, #tpu.memory_space<vmem>>
      %dma_wait3A_524 = tpu.memref_squeeze %dma_wait3A_523 : memref<1x128x128xf32, #tpu.memory_space<vmem>> -> memref<128x128xf32, #tpu.memory_space<vmem>>
      %dma_wait3A_525 = arith.constant 0 : i32
      %dma_wait3A_526 = tpu.memref_slice %arg5[%select_n3A_375, %dma_wait3A_519, %dma_wait3A_520, %dma_wait3A_525] : memref<2x2x2x128xi32, #tpu.memory_space<vmem>> -> memref<1x1x1x128xi32, #tpu.memory_space<vmem>>
      %dma_wait3A_527 = tpu.memref_squeeze %dma_wait3A_526 : memref<1x1x1x128xi32, #tpu.memory_space<vmem>> -> memref<128xi32, #tpu.memory_space<vmem>>
      %dma_wait3A_528 = arith.constant 0 : i32
      %dma_wait3A_529 = arith.constant 0 : i32
      %dma_wait3A_530 = tpu.memref_slice %arg8[%dma_wait3A_528, %dma_wait3A_529] : memref<10240x128xf32, #tpu.memory_space<vmem_shared>> -> memref<10240x128xf32, #tpu.memory_space<vmem_shared>>
      tpu.wait_indirect_dma semaphore(%arg12 : memref<!tpu.dma_semaphore, #tpu.memory_space<semaphore_mem>>) src(%dma_wait3A_524 : memref<128x128xf32, #tpu.memory_space<vmem>>) dst(%dma_wait3A_530 : memref<10240x128xf32, #tpu.memory_space<vmem_shared>>)
      %dma_wait3A_531 = arith.constant 1 : i32
      %dma_wait3A_532 = arith.constant 1 : i32
      %dma_wait3A_533 = arith.constant 1 : i32
      %dma_wait3A_534 = arith.constant 0 : i32
      %dma_wait3A_535 = arith.constant 0 : i32
      %dma_wait3A_536 = tpu.memref_slice %arg6[%dma_wait3A_531, %dma_wait3A_534, %dma_wait3A_535] : memref<2x128x128xf32, #tpu.memory_space<vmem>> -> memref<1x128x128xf32, #tpu.memory_space<vmem>>
      %dma_wait3A_537 = tpu.memref_squeeze %dma_wait3A_536 : memref<1x128x128xf32, #tpu.memory_space<vmem>> -> memref<128x128xf32, #tpu.memory_space<vmem>>
      %dma_wait3A_538 = arith.constant 0 : i32
      %dma_wait3A_539 = tpu.memref_slice %arg5[%select_n3A_375, %dma_wait3A_532, %dma_wait3A_533, %dma_wait3A_538] : memref<2x2x2x128xi32, #tpu.memory_space<vmem>> -> memref<1x1x1x128xi32, #tpu.memory_space<vmem>>
      %dma_wait3A_540 = tpu.memref_squeeze %dma_wait3A_539 : memref<1x1x1x128xi32, #tpu.memory_space<vmem>> -> memref<128xi32, #tpu.memory_space<vmem>>
      %dma_wait3A_541 = arith.constant 0 : i32
      %dma_wait3A_542 = arith.constant 0 : i32
      %dma_wait3A_543 = tpu.memref_slice %arg8[%dma_wait3A_541, %dma_wait3A_542] : memref<10240x128xf32, #tpu.memory_space<vmem_shared>> -> memref<10240x128xf32, #tpu.memory_space<vmem_shared>>
      tpu.wait_indirect_dma semaphore(%arg12 : memref<!tpu.dma_semaphore, #tpu.memory_space<semaphore_mem>>) src(%dma_wait3A_537 : memref<128x128xf32, #tpu.memory_space<vmem>>) dst(%dma_wait3A_543 : memref<10240x128xf32, #tpu.memory_space<vmem_shared>>)
    }
    %while3A_253 = arith.constant 1 : i32
    scf.for %while3A_359 = %while3A_251 to %while3A_247 step %while3A_253  : i32 {
      %jit3A_360 = arith.constant 2 : i32
      %eq3A_361 = arith.constant 0 : i32
      %eq3A_362 = arith.cmpi eq, %jit3A_360, %eq3A_361 : i32
      %jit3A_363 = arith.constant 1 : i32
      %select_n3A_364 = arith.select %eq3A_362, %jit3A_363, %jit3A_360 : i32
      %rem3A_365 = arith.remsi %while3A_359, %select_n3A_364 : i32
      %ne3A_366 = arith.constant 0 : i32
      %ne3A_367 = arith.cmpi ne, %rem3A_365, %ne3A_366 : i32
      %lt3A_368 = arith.constant 0 : i32
      %lt3A_369 = arith.cmpi slt, %rem3A_365, %lt3A_368 : i32
      %lt3A_370 = arith.constant 0 : i32
      %lt3A_371 = arith.cmpi slt, %select_n3A_364, %lt3A_370 : i32
      %ne3A_372 = arith.xori %lt3A_369, %lt3A_371 : i1
      %and3A_373 = arith.andi %ne3A_372, %ne3A_367 : i1
      %add3A_374 = arith.addi %rem3A_365, %select_n3A_364 : i32
      %select_n3A_375 = arith.select %and3A_373, %add3A_374, %rem3A_365 : i32
      %add3A_376 = arith.addi %select_n3A_8, %while3A_359 : i32
      %dma_wait3A_377 = arith.constant 0 : i32
      %dma_wait3A_378 = arith.constant 0 : i32
      %dma_wait3A_379 = arith.constant 0 : i32
      %dma_wait3A_380 = tpu.memref_slice %arg5[%select_n3A_375, %dma_wait3A_377, %dma_wait3A_378, %dma_wait3A_379] : memref<2x2x2x128xi32, #tpu.memory_space<vmem>> -> memref<1x2x2x128xi32, #tpu.memory_space<vmem>>
      %dma_wait3A_381 = tpu.memref_squeeze %dma_wait3A_380 : memref<1x2x2x128xi32, #tpu.memory_space<vmem>> -> memref<2x2x128xi32, #tpu.memory_space<vmem>>
      %dma_wait3A_382 = arith.constant 0 : i32
      %dma_wait3A_383 = arith.constant 0 : i32
      %dma_wait3A_384 = arith.constant 0 : i32
      %dma_wait3A_385 = tpu.memref_slice %arg3[%add3A_376, %dma_wait3A_382, %dma_wait3A_383, %dma_wait3A_384] : memref<1280x2x2x128xi32, #tpu.memory_space<hbm>> -> memref<1x2x2x128xi32, #tpu.memory_space<hbm>>
      %dma_wait3A_386 = tpu.memref_squeeze %dma_wait3A_385 : memref<1x2x2x128xi32, #tpu.memory_space<hbm>> -> memref<2x2x128xi32, #tpu.memory_space<hbm>>
      %dma_wait3A_387 = arith.constant 0 : i32
      %dma_wait3A_388 = arith.constant 0 : i32
      %dma_wait3A_389 = arith.constant 0 : i32
      %dma_wait3A_390 = tpu.memref_slice %arg5[%select_n3A_375, %dma_wait3A_387, %dma_wait3A_388, %dma_wait3A_389] : memref<2x2x2x128xi32, #tpu.memory_space<vmem>> -> memref<1x2x2x128xi32, #tpu.memory_space<vmem>>
      %dma_wait3A_391 = tpu.memref_squeeze %dma_wait3A_390 : memref<1x2x2x128xi32, #tpu.memory_space<vmem>> -> memref<2x2x128xi32, #tpu.memory_space<vmem>>
      %dma_wait3A_392 = arith.constant 0 : i32
      %dma_wait3A_393 = arith.constant 0 : i32
      %dma_wait3A_394 = arith.constant 0 : i32
      %dma_wait3A_395 = tpu.memref_slice %arg3[%add3A_376, %dma_wait3A_392, %dma_wait3A_393, %dma_wait3A_394] : memref<1280x2x2x128xi32, #tpu.memory_space<hbm>> -> memref<1x2x2x128xi32, #tpu.memory_space<hbm>>
      %dma_wait3A_396 = tpu.memref_squeeze %dma_wait3A_395 : memref<1x2x2x128xi32, #tpu.memory_space<hbm>> -> memref<2x2x128xi32, #tpu.memory_space<hbm>>
      tpu.wait_dma2 semaphore(%arg10 : memref<!tpu.dma_semaphore, #tpu.memory_space<semaphore_mem>>) src(%dma_wait3A_396 : memref<2x2x128xi32, #tpu.memory_space<hbm>>) dst(%dma_wait3A_391 : memref<2x2x128xi32, #tpu.memory_space<vmem>>)
      %add3A_397 = arith.constant 1 : i32
      %add3A_398 = arith.addi %while3A_359, %add3A_397 : i32
      %sub3A_399 = arith.constant 1 : i32
      %sub3A_400 = arith.subi %select_n3A, %sub3A_399 : i32
      %min3A = arith.minsi %add3A_398, %sub3A_400 : i32
      %add3A_401 = arith.addi %select_n3A_8, %min3A : i32
      %add3A_402 = arith.constant 1 : i32
      %add3A_403 = arith.addi %while3A_359, %add3A_402 : i32
      %jit3A_404 = arith.constant 2 : i32
      %eq3A_405 = arith.constant 0 : i32
      %eq3A_406 = arith.cmpi eq, %jit3A_404, %eq3A_405 : i32
      %jit3A_407 = arith.constant 1 : i32
      %select_n3A_408 = arith.select %eq3A_406, %jit3A_407, %jit3A_404 : i32
      %rem3A_409 = arith.remsi %add3A_403, %select_n3A_408 : i32
      %ne3A_410 = arith.constant 0 : i32
      %ne3A_411 = arith.cmpi ne, %rem3A_409, %ne3A_410 : i32
      %lt3A_412 = arith.constant 0 : i32
      %lt3A_413 = arith.cmpi slt, %rem3A_409, %lt3A_412 : i32
      %lt3A_414 = arith.constant 0 : i32
      %lt3A_415 = arith.cmpi slt, %select_n3A_408, %lt3A_414 : i32
      %ne3A_416 = arith.xori %lt3A_413, %lt3A_415 : i1
      %and3A_417 = arith.andi %ne3A_416, %ne3A_411 : i1
      %add3A_418 = arith.addi %rem3A_409, %select_n3A_408 : i32
      %select_n3A_419 = arith.select %and3A_417, %add3A_418, %rem3A_409 : i32
      %dma_start3A_420 = arith.constant 0 : i32
      %dma_start3A_421 = arith.constant 0 : i32
      %dma_start3A_422 = arith.constant 0 : i32
      %dma_start3A_423 = tpu.memref_slice %arg5[%select_n3A_419, %dma_start3A_420, %dma_start3A_421, %dma_start3A_422] : memref<2x2x2x128xi32, #tpu.memory_space<vmem>> -> memref<1x2x2x128xi32, #tpu.memory_space<vmem>>
      %dma_start3A_424 = tpu.memref_squeeze %dma_start3A_423 : memref<1x2x2x128xi32, #tpu.memory_space<vmem>> -> memref<2x2x128xi32, #tpu.memory_space<vmem>>
      %dma_start3A_425 = arith.constant 0 : i32
      %dma_start3A_426 = arith.constant 0 : i32
      %dma_start3A_427 = arith.constant 0 : i32
      %dma_start3A_428 = tpu.memref_slice %arg3[%add3A_401, %dma_start3A_425, %dma_start3A_426, %dma_start3A_427] : memref<1280x2x2x128xi32, #tpu.memory_space<hbm>> -> memref<1x2x2x128xi32, #tpu.memory_space<hbm>>
      %dma_start3A_429 = tpu.memref_squeeze %dma_start3A_428 : memref<1x2x2x128xi32, #tpu.memory_space<hbm>> -> memref<2x2x128xi32, #tpu.memory_space<hbm>>
      %dma_start3A_430 = arith.constant 0 : i32
      %dma_start3A_431 = arith.constant 0 : i32
      %dma_start3A_432 = arith.constant 0 : i32
      %dma_start3A_433 = tpu.memref_slice %arg5[%select_n3A_419, %dma_start3A_430, %dma_start3A_431, %dma_start3A_432] : memref<2x2x2x128xi32, #tpu.memory_space<vmem>> -> memref<1x2x2x128xi32, #tpu.memory_space<vmem>>
      %dma_start3A_434 = tpu.memref_squeeze %dma_start3A_433 : memref<1x2x2x128xi32, #tpu.memory_space<vmem>> -> memref<2x2x128xi32, #tpu.memory_space<vmem>>
      %dma_start3A_435 = arith.constant 0 : i32
      %dma_start3A_436 = arith.constant 0 : i32
      %dma_start3A_437 = arith.constant 0 : i32
      %dma_start3A_438 = tpu.memref_slice %arg3[%add3A_401, %dma_start3A_435, %dma_start3A_436, %dma_start3A_437] : memref<1280x2x2x128xi32, #tpu.memory_space<hbm>> -> memref<1x2x2x128xi32, #tpu.memory_space<hbm>>
      %dma_start3A_439 = tpu.memref_squeeze %dma_start3A_438 : memref<1x2x2x128xi32, #tpu.memory_space<hbm>> -> memref<2x2x128xi32, #tpu.memory_space<hbm>>
      tpu.enqueue_dma source(%dma_start3A_439 : memref<2x2x128xi32, #tpu.memory_space<hbm>>) target(%dma_start3A_434 : memref<2x2x128xi32, #tpu.memory_space<vmem>>) target_semaphore(%arg10 : memref<!tpu.dma_semaphore, #tpu.memory_space<semaphore_mem>>)
      %dma_start3A_440 = arith.constant 0 : i32
      %dma_start3A_441 = arith.constant 0 : i32
      %dma_start3A_442 = arith.constant 0 : i32
      %dma_start3A_443 = arith.constant 0 : i32
      %dma_start3A_444 = arith.constant 0 : i32
      %dma_start3A_445 = tpu.memref_slice %arg6[%dma_start3A_442, %dma_start3A_443, %dma_start3A_444] : memref<2x128x128xf32, #tpu.memory_space<vmem>> -> memref<1x128x128xf32, #tpu.memory_space<vmem>>
      %dma_start3A_446 = tpu.memref_squeeze %dma_start3A_445 : memref<1x128x128xf32, #tpu.memory_space<vmem>> -> memref<128x128xf32, #tpu.memory_space<vmem>>
      %dma_start3A_447 = arith.constant 0 : i32
      %dma_start3A_448 = tpu.memref_slice %arg5[%select_n3A_375, %dma_start3A_440, %dma_start3A_441, %dma_start3A_447] : memref<2x2x2x128xi32, #tpu.memory_space<vmem>> -> memref<1x1x1x128xi32, #tpu.memory_space<vmem>>
      %dma_start3A_449 = tpu.memref_squeeze %dma_start3A_448 : memref<1x1x1x128xi32, #tpu.memory_space<vmem>> -> memref<128xi32, #tpu.memory_space<vmem>>
      %dma_start3A_450 = arith.constant 0 : i32
      %dma_start3A_451 = arith.constant 0 : i32
      %dma_start3A_452 = tpu.memref_slice %arg2[%dma_start3A_450, %dma_start3A_451] : memref<10000x128xf32, #tpu.memory_space<hbm>> -> memref<10000x128xf32, #tpu.memory_space<hbm>>
      tpu.enqueue_indirect_dma source(%dma_start3A_452 : memref<10000x128xf32, #tpu.memory_space<hbm>>) target(%dma_start3A_446 : memref<128x128xf32, #tpu.memory_space<vmem>>) offsets(%dma_start3A_449 : memref<128xi32, #tpu.memory_space<vmem>>) semaphore(%arg11 : memref<!tpu.dma_semaphore, #tpu.memory_space<semaphore_mem>>)
      %dma_start3A_453 = arith.constant 1 : i32
      %dma_start3A_454 = arith.constant 0 : i32
      %dma_start3A_455 = arith.constant 1 : i32
      %dma_start3A_456 = arith.constant 0 : i32
      %dma_start3A_457 = arith.constant 0 : i32
      %dma_start3A_458 = tpu.memref_slice %arg6[%dma_start3A_455, %dma_start3A_456, %dma_start3A_457] : memref<2x128x128xf32, #tpu.memory_space<vmem>> -> memref<1x128x128xf32, #tpu.memory_space<vmem>>
      %dma_start3A_459 = tpu.memref_squeeze %dma_start3A_458 : memref<1x128x128xf32, #tpu.memory_space<vmem>> -> memref<128x128xf32, #tpu.memory_space<vmem>>
      %dma_start3A_460 = arith.constant 0 : i32
      %dma_start3A_461 = tpu.memref_slice %arg5[%select_n3A_375, %dma_start3A_453, %dma_start3A_454, %dma_start3A_460] : memref<2x2x2x128xi32, #tpu.memory_space<vmem>> -> memref<1x1x1x128xi32, #tpu.memory_space<vmem>>
      %dma_start3A_462 = tpu.memref_squeeze %dma_start3A_461 : memref<1x1x1x128xi32, #tpu.memory_space<vmem>> -> memref<128xi32, #tpu.memory_space<vmem>>
      %dma_start3A_463 = arith.constant 0 : i32
      %dma_start3A_464 = arith.constant 0 : i32
      %dma_start3A_465 = tpu.memref_slice %arg2[%dma_start3A_463, %dma_start3A_464] : memref<10000x128xf32, #tpu.memory_space<hbm>> -> memref<10000x128xf32, #tpu.memory_space<hbm>>
      tpu.enqueue_indirect_dma source(%dma_start3A_465 : memref<10000x128xf32, #tpu.memory_space<hbm>>) target(%dma_start3A_459 : memref<128x128xf32, #tpu.memory_space<vmem>>) offsets(%dma_start3A_462 : memref<128xi32, #tpu.memory_space<vmem>>) semaphore(%arg11 : memref<!tpu.dma_semaphore, #tpu.memory_space<semaphore_mem>>)
      %dma_wait3A_466 = arith.constant 0 : i32
      %dma_wait3A_467 = arith.constant 0 : i32
      %dma_wait3A_468 = arith.constant 0 : i32
      %dma_wait3A_469 = arith.constant 0 : i32
      %dma_wait3A_470 = arith.constant 0 : i32
      %dma_wait3A_471 = tpu.memref_slice %arg6[%dma_wait3A_468, %dma_wait3A_469, %dma_wait3A_470] : memref<2x128x128xf32, #tpu.memory_space<vmem>> -> memref<1x128x128xf32, #tpu.memory_space<vmem>>
      %dma_wait3A_472 = tpu.memref_squeeze %dma_wait3A_471 : memref<1x128x128xf32, #tpu.memory_space<vmem>> -> memref<128x128xf32, #tpu.memory_space<vmem>>
      %dma_wait3A_473 = arith.constant 0 : i32
      %dma_wait3A_474 = tpu.memref_slice %arg5[%select_n3A_375, %dma_wait3A_466, %dma_wait3A_467, %dma_wait3A_473] : memref<2x2x2x128xi32, #tpu.memory_space<vmem>> -> memref<1x1x1x128xi32, #tpu.memory_space<vmem>>
      %dma_wait3A_475 = tpu.memref_squeeze %dma_wait3A_474 : memref<1x1x1x128xi32, #tpu.memory_space<vmem>> -> memref<128xi32, #tpu.memory_space<vmem>>
      %dma_wait3A_476 = arith.constant 0 : i32
      %dma_wait3A_477 = arith.constant 0 : i32
      %dma_wait3A_478 = tpu.memref_slice %arg2[%dma_wait3A_476, %dma_wait3A_477] : memref<10000x128xf32, #tpu.memory_space<hbm>> -> memref<10000x128xf32, #tpu.memory_space<hbm>>
      tpu.wait_indirect_dma semaphore(%arg11 : memref<!tpu.dma_semaphore, #tpu.memory_space<semaphore_mem>>) src(%dma_wait3A_478 : memref<10000x128xf32, #tpu.memory_space<hbm>>) dst(%dma_wait3A_472 : memref<128x128xf32, #tpu.memory_space<vmem>>)
      %dma_wait3A_479 = arith.constant 1 : i32
      %dma_wait3A_480 = arith.constant 0 : i32
      %dma_wait3A_481 = arith.constant 1 : i32
      %dma_wait3A_482 = arith.constant 0 : i32
      %dma_wait3A_483 = arith.constant 0 : i32
      %dma_wait3A_484 = tpu.memref_slice %arg6[%dma_wait3A_481, %dma_wait3A_482, %dma_wait3A_483] : memref<2x128x128xf32, #tpu.memory_space<vmem>> -> memref<1x128x128xf32, #tpu.memory_space<vmem>>
      %dma_wait3A_485 = tpu.memref_squeeze %dma_wait3A_484 : memref<1x128x128xf32, #tpu.memory_space<vmem>> -> memref<128x128xf32, #tpu.memory_space<vmem>>
      %dma_wait3A_486 = arith.constant 0 : i32
      %dma_wait3A_487 = tpu.memref_slice %arg5[%select_n3A_375, %dma_wait3A_479, %dma_wait3A_480, %dma_wait3A_486] : memref<2x2x2x128xi32, #tpu.memory_space<vmem>> -> memref<1x1x1x128xi32, #tpu.memory_space<vmem>>
      %dma_wait3A_488 = tpu.memref_squeeze %dma_wait3A_487 : memref<1x1x1x128xi32, #tpu.memory_space<vmem>> -> memref<128xi32, #tpu.memory_space<vmem>>
      %dma_wait3A_489 = arith.constant 0 : i32
      %dma_wait3A_490 = arith.constant 0 : i32
      %dma_wait3A_491 = tpu.memref_slice %arg2[%dma_wait3A_489, %dma_wait3A_490] : memref<10000x128xf32, #tpu.memory_space<hbm>> -> memref<10000x128xf32, #tpu.memory_space<hbm>>
      tpu.wait_indirect_dma semaphore(%arg11 : memref<!tpu.dma_semaphore, #tpu.memory_space<semaphore_mem>>) src(%dma_wait3A_491 : memref<10000x128xf32, #tpu.memory_space<hbm>>) dst(%dma_wait3A_485 : memref<128x128xf32, #tpu.memory_space<vmem>>)
      %dma_start3A_492 = arith.constant 0 : i32
      %dma_start3A_493 = arith.constant 0 : i32
      %dma_start3A_494 = arith.constant 1 : i32
      %dma_start3A_495 = arith.constant 0 : i32
      %dma_start3A_496 = arith.constant 0 : i32
      %dma_start3A_497 = tpu.memref_slice %arg6[%dma_start3A_492, %dma_start3A_495, %dma_start3A_496] : memref<2x128x128xf32, #tpu.memory_space<vmem>> -> memref<1x128x128xf32, #tpu.memory_space<vmem>>
      %dma_start3A_498 = tpu.memref_squeeze %dma_start3A_497 : memref<1x128x128xf32, #tpu.memory_space<vmem>> -> memref<128x128xf32, #tpu.memory_space<vmem>>
      %dma_start3A_499 = arith.constant 0 : i32
      %dma_start3A_500 = tpu.memref_slice %arg5[%select_n3A_375, %dma_start3A_493, %dma_start3A_494, %dma_start3A_499] : memref<2x2x2x128xi32, #tpu.memory_space<vmem>> -> memref<1x1x1x128xi32, #tpu.memory_space<vmem>>
      %dma_start3A_501 = tpu.memref_squeeze %dma_start3A_500 : memref<1x1x1x128xi32, #tpu.memory_space<vmem>> -> memref<128xi32, #tpu.memory_space<vmem>>
      %dma_start3A_502 = arith.constant 0 : i32
      %dma_start3A_503 = arith.constant 0 : i32
      %dma_start3A_504 = tpu.memref_slice %arg8[%dma_start3A_502, %dma_start3A_503] : memref<10240x128xf32, #tpu.memory_space<vmem_shared>> -> memref<10240x128xf32, #tpu.memory_space<vmem_shared>>
      tpu.enqueue_indirect_dma source(%dma_start3A_498 : memref<128x128xf32, #tpu.memory_space<vmem>>) target(%dma_start3A_504 : memref<10240x128xf32, #tpu.memory_space<vmem_shared>>) offsets(%dma_start3A_501 : memref<128xi32, #tpu.memory_space<vmem>>) semaphore(%arg12 : memref<!tpu.dma_semaphore, #tpu.memory_space<semaphore_mem>>) {add = true}
      %dma_start3A_505 = arith.constant 1 : i32
      %dma_start3A_506 = arith.constant 1 : i32
      %dma_start3A_507 = arith.constant 1 : i32
      %dma_start3A_508 = arith.constant 0 : i32
      %dma_start3A_509 = arith.constant 0 : i32
      %dma_start3A_510 = tpu.memref_slice %arg6[%dma_start3A_505, %dma_start3A_508, %dma_start3A_509] : memref<2x128x128xf32, #tpu.memory_space<vmem>> -> memref<1x128x128xf32, #tpu.memory_space<vmem>>
      %dma_start3A_511 = tpu.memref_squeeze %dma_start3A_510 : memref<1x128x128xf32, #tpu.memory_space<vmem>> -> memref<128x128xf32, #tpu.memory_space<vmem>>
      %dma_start3A_512 = arith.constant 0 : i32
      %dma_start3A_513 = tpu.memref_slice %arg5[%select_n3A_375, %dma_start3A_506, %dma_start3A_507, %dma_start3A_512] : memref<2x2x2x128xi32, #tpu.memory_space<vmem>> -> memref<1x1x1x128xi32, #tpu.memory_space<vmem>>
      %dma_start3A_514 = tpu.memref_squeeze %dma_start3A_513 : memref<1x1x1x128xi32, #tpu.memory_space<vmem>> -> memref<128xi32, #tpu.memory_space<vmem>>
      %dma_start3A_515 = arith.constant 0 : i32
      %dma_start3A_516 = arith.constant 0 : i32
      %dma_start3A_517 = tpu.memref_slice %arg8[%dma_start3A_515, %dma_start3A_516] : memref<10240x128xf32, #tpu.memory_space<vmem_shared>> -> memref<10240x128xf32, #tpu.memory_space<vmem_shared>>
      tpu.enqueue_indirect_dma source(%dma_start3A_511 : memref<128x128xf32, #tpu.memory_space<vmem>>) target(%dma_start3A_517 : memref<10240x128xf32, #tpu.memory_space<vmem_shared>>) offsets(%dma_start3A_514 : memref<128xi32, #tpu.memory_space<vmem>>) semaphore(%arg12 : memref<!tpu.dma_semaphore, #tpu.memory_space<semaphore_mem>>) {add = true}
      %dma_wait3A_518 = arith.constant 0 : i32
      %dma_wait3A_519 = arith.constant 0 : i32
      %dma_wait3A_520 = arith.constant 1 : i32
      %dma_wait3A_521 = arith.constant 0 : i32
      %dma_wait3A_522 = arith.constant 0 : i32
      %dma_wait3A_523 = tpu.memref_slice %arg6[%dma_wait3A_518, %dma_wait3A_521, %dma_wait3A_522] : memref<2x128x128xf32, #tpu.memory_space<vmem>> -> memref<1x128x128xf32, #tpu.memory_space<vmem>>
      %dma_wait3A_524 = tpu.memref_squeeze %dma_wait3A_523 : memref<1x128x128xf32, #tpu.memory_space<vmem>> -> memref<128x128xf32, #tpu.memory_space<vmem>>
      %dma_wait3A_525 = arith.constant 0 : i32
      %dma_wait3A_526 = tpu.memref_slice %arg5[%select_n3A_375, %dma_wait3A_519, %dma_wait3A_520, %dma_wait3A_525] : memref<2x2x2x128xi32, #tpu.memory_space<vmem>> -> memref<1x1x1x128xi32, #tpu.memory_space<vmem>>
      %dma_wait3A_527 = tpu.memref_squeeze %dma_wait3A_526 : memref<1x1x1x128xi32, #tpu.memory_space<vmem>> -> memref<128xi32, #tpu.memory_space<vmem>>
      %dma_wait3A_528 = arith.constant 0 : i32
      %dma_wait3A_529 = arith.constant 0 : i32
      %dma_wait3A_530 = tpu.memref_slice %arg8[%dma_wait3A_528, %dma_wait3A_529] : memref<10240x128xf32, #tpu.memory_space<vmem_shared>> -> memref<10240x128xf32, #tpu.memory_space<vmem_shared>>
      tpu.wait_indirect_dma semaphore(%arg12 : memref<!tpu.dma_semaphore, #tpu.memory_space<semaphore_mem>>) src(%dma_wait3A_524 : memref<128x128xf32, #tpu.memory_space<vmem>>) dst(%dma_wait3A_530 : memref<10240x128xf32, #tpu.memory_space<vmem_shared>>)
      %dma_wait3A_531 = arith.constant 1 : i32
      %dma_wait3A_532 = arith.constant 1 : i32
      %dma_wait3A_533 = arith.constant 1 : i32
      %dma_wait3A_534 = arith.constant 0 : i32
      %dma_wait3A_535 = arith.constant 0 : i32
      %dma_wait3A_536 = tpu.memref_slice %arg6[%dma_wait3A_531, %dma_wait3A_534, %dma_wait3A_535] : memref<2x128x128xf32, #tpu.memory_space<vmem>> -> memref<1x128x128xf32, #tpu.memory_space<vmem>>
      %dma_wait3A_537 = tpu.memref_squeeze %dma_wait3A_536 : memref<1x128x128xf32, #tpu.memory_space<vmem>> -> memref<128x128xf32, #tpu.memory_space<vmem>>
      %dma_wait3A_538 = arith.constant 0 : i32
      %dma_wait3A_539 = tpu.memref_slice %arg5[%select_n3A_375, %dma_wait3A_532, %dma_wait3A_533, %dma_wait3A_538] : memref<2x2x2x128xi32, #tpu.memory_space<vmem>> -> memref<1x1x1x128xi32, #tpu.memory_space<vmem>>
      %dma_wait3A_540 = tpu.memref_squeeze %dma_wait3A_539 : memref<1x1x1x128xi32, #tpu.memory_space<vmem>> -> memref<128xi32, #tpu.memory_space<vmem>>
      %dma_wait3A_541 = arith.constant 0 : i32
      %dma_wait3A_542 = arith.constant 0 : i32
      %dma_wait3A_543 = tpu.memref_slice %arg8[%dma_wait3A_541, %dma_wait3A_542] : memref<10240x128xf32, #tpu.memory_space<vmem_shared>> -> memref<10240x128xf32, #tpu.memory_space<vmem_shared>>
      tpu.wait_indirect_dma semaphore(%arg12 : memref<!tpu.dma_semaphore, #tpu.memory_space<semaphore_mem>>) src(%dma_wait3A_537 : memref<128x128xf32, #tpu.memory_space<vmem>>) dst(%dma_wait3A_543 : memref<10240x128xf32, #tpu.memory_space<vmem_shared>>)
    }
    %add3A_254 = arith.addi %select_n3A_8, %select_n3A : i32
    %sub3A = arith.constant 1 : i32
    %sub3A_255 = arith.subi %add3A_254, %sub3A : i32
    %jit3A_256 = arith.constant 2 : i32
    %eq3A_257 = arith.constant 0 : i32
    %eq3A_258 = arith.cmpi eq, %jit3A_256, %eq3A_257 : i32
    %jit3A_259 = arith.constant 1 : i32
    %select_n3A_260 = arith.select %eq3A_258, %jit3A_259, %jit3A_256 : i32
    %rem3A = arith.remsi %select_n3A, %select_n3A_260 : i32
    %ne3A = arith.constant 0 : i32
    %ne3A_261 = arith.cmpi ne, %rem3A, %ne3A : i32
    %lt3A = arith.constant 0 : i32
    %lt3A_262 = arith.cmpi slt, %rem3A, %lt3A : i32
    %lt3A_263 = arith.constant 0 : i32
    %lt3A_264 = arith.cmpi slt, %select_n3A_260, %lt3A_263 : i32
    %ne3A_265 = arith.xori %lt3A_262, %lt3A_264 : i1
    %and3A = arith.andi %ne3A_265, %ne3A_261 : i1
    %add3A_266 = arith.addi %rem3A, %select_n3A_260 : i32
    %select_n3A_267 = arith.select %and3A, %add3A_266, %rem3A : i32
    %dma_wait3A_268 = arith.constant 0 : i32
    %dma_wait3A_269 = arith.constant 0 : i32
    %dma_wait3A_270 = arith.constant 0 : i32
    %dma_wait3A_271 = tpu.memref_slice %arg5[%select_n3A_267, %dma_wait3A_268, %dma_wait3A_269, %dma_wait3A_270] : memref<2x2x2x128xi32, #tpu.memory_space<vmem>> -> memref<1x2x2x128xi32, #tpu.memory_space<vmem>>
    %dma_wait3A_272 = tpu.memref_squeeze %dma_wait3A_271 : memref<1x2x2x128xi32, #tpu.memory_space<vmem>> -> memref<2x2x128xi32, #tpu.memory_space<vmem>>
    %dma_wait3A_273 = arith.constant 0 : i32
    %dma_wait3A_274 = arith.constant 0 : i32
    %dma_wait3A_275 = arith.constant 0 : i32
    %dma_wait3A_276 = tpu.memref_slice %arg3[%sub3A_255, %dma_wait3A_273, %dma_wait3A_274, %dma_wait3A_275] : memref<1280x2x2x128xi32, #tpu.memory_space<hbm>> -> memref<1x2x2x128xi32, #tpu.memory_space<hbm>>
    %dma_wait3A_277 = tpu.memref_squeeze %dma_wait3A_276 : memref<1x2x2x128xi32, #tpu.memory_space<hbm>> -> memref<2x2x128xi32, #tpu.memory_space<hbm>>
    %dma_wait3A_278 = arith.constant 0 : i32
    %dma_wait3A_279 = arith.constant 0 : i32
    %dma_wait3A_280 = arith.constant 0 : i32
    %dma_wait3A_281 = tpu.memref_slice %arg5[%select_n3A_267, %dma_wait3A_278, %dma_wait3A_279, %dma_wait3A_280] : memref<2x2x2x128xi32, #tpu.memory_space<vmem>> -> memref<1x2x2x128xi32, #tpu.memory_space<vmem>>
    %dma_wait3A_282 = tpu.memref_squeeze %dma_wait3A_281 : memref<1x2x2x128xi32, #tpu.memory_space<vmem>> -> memref<2x2x128xi32, #tpu.memory_space<vmem>>
    %dma_wait3A_283 = arith.constant 0 : i32
    %dma_wait3A_284 = arith.constant 0 : i32
    %dma_wait3A_285 = arith.constant 0 : i32
    %dma_wait3A_286 = tpu.memref_slice %arg3[%sub3A_255, %dma_wait3A_283, %dma_wait3A_284, %dma_wait3A_285] : memref<1280x2x2x128xi32, #tpu.memory_space<hbm>> -> memref<1x2x2x128xi32, #tpu.memory_space<hbm>>
    %dma_wait3A_287 = tpu.memref_squeeze %dma_wait3A_286 : memref<1x2x2x128xi32, #tpu.memory_space<hbm>> -> memref<2x2x128xi32, #tpu.memory_space<hbm>>
    tpu.wait_dma2 semaphore(%arg10 : memref<!tpu.dma_semaphore, #tpu.memory_space<semaphore_mem>>) src(%dma_wait3A_287 : memref<2x2x128xi32, #tpu.memory_space<hbm>>) dst(%dma_wait3A_282 : memref<2x2x128xi32, #tpu.memory_space<vmem>>)
    %barrier3A_288 = arith.constant 0 : index
    tpu.barrier barrier_id(%barrier3A_288)
    %mul3A_289 = arith.constant 640 : i32
    %mul3A_290 = arith.muli %arg1, %mul3A_289 : i32
    %add3A_291 = arith.constant 0 : i32
    %add3A_292 = arith.addi %mul3A_290, %add3A_291 : i32
    %dma_start3A_293 = arith.constant 0 : i32
    %dma_start3A_294 = tpu.memref_slice %arg4[%arg0, %add3A_292, %dma_start3A_293] : memref<2x10240x128xf32, #tpu.memory_space<hbm>> -> memref<1x128x128xf32, #tpu.memory_space<hbm>>
    %dma_start3A_295 = tpu.memref_squeeze %dma_start3A_294 : memref<1x128x128xf32, #tpu.memory_space<hbm>> -> memref<128x128xf32, #tpu.memory_space<hbm>>
    %dma_start3A_296 = arith.constant 0 : i32
    %dma_start3A_297 = tpu.memref_slice %arg8[%add3A_292, %dma_start3A_296] : memref<10240x128xf32, #tpu.memory_space<vmem_shared>> -> memref<128x128xf32, #tpu.memory_space<vmem_shared>>
    tpu.enqueue_dma source(%dma_start3A_297 : memref<128x128xf32, #tpu.memory_space<vmem_shared>>) target(%dma_start3A_295 : memref<128x128xf32, #tpu.memory_space<hbm>>) target_semaphore(%arg10 : memref<!tpu.dma_semaphore, #tpu.memory_space<semaphore_mem>>)
    %mul3A_298 = arith.constant 640 : i32
    %mul3A_299 = arith.muli %arg1, %mul3A_298 : i32
    %add3A_300 = arith.constant 128 : i32
    %add3A_301 = arith.addi %mul3A_299, %add3A_300 : i32
    %dma_start3A_302 = arith.constant 0 : i32
    %dma_start3A_303 = tpu.memref_slice %arg4[%arg0, %add3A_301, %dma_start3A_302] : memref<2x10240x128xf32, #tpu.memory_space<hbm>> -> memref<1x128x128xf32, #tpu.memory_space<hbm>>
    %dma_start3A_304 = tpu.memref_squeeze %dma_start3A_303 : memref<1x128x128xf32, #tpu.memory_space<hbm>> -> memref<128x128xf32, #tpu.memory_space<hbm>>
    %dma_start3A_305 = arith.constant 0 : i32
    %dma_start3A_306 = tpu.memref_slice %arg8[%add3A_301, %dma_start3A_305] : memref<10240x128xf32, #tpu.memory_space<vmem_shared>> -> memref<128x128xf32, #tpu.memory_space<vmem_shared>>
    tpu.enqueue_dma source(%dma_start3A_306 : memref<128x128xf32, #tpu.memory_space<vmem_shared>>) target(%dma_start3A_304 : memref<128x128xf32, #tpu.memory_space<hbm>>) target_semaphore(%arg10 : memref<!tpu.dma_semaphore, #tpu.memory_space<semaphore_mem>>)
    %mul3A_307 = arith.constant 640 : i32
    %mul3A_308 = arith.muli %arg1, %mul3A_307 : i32
    %add3A_309 = arith.constant 256 : i32
    %add3A_310 = arith.addi %mul3A_308, %add3A_309 : i32
    %dma_start3A_311 = arith.constant 0 : i32
    %dma_start3A_312 = tpu.memref_slice %arg4[%arg0, %add3A_310, %dma_start3A_311] : memref<2x10240x128xf32, #tpu.memory_space<hbm>> -> memref<1x128x128xf32, #tpu.memory_space<hbm>>
    %dma_start3A_313 = tpu.memref_squeeze %dma_start3A_312 : memref<1x128x128xf32, #tpu.memory_space<hbm>> -> memref<128x128xf32, #tpu.memory_space<hbm>>
    %dma_start3A_314 = arith.constant 0 : i32
    %dma_start3A_315 = tpu.memref_slice %arg8[%add3A_310, %dma_start3A_314] : memref<10240x128xf32, #tpu.memory_space<vmem_shared>> -> memref<128x128xf32, #tpu.memory_space<vmem_shared>>
    tpu.enqueue_dma source(%dma_start3A_315 : memref<128x128xf32, #tpu.memory_space<vmem_shared>>) target(%dma_start3A_313 : memref<128x128xf32, #tpu.memory_space<hbm>>) target_semaphore(%arg10 : memref<!tpu.dma_semaphore, #tpu.memory_space<semaphore_mem>>)
    %mul3A_316 = arith.constant 640 : i32
    %mul3A_317 = arith.muli %arg1, %mul3A_316 : i32
    %add3A_318 = arith.constant 384 : i32
    %add3A_319 = arith.addi %mul3A_317, %add3A_318 : i32
    %dma_start3A_320 = arith.constant 0 : i32
    %dma_start3A_321 = tpu.memref_slice %arg4[%arg0, %add3A_319, %dma_start3A_320] : memref<2x10240x128xf32, #tpu.memory_space<hbm>> -> memref<1x128x128xf32, #tpu.memory_space<hbm>>
    %dma_start3A_322 = tpu.memref_squeeze %dma_start3A_321 : memref<1x128x128xf32, #tpu.memory_space<hbm>> -> memref<128x128xf32, #tpu.memory_space<hbm>>
    %dma_start3A_323 = arith.constant 0 : i32
    %dma_start3A_324 = tpu.memref_slice %arg8[%add3A_319, %dma_start3A_323] : memref<10240x128xf32, #tpu.memory_space<vmem_shared>> -> memref<128x128xf32, #tpu.memory_space<vmem_shared>>
    tpu.enqueue_dma source(%dma_start3A_324 : memref<128x128xf32, #tpu.memory_space<vmem_shared>>) target(%dma_start3A_322 : memref<128x128xf32, #tpu.memory_space<hbm>>) target_semaphore(%arg10 : memref<!tpu.dma_semaphore, #tpu.memory_space<semaphore_mem>>)
    %mul3A_325 = arith.constant 640 : i32
    %mul3A_326 = arith.muli %arg1, %mul3A_325 : i32
    %add3A_327 = arith.constant 512 : i32
    %add3A_328 = arith.addi %mul3A_326, %add3A_327 : i32
    %dma_start3A_329 = arith.constant 0 : i32
    %dma_start3A_330 = tpu.memref_slice %arg4[%arg0, %add3A_328, %dma_start3A_329] : memref<2x10240x128xf32, #tpu.memory_space<hbm>> -> memref<1x128x128xf32, #tpu.memory_space<hbm>>
    %dma_start3A_331 = tpu.memref_squeeze %dma_start3A_330 : memref<1x128x128xf32, #tpu.memory_space<hbm>> -> memref<128x128xf32, #tpu.memory_space<hbm>>
    %dma_start3A_332 = arith.constant 0 : i32
    %dma_start3A_333 = tpu.memref_slice %arg8[%add3A_328, %dma_start3A_332] : memref<10240x128xf32, #tpu.memory_space<vmem_shared>> -> memref<128x128xf32, #tpu.memory_space<vmem_shared>>
    tpu.enqueue_dma source(%dma_start3A_333 : memref<128x128xf32, #tpu.memory_space<vmem_shared>>) target(%dma_start3A_331 : memref<128x128xf32, #tpu.memory_space<hbm>>) target_semaphore(%arg10 : memref<!tpu.dma_semaphore, #tpu.memory_space<semaphore_mem>>)
    %dma_wait3A_334 = arith.constant 0 : i32
    %dma_wait3A_335 = tpu.memref_slice %arg4[%arg0, %add3A_292, %dma_wait3A_334] : memref<2x10240x128xf32, #tpu.memory_space<hbm>> -> memref<1x128x128xf32, #tpu.memory_space<hbm>>
    %dma_wait3A_336 = tpu.memref_squeeze %dma_wait3A_335 : memref<1x128x128xf32, #tpu.memory_space<hbm>> -> memref<128x128xf32, #tpu.memory_space<hbm>>
    %dma_wait3A_337 = arith.constant 0 : i32
    %dma_wait3A_338 = tpu.memref_slice %arg8[%add3A_292, %dma_wait3A_337] : memref<10240x128xf32, #tpu.memory_space<vmem_shared>> -> memref<128x128xf32, #tpu.memory_space<vmem_shared>>
    tpu.wait_dma2 semaphore(%arg10 : memref<!tpu.dma_semaphore, #tpu.memory_space<semaphore_mem>>) src(%dma_wait3A_338 : memref<128x128xf32, #tpu.memory_space<vmem_shared>>) dst(%dma_wait3A_336 : memref<128x128xf32, #tpu.memory_space<hbm>>)
    %dma_wait3A_339 = arith.constant 0 : i32
    %dma_wait3A_340 = tpu.memref_slice %arg4[%arg0, %add3A_301, %dma_wait3A_339] : memref<2x10240x128xf32, #tpu.memory_space<hbm>> -> memref<1x128x128xf32, #tpu.memory_space<hbm>>
    %dma_wait3A_341 = tpu.memref_squeeze %dma_wait3A_340 : memref<1x128x128xf32, #tpu.memory_space<hbm>> -> memref<128x128xf32, #tpu.memory_space<hbm>>
    %dma_wait3A_342 = arith.constant 0 : i32
    %dma_wait3A_343 = tpu.memref_slice %arg8[%add3A_301, %dma_wait3A_342] : memref<10240x128xf32, #tpu.memory_space<vmem_shared>> -> memref<128x128xf32, #tpu.memory_space<vmem_shared>>
    tpu.wait_dma2 semaphore(%arg10 : memref<!tpu.dma_semaphore, #tpu.memory_space<semaphore_mem>>) src(%dma_wait3A_343 : memref<128x128xf32, #tpu.memory_space<vmem_shared>>) dst(%dma_wait3A_341 : memref<128x128xf32, #tpu.memory_space<hbm>>)
    %dma_wait3A_344 = arith.constant 0 : i32
    %dma_wait3A_345 = tpu.memref_slice %arg4[%arg0, %add3A_310, %dma_wait3A_344] : memref<2x10240x128xf32, #tpu.memory_space<hbm>> -> memref<1x128x128xf32, #tpu.memory_space<hbm>>
    %dma_wait3A_346 = tpu.memref_squeeze %dma_wait3A_345 : memref<1x128x128xf32, #tpu.memory_space<hbm>> -> memref<128x128xf32, #tpu.memory_space<hbm>>
    %dma_wait3A_347 = arith.constant 0 : i32
    %dma_wait3A_348 = tpu.memref_slice %arg8[%add3A_310, %dma_wait3A_347] : memref<10240x128xf32, #tpu.memory_space<vmem_shared>> -> memref<128x128xf32, #tpu.memory_space<vmem_shared>>
    tpu.wait_dma2 semaphore(%arg10 : memref<!tpu.dma_semaphore, #tpu.memory_space<semaphore_mem>>) src(%dma_wait3A_348 : memref<128x128xf32, #tpu.memory_space<vmem_shared>>) dst(%dma_wait3A_346 : memref<128x128xf32, #tpu.memory_space<hbm>>)
    %dma_wait3A_349 = arith.constant 0 : i32
    %dma_wait3A_350 = tpu.memref_slice %arg4[%arg0, %add3A_319, %dma_wait3A_349] : memref<2x10240x128xf32, #tpu.memory_space<hbm>> -> memref<1x128x128xf32, #tpu.memory_space<hbm>>
    %dma_wait3A_351 = tpu.memref_squeeze %dma_wait3A_350 : memref<1x128x128xf32, #tpu.memory_space<hbm>> -> memref<128x128xf32, #tpu.memory_space<hbm>>
    %dma_wait3A_352 = arith.constant 0 : i32
    %dma_wait3A_353 = tpu.memref_slice %arg8[%add3A_319, %dma_wait3A_352] : memref<10240x128xf32, #tpu.memory_space<vmem_shared>> -> memref<128x128xf32, #tpu.memory_space<vmem_shared>>
    tpu.wait_dma2 semaphore(%arg10 : memref<!tpu.dma_semaphore, #tpu.memory_space<semaphore_mem>>) src(%dma_wait3A_353 : memref<128x128xf32, #tpu.memory_space<vmem_shared>>) dst(%dma_wait3A_351 : memref<128x128xf32, #tpu.memory_space<hbm>>)
    %dma_wait3A_354 = arith.constant 0 : i32
    %dma_wait3A_355 = tpu.memref_slice %arg4[%arg0, %add3A_328, %dma_wait3A_354] : memref<2x10240x128xf32, #tpu.memory_space<hbm>> -> memref<1x128x128xf32, #tpu.memory_space<hbm>>
    %dma_wait3A_356 = tpu.memref_squeeze %dma_wait3A_355 : memref<1x128x128xf32, #tpu.memory_space<hbm>> -> memref<128x128xf32, #tpu.memory_space<hbm>>
    %dma_wait3A_357 = arith.constant 0 : i32
    %dma_wait3A_358 = tpu.memref_slice %arg8[%add3A_328, %dma_wait3A_357] : memref<10240x128xf32, #tpu.memory_space<vmem_shared>> -> memref<128x128xf32, #tpu.memory_space<vmem_shared>>
    tpu.wait_dma2 semaphore(%arg10 : memref<!tpu.dma_semaphore, #tpu.memory_space<semaphore_mem>>) src(%dma_wait3A_358 : memref<128x128xf32, #tpu.memory_space<vmem_shared>>) dst(%dma_wait3A_356 : memref<128x128xf32, #tpu.memory_space<hbm>>)
    return
  }
}

#map = affine_map<(d0, d1) -> (0, 0)>
#map1 = affine_map<(d0, d1) -> (0, 0, 0, 0)>
#map2 = affine_map<(d0, d1) -> (0, 0, 0)>
module attributes {stable_mosaic.version = 14 : i64} {
  func.func @body(%arg0: i32, %arg1: i32, %arg2: memref<10000x128xf32, #tpu.memory_space<hbm>>, %arg3: memref<1280x2x2x128xi32, #tpu.memory_space<hbm>>, %arg4: memref<2x10240x128xf32, #tpu.memory_space<hbm>>, %arg5: memref<2x10240xf32, #tpu.memory_space<hbm>>, %arg6: memref<2x2x2x128xi32, #tpu.memory_space<vmem>>, %arg7: memref<2x128x128xf32, #tpu.memory_space<vmem>>, %arg8: memref<128xf32, #tpu.memory_space<vmem>>, %arg9: memref<10240x128xf32, #tpu.memory_space<vmem_shared>>, %arg10: memref<10240xf32, #tpu.memory_space<vmem_shared>>, %arg11: memref<!tpu.dma_semaphore, #tpu.memory_space<semaphore_mem>>, %arg12: memref<!tpu.dma_semaphore, #tpu.memory_space<semaphore_mem>>, %arg13: memref<!tpu.dma_semaphore, #tpu.memory_space<semaphore_mem>>) attributes {dimension_semantics = [#tpu.dimension_semantics<core_parallel>, #tpu.dimension_semantics<subcore_parallel>], iteration_bounds = array<i64: 2, 16>, scalar_prefetch = 0 : i64, scratch_operands = 8 : i64, tpu.core_type = #tpu.core_type<sc_vector_subcore>, window_params = [{transform_indices = #map}, {transform_indices = #map1}, {transform_indices = #map2}, {transform_indices = #map}]} {
    %eq3A = arith.constant 0 : i32
    %eq3A_0 = arith.cmpi eq, %arg0, %eq3A : i32
    %jit3A = arith.constant 77 : i32
    %jit3A_1 = arith.constant 3 : i32
    %select_n3A = arith.select %eq3A_0, %jit3A, %jit3A_1 : i32
    %eq3A_2 = arith.constant 0 : i32
    %eq3A_3 = arith.cmpi eq, %arg0, %eq3A_2 : i32
    %mul3A = arith.constant 77 : i32
    %mul3A_4 = arith.muli %arg1, %mul3A : i32
    %mul3A_5 = arith.constant 3 : i32
    %mul3A_6 = arith.muli %arg1, %mul3A_5 : i32
    %add3A = arith.constant 1232 : i32
    %add3A_7 = arith.addi %add3A, %mul3A_6 : i32
    %select_n3A_8 = arith.select %eq3A_3, %mul3A_4, %add3A_7 : i32
    %add3A_9 = arith.constant 0 : i32
    %add3A_10 = arith.addi %select_n3A_8, %add3A_9 : i32
    %dma_start3A = arith.constant 0 : i32
    %dma_start3A_11 = arith.constant 0 : i32
    %dma_start3A_12 = arith.constant 0 : i32
    %dma_start3A_13 = arith.constant 0 : i32
    %dma_start3A_14 = tpu.memref_slice %arg6[%dma_start3A, %dma_start3A_11, %dma_start3A_12, %dma_start3A_13] : memref<2x2x2x128xi32, #tpu.memory_space<vmem>> -> memref<1x2x2x128xi32, #tpu.memory_space<vmem>>
    %dma_start3A_15 = tpu.memref_squeeze %dma_start3A_14 : memref<1x2x2x128xi32, #tpu.memory_space<vmem>> -> memref<2x2x128xi32, #tpu.memory_space<vmem>>
    %dma_start3A_16 = arith.constant 0 : i32
    %dma_start3A_17 = arith.constant 0 : i32
    %dma_start3A_18 = arith.constant 0 : i32
    %dma_start3A_19 = tpu.memref_slice %arg3[%add3A_10, %dma_start3A_16, %dma_start3A_17, %dma_start3A_18] : memref<1280x2x2x128xi32, #tpu.memory_space<hbm>> -> memref<1x2x2x128xi32, #tpu.memory_space<hbm>>
    %dma_start3A_20 = tpu.memref_squeeze %dma_start3A_19 : memref<1x2x2x128xi32, #tpu.memory_space<hbm>> -> memref<2x2x128xi32, #tpu.memory_space<hbm>>
    %dma_start3A_21 = arith.constant 0 : i32
    %dma_start3A_22 = arith.constant 0 : i32
    %dma_start3A_23 = arith.constant 0 : i32
    %dma_start3A_24 = tpu.memref_slice %arg6[%dma_start3A, %dma_start3A_21, %dma_start3A_22, %dma_start3A_23] : memref<2x2x2x128xi32, #tpu.memory_space<vmem>> -> memref<1x2x2x128xi32, #tpu.memory_space<vmem>>
    %dma_start3A_25 = tpu.memref_squeeze %dma_start3A_24 : memref<1x2x2x128xi32, #tpu.memory_space<vmem>> -> memref<2x2x128xi32, #tpu.memory_space<vmem>>
    %dma_start3A_26 = arith.constant 0 : i32
    %dma_start3A_27 = arith.constant 0 : i32
    %dma_start3A_28 = arith.constant 0 : i32
    %dma_start3A_29 = tpu.memref_slice %arg3[%add3A_10, %dma_start3A_26, %dma_start3A_27, %dma_start3A_28] : memref<1280x2x2x128xi32, #tpu.memory_space<hbm>> -> memref<1x2x2x128xi32, #tpu.memory_space<hbm>>
    %dma_start3A_30 = tpu.memref_squeeze %dma_start3A_29 : memref<1x2x2x128xi32, #tpu.memory_space<hbm>> -> memref<2x2x128xi32, #tpu.memory_space<hbm>>
    tpu.enqueue_dma source(%dma_start3A_30 : memref<2x2x128xi32, #tpu.memory_space<hbm>>) target(%dma_start3A_25 : memref<2x2x128xi32, #tpu.memory_space<vmem>>) target_semaphore(%arg11 : memref<!tpu.dma_semaphore, #tpu.memory_space<semaphore_mem>>)
    %scan3A = arith.constant 0 : i32
    %scan3A_31 = arith.constant 0 : i32
    %scan3A_32 = arith.constant 128 : i32
    %scan3A_33 = arith.addi %scan3A_31, %scan3A_32 : i32
    %scan3A_34 = arith.constant 1 : i32
    %scan3A_35 = scf.for %scan3A_401 = %scan3A_31 to %scan3A_33 step %scan3A_34 iter_args(%scan3A_402 = %scan3A) -> (i32)  : i32 {
      %broadcast_in_dim3A_403 = arith.constant 0.000000e+00 : f32
      %broadcast_in_dim3A_404 = vector.broadcast %broadcast_in_dim3A_403 : f32 to vector<16xf32>
      %swap3A_405 = arith.constant 0 : i32
      %swap3A_406 = arith.index_cast %swap3A_405 : i32 to index
      %swap3A_407 = arith.index_cast %scan3A_401 : i32 to index
      %swap3A_408 = arith.constant 0 : index
      %swap3A_409 = tpu.vector_load %arg7[%swap3A_406, %swap3A_407, %swap3A_408] {strides = array<i32>} : memref<2x128x128xf32, #tpu.memory_space<vmem>>, vector<1x1x16xf32>,
      %swap3A_410 = vector.shape_cast %swap3A_409 : vector<1x1x16xf32> to vector<16xf32>
      %swap3A_411 = vector.shape_cast %broadcast_in_dim3A_404 : vector<16xf32> to vector<1x1x16xf32>
      tpu.vector_store %arg7[%swap3A_406, %swap3A_407, %swap3A_408], %swap3A_411 {strides = array<i32>} : memref<2x128x128xf32, #tpu.memory_space<vmem>>, vector<1x1x16xf32>,
      %broadcast_in_dim3A_412 = arith.constant 0.000000e+00 : f32
      %broadcast_in_dim3A_413 = vector.broadcast %broadcast_in_dim3A_412 : f32 to vector<16xf32>
      %swap3A_414 = arith.constant 0 : i32
      %swap3A_415 = arith.index_cast %swap3A_414 : i32 to index
      %swap3A_416 = arith.index_cast %scan3A_401 : i32 to index
      %swap3A_417 = arith.constant 16 : index
      %swap3A_418 = tpu.vector_load %arg7[%swap3A_415, %swap3A_416, %swap3A_417] {strides = array<i32>} : memref<2x128x128xf32, #tpu.memory_space<vmem>>, vector<1x1x16xf32>,
      %swap3A_419 = vector.shape_cast %swap3A_418 : vector<1x1x16xf32> to vector<16xf32>
      %swap3A_420 = vector.shape_cast %broadcast_in_dim3A_413 : vector<16xf32> to vector<1x1x16xf32>
      tpu.vector_store %arg7[%swap3A_415, %swap3A_416, %swap3A_417], %swap3A_420 {strides = array<i32>} : memref<2x128x128xf32, #tpu.memory_space<vmem>>, vector<1x1x16xf32>,
      %broadcast_in_dim3A_421 = arith.constant 0.000000e+00 : f32
      %broadcast_in_dim3A_422 = vector.broadcast %broadcast_in_dim3A_421 : f32 to vector<16xf32>
      %swap3A_423 = arith.constant 0 : i32
      %swap3A_424 = arith.index_cast %swap3A_423 : i32 to index
      %swap3A_425 = arith.index_cast %scan3A_401 : i32 to index
      %swap3A_426 = arith.constant 32 : index
      %swap3A_427 = tpu.vector_load %arg7[%swap3A_424, %swap3A_425, %swap3A_426] {strides = array<i32>} : memref<2x128x128xf32, #tpu.memory_space<vmem>>, vector<1x1x16xf32>,
      %swap3A_428 = vector.shape_cast %swap3A_427 : vector<1x1x16xf32> to vector<16xf32>
      %swap3A_429 = vector.shape_cast %broadcast_in_dim3A_422 : vector<16xf32> to vector<1x1x16xf32>
      tpu.vector_store %arg7[%swap3A_424, %swap3A_425, %swap3A_426], %swap3A_429 {strides = array<i32>} : memref<2x128x128xf32, #tpu.memory_space<vmem>>, vector<1x1x16xf32>,
      %broadcast_in_dim3A_430 = arith.constant 0.000000e+00 : f32
      %broadcast_in_dim3A_431 = vector.broadcast %broadcast_in_dim3A_430 : f32 to vector<16xf32>
      %swap3A_432 = arith.constant 0 : i32
      %swap3A_433 = arith.index_cast %swap3A_432 : i32 to index
      %swap3A_434 = arith.index_cast %scan3A_401 : i32 to index
      %swap3A_435 = arith.constant 48 : index
      %swap3A_436 = tpu.vector_load %arg7[%swap3A_433, %swap3A_434, %swap3A_435] {strides = array<i32>} : memref<2x128x128xf32, #tpu.memory_space<vmem>>, vector<1x1x16xf32>,
      %swap3A_437 = vector.shape_cast %swap3A_436 : vector<1x1x16xf32> to vector<16xf32>
      %swap3A_438 = vector.shape_cast %broadcast_in_dim3A_431 : vector<16xf32> to vector<1x1x16xf32>
      tpu.vector_store %arg7[%swap3A_433, %swap3A_434, %swap3A_435], %swap3A_438 {strides = array<i32>} : memref<2x128x128xf32, #tpu.memory_space<vmem>>, vector<1x1x16xf32>,
      %broadcast_in_dim3A_439 = arith.constant 0.000000e+00 : f32
      %broadcast_in_dim3A_440 = vector.broadcast %broadcast_in_dim3A_439 : f32 to vector<16xf32>
      %swap3A_441 = arith.constant 0 : i32
      %swap3A_442 = arith.index_cast %swap3A_441 : i32 to index
      %swap3A_443 = arith.index_cast %scan3A_401 : i32 to index
      %swap3A_444 = arith.constant 64 : index
      %swap3A_445 = tpu.vector_load %arg7[%swap3A_442, %swap3A_443, %swap3A_444] {strides = array<i32>} : memref<2x128x128xf32, #tpu.memory_space<vmem>>, vector<1x1x16xf32>,
      %swap3A_446 = vector.shape_cast %swap3A_445 : vector<1x1x16xf32> to vector<16xf32>
      %swap3A_447 = vector.shape_cast %broadcast_in_dim3A_440 : vector<16xf32> to vector<1x1x16xf32>
      tpu.vector_store %arg7[%swap3A_442, %swap3A_443, %swap3A_444], %swap3A_447 {strides = array<i32>} : memref<2x128x128xf32, #tpu.memory_space<vmem>>, vector<1x1x16xf32>,
      %broadcast_in_dim3A_448 = arith.constant 0.000000e+00 : f32
      %broadcast_in_dim3A_449 = vector.broadcast %broadcast_in_dim3A_448 : f32 to vector<16xf32>
      %swap3A_450 = arith.constant 0 : i32
      %swap3A_451 = arith.index_cast %swap3A_450 : i32 to index
      %swap3A_452 = arith.index_cast %scan3A_401 : i32 to index
      %swap3A_453 = arith.constant 80 : index
      %swap3A_454 = tpu.vector_load %arg7[%swap3A_451, %swap3A_452, %swap3A_453] {strides = array<i32>} : memref<2x128x128xf32, #tpu.memory_space<vmem>>, vector<1x1x16xf32>,
      %swap3A_455 = vector.shape_cast %swap3A_454 : vector<1x1x16xf32> to vector<16xf32>
      %swap3A_456 = vector.shape_cast %broadcast_in_dim3A_449 : vector<16xf32> to vector<1x1x16xf32>
      tpu.vector_store %arg7[%swap3A_451, %swap3A_452, %swap3A_453], %swap3A_456 {strides = array<i32>} : memref<2x128x128xf32, #tpu.memory_space<vmem>>, vector<1x1x16xf32>,
      %broadcast_in_dim3A_457 = arith.constant 0.000000e+00 : f32
      %broadcast_in_dim3A_458 = vector.broadcast %broadcast_in_dim3A_457 : f32 to vector<16xf32>
      %swap3A_459 = arith.constant 0 : i32
      %swap3A_460 = arith.index_cast %swap3A_459 : i32 to index
      %swap3A_461 = arith.index_cast %scan3A_401 : i32 to index
      %swap3A_462 = arith.constant 96 : index
      %swap3A_463 = tpu.vector_load %arg7[%swap3A_460, %swap3A_461, %swap3A_462] {strides = array<i32>} : memref<2x128x128xf32, #tpu.memory_space<vmem>>, vector<1x1x16xf32>,
      %swap3A_464 = vector.shape_cast %swap3A_463 : vector<1x1x16xf32> to vector<16xf32>
      %swap3A_465 = vector.shape_cast %broadcast_in_dim3A_458 : vector<16xf32> to vector<1x1x16xf32>
      tpu.vector_store %arg7[%swap3A_460, %swap3A_461, %swap3A_462], %swap3A_465 {strides = array<i32>} : memref<2x128x128xf32, #tpu.memory_space<vmem>>, vector<1x1x16xf32>,
      %broadcast_in_dim3A_466 = arith.constant 0.000000e+00 : f32
      %broadcast_in_dim3A_467 = vector.broadcast %broadcast_in_dim3A_466 : f32 to vector<16xf32>
      %swap3A_468 = arith.constant 0 : i32
      %swap3A_469 = arith.index_cast %swap3A_468 : i32 to index
      %swap3A_470 = arith.index_cast %scan3A_401 : i32 to index
      %swap3A_471 = arith.constant 112 : index
      %swap3A_472 = tpu.vector_load %arg7[%swap3A_469, %swap3A_470, %swap3A_471] {strides = array<i32>} : memref<2x128x128xf32, #tpu.memory_space<vmem>>, vector<1x1x16xf32>,
      %swap3A_473 = vector.shape_cast %swap3A_472 : vector<1x1x16xf32> to vector<16xf32>
      %swap3A_474 = vector.shape_cast %broadcast_in_dim3A_467 : vector<16xf32> to vector<1x1x16xf32>
      tpu.vector_store %arg7[%swap3A_469, %swap3A_470, %swap3A_471], %swap3A_474 {strides = array<i32>} : memref<2x128x128xf32, #tpu.memory_space<vmem>>, vector<1x1x16xf32>,
      %scan3A_475 = arith.constant 0 : i32
      scf.yield %scan3A_475 : i32
    }
    %scan3A_36 = arith.constant 128 : i32
    %broadcast_in_dim3A = arith.constant 1.000000e+00 : f32
    %broadcast_in_dim3A_37 = vector.broadcast %broadcast_in_dim3A : f32 to vector<16xf32>
    %swap3A = arith.constant 0 : index
    %swap3A_38 = tpu.vector_load %arg8[%swap3A] {strides = array<i32>} : memref<128xf32, #tpu.memory_space<vmem>>, vector<16xf32>,
    %swap3A_39 = vector.shape_cast %swap3A_38 : vector<16xf32> to vector<16xf32>
    %swap3A_40 = vector.shape_cast %broadcast_in_dim3A_37 : vector<16xf32> to vector<16xf32>
    tpu.vector_store %arg8[%swap3A], %swap3A_40 {strides = array<i32>} : memref<128xf32, #tpu.memory_space<vmem>>, vector<16xf32>,
    %broadcast_in_dim3A_41 = arith.constant 1.000000e+00 : f32
    %broadcast_in_dim3A_42 = vector.broadcast %broadcast_in_dim3A_41 : f32 to vector<16xf32>
    %swap3A_43 = arith.constant 16 : index
    %swap3A_44 = tpu.vector_load %arg8[%swap3A_43] {strides = array<i32>} : memref<128xf32, #tpu.memory_space<vmem>>, vector<16xf32>,
    %swap3A_45 = vector.shape_cast %swap3A_44 : vector<16xf32> to vector<16xf32>
    %swap3A_46 = vector.shape_cast %broadcast_in_dim3A_42 : vector<16xf32> to vector<16xf32>
    tpu.vector_store %arg8[%swap3A_43], %swap3A_46 {strides = array<i32>} : memref<128xf32, #tpu.memory_space<vmem>>, vector<16xf32>,
    %broadcast_in_dim3A_47 = arith.constant 1.000000e+00 : f32
    %broadcast_in_dim3A_48 = vector.broadcast %broadcast_in_dim3A_47 : f32 to vector<16xf32>
    %swap3A_49 = arith.constant 32 : index
    %swap3A_50 = tpu.vector_load %arg8[%swap3A_49] {strides = array<i32>} : memref<128xf32, #tpu.memory_space<vmem>>, vector<16xf32>,
    %swap3A_51 = vector.shape_cast %swap3A_50 : vector<16xf32> to vector<16xf32>
    %swap3A_52 = vector.shape_cast %broadcast_in_dim3A_48 : vector<16xf32> to vector<16xf32>
    tpu.vector_store %arg8[%swap3A_49], %swap3A_52 {strides = array<i32>} : memref<128xf32, #tpu.memory_space<vmem>>, vector<16xf32>,
    %broadcast_in_dim3A_53 = arith.constant 1.000000e+00 : f32
    %broadcast_in_dim3A_54 = vector.broadcast %broadcast_in_dim3A_53 : f32 to vector<16xf32>
    %swap3A_55 = arith.constant 48 : index
    %swap3A_56 = tpu.vector_load %arg8[%swap3A_55] {strides = array<i32>} : memref<128xf32, #tpu.memory_space<vmem>>, vector<16xf32>,
    %swap3A_57 = vector.shape_cast %swap3A_56 : vector<16xf32> to vector<16xf32>
    %swap3A_58 = vector.shape_cast %broadcast_in_dim3A_54 : vector<16xf32> to vector<16xf32>
    tpu.vector_store %arg8[%swap3A_55], %swap3A_58 {strides = array<i32>} : memref<128xf32, #tpu.memory_space<vmem>>, vector<16xf32>,
    %broadcast_in_dim3A_59 = arith.constant 1.000000e+00 : f32
    %broadcast_in_dim3A_60 = vector.broadcast %broadcast_in_dim3A_59 : f32 to vector<16xf32>
    %swap3A_61 = arith.constant 64 : index
    %swap3A_62 = tpu.vector_load %arg8[%swap3A_61] {strides = array<i32>} : memref<128xf32, #tpu.memory_space<vmem>>, vector<16xf32>,
    %swap3A_63 = vector.shape_cast %swap3A_62 : vector<16xf32> to vector<16xf32>
    %swap3A_64 = vector.shape_cast %broadcast_in_dim3A_60 : vector<16xf32> to vector<16xf32>
    tpu.vector_store %arg8[%swap3A_61], %swap3A_64 {strides = array<i32>} : memref<128xf32, #tpu.memory_space<vmem>>, vector<16xf32>,
    %broadcast_in_dim3A_65 = arith.constant 1.000000e+00 : f32
    %broadcast_in_dim3A_66 = vector.broadcast %broadcast_in_dim3A_65 : f32 to vector<16xf32>
    %swap3A_67 = arith.constant 80 : index
    %swap3A_68 = tpu.vector_load %arg8[%swap3A_67] {strides = array<i32>} : memref<128xf32, #tpu.memory_space<vmem>>, vector<16xf32>,
    %swap3A_69 = vector.shape_cast %swap3A_68 : vector<16xf32> to vector<16xf32>
    %swap3A_70 = vector.shape_cast %broadcast_in_dim3A_66 : vector<16xf32> to vector<16xf32>
    tpu.vector_store %arg8[%swap3A_67], %swap3A_70 {strides = array<i32>} : memref<128xf32, #tpu.memory_space<vmem>>, vector<16xf32>,
    %broadcast_in_dim3A_71 = arith.constant 1.000000e+00 : f32
    %broadcast_in_dim3A_72 = vector.broadcast %broadcast_in_dim3A_71 : f32 to vector<16xf32>
    %swap3A_73 = arith.constant 96 : index
    %swap3A_74 = tpu.vector_load %arg8[%swap3A_73] {strides = array<i32>} : memref<128xf32, #tpu.memory_space<vmem>>, vector<16xf32>,
    %swap3A_75 = vector.shape_cast %swap3A_74 : vector<16xf32> to vector<16xf32>
    %swap3A_76 = vector.shape_cast %broadcast_in_dim3A_72 : vector<16xf32> to vector<16xf32>
    tpu.vector_store %arg8[%swap3A_73], %swap3A_76 {strides = array<i32>} : memref<128xf32, #tpu.memory_space<vmem>>, vector<16xf32>,
    %broadcast_in_dim3A_77 = arith.constant 1.000000e+00 : f32
    %broadcast_in_dim3A_78 = vector.broadcast %broadcast_in_dim3A_77 : f32 to vector<16xf32>
    %swap3A_79 = arith.constant 112 : index
    %swap3A_80 = tpu.vector_load %arg8[%swap3A_79] {strides = array<i32>} : memref<128xf32, #tpu.memory_space<vmem>>, vector<16xf32>,
    %swap3A_81 = vector.shape_cast %swap3A_80 : vector<16xf32> to vector<16xf32>
    %swap3A_82 = vector.shape_cast %broadcast_in_dim3A_78 : vector<16xf32> to vector<16xf32>
    tpu.vector_store %arg8[%swap3A_79], %swap3A_82 {strides = array<i32>} : memref<128xf32, #tpu.memory_space<vmem>>, vector<16xf32>,
    %scan3A_83 = arith.constant 0 : i32
    %scan3A_84 = arith.constant 0 : i32
    %scan3A_85 = arith.constant 5 : i32
    %scan3A_86 = arith.addi %scan3A_84, %scan3A_85 : i32
    %scan3A_87 = arith.constant 1 : i32
    %scan3A_88 = scf.for %scan3A_401 = %scan3A_84 to %scan3A_86 step %scan3A_87 iter_args(%scan3A_402 = %scan3A_83) -> (i32)  : i32 {
      %mul3A_403 = arith.constant 640 : i32
      %mul3A_404 = arith.muli %arg1, %mul3A_403 : i32
      %mul3A_405 = arith.constant 128 : i32
      %mul3A_406 = arith.muli %scan3A_401, %mul3A_405 : i32
      %add3A_407 = arith.addi %mul3A_404, %mul3A_406 : i32
      %run_scoped3A = arith.constant 0 : i32
      "tpu.region"() ({
        %run_scoped3A_411 = tpu.sem_alloc : memref<!tpu.dma_semaphore, #tpu.memory_space<semaphore_mem>>
        %dma_start3A_412 = arith.constant 0 : i32
        %dma_start3A_413 = arith.constant 0 : i32
        %dma_start3A_414 = tpu.memref_slice %arg7[%run_scoped3A, %dma_start3A_412, %dma_start3A_413] : memref<2x128x128xf32, #tpu.memory_space<vmem>> -> memref<1x128x128xf32, #tpu.memory_space<vmem>>
        %dma_start3A_415 = tpu.memref_squeeze %dma_start3A_414 : memref<1x128x128xf32, #tpu.memory_space<vmem>> -> memref<128x128xf32, #tpu.memory_space<vmem>>
        %dma_start3A_416 = arith.constant 0 : i32
        %dma_start3A_417 = tpu.memref_slice %arg9[%add3A_407, %dma_start3A_416] : memref<10240x128xf32, #tpu.memory_space<vmem_shared>> -> memref<128x128xf32, #tpu.memory_space<vmem_shared>>
        %dma_start3A_418 = arith.constant 0 : i32
        %dma_start3A_419 = tpu.memref_slice %arg9[%add3A_407, %dma_start3A_418] : memref<10240x128xf32, #tpu.memory_space<vmem_shared>> -> memref<128x128xf32, #tpu.memory_space<vmem_shared>>
        %dma_start3A_420 = arith.constant 0 : i32
        %dma_start3A_421 = arith.constant 0 : i32
        %dma_start3A_422 = tpu.memref_slice %arg7[%run_scoped3A, %dma_start3A_420, %dma_start3A_421] : memref<2x128x128xf32, #tpu.memory_space<vmem>> -> memref<1x128x128xf32, #tpu.memory_space<vmem>>
        %dma_start3A_423 = tpu.memref_squeeze %dma_start3A_422 : memref<1x128x128xf32, #tpu.memory_space<vmem>> -> memref<128x128xf32, #tpu.memory_space<vmem>>
        tpu.enqueue_dma source(%dma_start3A_423 : memref<128x128xf32, #tpu.memory_space<vmem>>) target(%dma_start3A_419 : memref<128x128xf32, #tpu.memory_space<vmem_shared>>) target_semaphore(%run_scoped3A_411 : memref<!tpu.dma_semaphore, #tpu.memory_space<semaphore_mem>>)
        %dma_wait3A_424 = arith.constant 0 : i32
        %dma_wait3A_425 = arith.constant 0 : i32
        %dma_wait3A_426 = tpu.memref_slice %arg7[%run_scoped3A, %dma_wait3A_424, %dma_wait3A_425] : memref<2x128x128xf32, #tpu.memory_space<vmem>> -> memref<1x128x128xf32, #tpu.memory_space<vmem>>
        %dma_wait3A_427 = tpu.memref_squeeze %dma_wait3A_426 : memref<1x128x128xf32, #tpu.memory_space<vmem>> -> memref<128x128xf32, #tpu.memory_space<vmem>>
        %dma_wait3A_428 = arith.constant 0 : i32
        %dma_wait3A_429 = tpu.memref_slice %arg9[%add3A_407, %dma_wait3A_428] : memref<10240x128xf32, #tpu.memory_space<vmem_shared>> -> memref<128x128xf32, #tpu.memory_space<vmem_shared>>
        %dma_wait3A_430 = arith.constant 0 : i32
        %dma_wait3A_431 = tpu.memref_slice %arg9[%add3A_407, %dma_wait3A_430] : memref<10240x128xf32, #tpu.memory_space<vmem_shared>> -> memref<128x128xf32, #tpu.memory_space<vmem_shared>>
        %dma_wait3A_432 = arith.constant 0 : i32
        %dma_wait3A_433 = arith.constant 0 : i32
        %dma_wait3A_434 = tpu.memref_slice %arg7[%run_scoped3A, %dma_wait3A_432, %dma_wait3A_433] : memref<2x128x128xf32, #tpu.memory_space<vmem>> -> memref<1x128x128xf32, #tpu.memory_space<vmem>>
        %dma_wait3A_435 = tpu.memref_squeeze %dma_wait3A_434 : memref<1x128x128xf32, #tpu.memory_space<vmem>> -> memref<128x128xf32, #tpu.memory_space<vmem>>
        tpu.wait_dma2 semaphore(%run_scoped3A_411 : memref<!tpu.dma_semaphore, #tpu.memory_space<semaphore_mem>>) src(%dma_wait3A_435 : memref<128x128xf32, #tpu.memory_space<vmem>>) dst(%dma_wait3A_431 : memref<128x128xf32, #tpu.memory_space<vmem_shared>>)
        tpu.yield
      }) : () -> ()
      %run_scoped3A_408 = arith.constant 0 : i32
      %run_scoped3A_409 = arith.constant 0 : i32
      "tpu.region"() ({
        %run_scoped3A_411 = tpu.sem_alloc : memref<!tpu.dma_semaphore, #tpu.memory_space<semaphore_mem>>
        %dma_start3A_412 = arith.constant 0 : i32
        %dma_start3A_413 = tpu.memref_slice %arg7[%run_scoped3A_408, %run_scoped3A_409, %dma_start3A_412] : memref<2x128x128xf32, #tpu.memory_space<vmem>> -> memref<1x1x128xf32, #tpu.memory_space<vmem>>
        %dma_start3A_414 = tpu.memref_squeeze %dma_start3A_413 : memref<1x1x128xf32, #tpu.memory_space<vmem>> -> memref<128xf32, #tpu.memory_space<vmem>>
        %dma_start3A_415 = tpu.memref_slice %arg10[%add3A_407] : memref<10240xf32, #tpu.memory_space<vmem_shared>> -> memref<128xf32, #tpu.memory_space<vmem_shared>>
        %dma_start3A_416 = tpu.memref_slice %arg10[%add3A_407] : memref<10240xf32, #tpu.memory_space<vmem_shared>> -> memref<128xf32, #tpu.memory_space<vmem_shared>>
        %dma_start3A_417 = arith.constant 0 : i32
        %dma_start3A_418 = tpu.memref_slice %arg7[%run_scoped3A_408, %run_scoped3A_409, %dma_start3A_417] : memref<2x128x128xf32, #tpu.memory_space<vmem>> -> memref<1x1x128xf32, #tpu.memory_space<vmem>>
        %dma_start3A_419 = tpu.memref_squeeze %dma_start3A_418 : memref<1x1x128xf32, #tpu.memory_space<vmem>> -> memref<128xf32, #tpu.memory_space<vmem>>
        tpu.enqueue_dma source(%dma_start3A_419 : memref<128xf32, #tpu.memory_space<vmem>>) target(%dma_start3A_416 : memref<128xf32, #tpu.memory_space<vmem_shared>>) target_semaphore(%run_scoped3A_411 : memref<!tpu.dma_semaphore, #tpu.memory_space<semaphore_mem>>)
        %dma_wait3A_420 = arith.constant 0 : i32
        %dma_wait3A_421 = tpu.memref_slice %arg7[%run_scoped3A_408, %run_scoped3A_409, %dma_wait3A_420] : memref<2x128x128xf32, #tpu.memory_space<vmem>> -> memref<1x1x128xf32, #tpu.memory_space<vmem>>
        %dma_wait3A_422 = tpu.memref_squeeze %dma_wait3A_421 : memref<1x1x128xf32, #tpu.memory_space<vmem>> -> memref<128xf32, #tpu.memory_space<vmem>>
        %dma_wait3A_423 = tpu.memref_slice %arg10[%add3A_407] : memref<10240xf32, #tpu.memory_space<vmem_shared>> -> memref<128xf32, #tpu.memory_space<vmem_shared>>
        %dma_wait3A_424 = tpu.memref_slice %arg10[%add3A_407] : memref<10240xf32, #tpu.memory_space<vmem_shared>> -> memref<128xf32, #tpu.memory_space<vmem_shared>>
        %dma_wait3A_425 = arith.constant 0 : i32
        %dma_wait3A_426 = tpu.memref_slice %arg7[%run_scoped3A_408, %run_scoped3A_409, %dma_wait3A_425] : memref<2x128x128xf32, #tpu.memory_space<vmem>> -> memref<1x1x128xf32, #tpu.memory_space<vmem>>
        %dma_wait3A_427 = tpu.memref_squeeze %dma_wait3A_426 : memref<1x1x128xf32, #tpu.memory_space<vmem>> -> memref<128xf32, #tpu.memory_space<vmem>>
        tpu.wait_dma2 semaphore(%run_scoped3A_411 : memref<!tpu.dma_semaphore, #tpu.memory_space<semaphore_mem>>) src(%dma_wait3A_427 : memref<128xf32, #tpu.memory_space<vmem>>) dst(%dma_wait3A_424 : memref<128xf32, #tpu.memory_space<vmem_shared>>)
        tpu.yield
      }) : () -> ()
      %scan3A_410 = arith.constant 0 : i32
      scf.yield %scan3A_410 : i32
    }
    %scan3A_89 = arith.constant 5 : i32
    %barrier3A = arith.constant 0 : index
    tpu.barrier barrier_id(%barrier3A)
    %dma_wait3A = arith.constant 0 : i32
    %dma_wait3A_90 = arith.constant 0 : i32
    %dma_wait3A_91 = arith.constant 0 : i32
    %dma_wait3A_92 = arith.constant 0 : i32
    %dma_wait3A_93 = tpu.memref_slice %arg6[%dma_wait3A, %dma_wait3A_90, %dma_wait3A_91, %dma_wait3A_92] : memref<2x2x2x128xi32, #tpu.memory_space<vmem>> -> memref<1x2x2x128xi32, #tpu.memory_space<vmem>>
    %dma_wait3A_94 = tpu.memref_squeeze %dma_wait3A_93 : memref<1x2x2x128xi32, #tpu.memory_space<vmem>> -> memref<2x2x128xi32, #tpu.memory_space<vmem>>
    %dma_wait3A_95 = arith.constant 0 : i32
    %dma_wait3A_96 = arith.constant 0 : i32
    %dma_wait3A_97 = arith.constant 0 : i32
    %dma_wait3A_98 = tpu.memref_slice %arg3[%add3A_10, %dma_wait3A_95, %dma_wait3A_96, %dma_wait3A_97] : memref<1280x2x2x128xi32, #tpu.memory_space<hbm>> -> memref<1x2x2x128xi32, #tpu.memory_space<hbm>>
    %dma_wait3A_99 = tpu.memref_squeeze %dma_wait3A_98 : memref<1x2x2x128xi32, #tpu.memory_space<hbm>> -> memref<2x2x128xi32, #tpu.memory_space<hbm>>
    %dma_wait3A_100 = arith.constant 0 : i32
    %dma_wait3A_101 = arith.constant 0 : i32
    %dma_wait3A_102 = arith.constant 0 : i32
    %dma_wait3A_103 = tpu.memref_slice %arg6[%dma_wait3A, %dma_wait3A_100, %dma_wait3A_101, %dma_wait3A_102] : memref<2x2x2x128xi32, #tpu.memory_space<vmem>> -> memref<1x2x2x128xi32, #tpu.memory_space<vmem>>
    %dma_wait3A_104 = tpu.memref_squeeze %dma_wait3A_103 : memref<1x2x2x128xi32, #tpu.memory_space<vmem>> -> memref<2x2x128xi32, #tpu.memory_space<vmem>>
    %dma_wait3A_105 = arith.constant 0 : i32
    %dma_wait3A_106 = arith.constant 0 : i32
    %dma_wait3A_107 = arith.constant 0 : i32
    %dma_wait3A_108 = tpu.memref_slice %arg3[%add3A_10, %dma_wait3A_105, %dma_wait3A_106, %dma_wait3A_107] : memref<1280x2x2x128xi32, #tpu.memory_space<hbm>> -> memref<1x2x2x128xi32, #tpu.memory_space<hbm>>
    %dma_wait3A_109 = tpu.memref_squeeze %dma_wait3A_108 : memref<1x2x2x128xi32, #tpu.memory_space<hbm>> -> memref<2x2x128xi32, #tpu.memory_space<hbm>>
    tpu.wait_dma2 semaphore(%arg11 : memref<!tpu.dma_semaphore, #tpu.memory_space<semaphore_mem>>) src(%dma_wait3A_109 : memref<2x2x128xi32, #tpu.memory_space<hbm>>) dst(%dma_wait3A_104 : memref<2x2x128xi32, #tpu.memory_space<vmem>>)
    %add3A_110 = arith.constant 1 : i32
    %add3A_111 = arith.addi %select_n3A_8, %add3A_110 : i32
    %dma_start3A_112 = arith.constant 1 : i32
    %dma_start3A_113 = arith.constant 0 : i32
    %dma_start3A_114 = arith.constant 0 : i32
    %dma_start3A_115 = arith.constant 0 : i32
    %dma_start3A_116 = tpu.memref_slice %arg6[%dma_start3A_112, %dma_start3A_113, %dma_start3A_114, %dma_start3A_115] : memref<2x2x2x128xi32, #tpu.memory_space<vmem>> -> memref<1x2x2x128xi32, #tpu.memory_space<vmem>>
    %dma_start3A_117 = tpu.memref_squeeze %dma_start3A_116 : memref<1x2x2x128xi32, #tpu.memory_space<vmem>> -> memref<2x2x128xi32, #tpu.memory_space<vmem>>
    %dma_start3A_118 = arith.constant 0 : i32
    %dma_start3A_119 = arith.constant 0 : i32
    %dma_start3A_120 = arith.constant 0 : i32
    %dma_start3A_121 = tpu.memref_slice %arg3[%add3A_111, %dma_start3A_118, %dma_start3A_119, %dma_start3A_120] : memref<1280x2x2x128xi32, #tpu.memory_space<hbm>> -> memref<1x2x2x128xi32, #tpu.memory_space<hbm>>
    %dma_start3A_122 = tpu.memref_squeeze %dma_start3A_121 : memref<1x2x2x128xi32, #tpu.memory_space<hbm>> -> memref<2x2x128xi32, #tpu.memory_space<hbm>>
    %dma_start3A_123 = arith.constant 0 : i32
    %dma_start3A_124 = arith.constant 0 : i32
    %dma_start3A_125 = arith.constant 0 : i32
    %dma_start3A_126 = tpu.memref_slice %arg6[%dma_start3A_112, %dma_start3A_123, %dma_start3A_124, %dma_start3A_125] : memref<2x2x2x128xi32, #tpu.memory_space<vmem>> -> memref<1x2x2x128xi32, #tpu.memory_space<vmem>>
    %dma_start3A_127 = tpu.memref_squeeze %dma_start3A_126 : memref<1x2x2x128xi32, #tpu.memory_space<vmem>> -> memref<2x2x128xi32, #tpu.memory_space<vmem>>
    %dma_start3A_128 = arith.constant 0 : i32
    %dma_start3A_129 = arith.constant 0 : i32
    %dma_start3A_130 = arith.constant 0 : i32
    %dma_start3A_131 = tpu.memref_slice %arg3[%add3A_111, %dma_start3A_128, %dma_start3A_129, %dma_start3A_130] : memref<1280x2x2x128xi32, #tpu.memory_space<hbm>> -> memref<1x2x2x128xi32, #tpu.memory_space<hbm>>
    %dma_start3A_132 = tpu.memref_squeeze %dma_start3A_131 : memref<1x2x2x128xi32, #tpu.memory_space<hbm>> -> memref<2x2x128xi32, #tpu.memory_space<hbm>>
    tpu.enqueue_dma source(%dma_start3A_132 : memref<2x2x128xi32, #tpu.memory_space<hbm>>) target(%dma_start3A_127 : memref<2x2x128xi32, #tpu.memory_space<vmem>>) target_semaphore(%arg11 : memref<!tpu.dma_semaphore, #tpu.memory_space<semaphore_mem>>)
    %dma_start3A_133 = arith.constant 0 : i32
    %dma_start3A_134 = arith.constant 0 : i32
    %dma_start3A_135 = arith.constant 0 : i32
    %dma_start3A_136 = arith.constant 0 : i32
    %dma_start3A_137 = arith.constant 0 : i32
    %dma_start3A_138 = arith.constant 0 : i32
    %dma_start3A_139 = tpu.memref_slice %arg7[%dma_start3A_136, %dma_start3A_137, %dma_start3A_138] : memref<2x128x128xf32, #tpu.memory_space<vmem>> -> memref<1x128x128xf32, #tpu.memory_space<vmem>>
    %dma_start3A_140 = tpu.memref_squeeze %dma_start3A_139 : memref<1x128x128xf32, #tpu.memory_space<vmem>> -> memref<128x128xf32, #tpu.memory_space<vmem>>
    %dma_start3A_141 = arith.constant 0 : i32
    %dma_start3A_142 = tpu.memref_slice %arg6[%dma_start3A_133, %dma_start3A_134, %dma_start3A_135, %dma_start3A_141] : memref<2x2x2x128xi32, #tpu.memory_space<vmem>> -> memref<1x1x1x128xi32, #tpu.memory_space<vmem>>
    %dma_start3A_143 = tpu.memref_squeeze %dma_start3A_142 : memref<1x1x1x128xi32, #tpu.memory_space<vmem>> -> memref<128xi32, #tpu.memory_space<vmem>>
    %dma_start3A_144 = arith.constant 0 : i32
    %dma_start3A_145 = arith.constant 0 : i32
    %dma_start3A_146 = tpu.memref_slice %arg2[%dma_start3A_144, %dma_start3A_145] : memref<10000x128xf32, #tpu.memory_space<hbm>> -> memref<10000x128xf32, #tpu.memory_space<hbm>>
    tpu.enqueue_indirect_dma source(%dma_start3A_146 : memref<10000x128xf32, #tpu.memory_space<hbm>>) target(%dma_start3A_140 : memref<128x128xf32, #tpu.memory_space<vmem>>) offsets(%dma_start3A_143 : memref<128xi32, #tpu.memory_space<vmem>>) semaphore(%arg12 : memref<!tpu.dma_semaphore, #tpu.memory_space<semaphore_mem>>)
    %dma_start3A_147 = arith.constant 0 : i32
    %dma_start3A_148 = arith.constant 1 : i32
    %dma_start3A_149 = arith.constant 0 : i32
    %dma_start3A_150 = arith.constant 1 : i32
    %dma_start3A_151 = arith.constant 0 : i32
    %dma_start3A_152 = arith.constant 0 : i32
    %dma_start3A_153 = tpu.memref_slice %arg7[%dma_start3A_150, %dma_start3A_151, %dma_start3A_152] : memref<2x128x128xf32, #tpu.memory_space<vmem>> -> memref<1x128x128xf32, #tpu.memory_space<vmem>>
    %dma_start3A_154 = tpu.memref_squeeze %dma_start3A_153 : memref<1x128x128xf32, #tpu.memory_space<vmem>> -> memref<128x128xf32, #tpu.memory_space<vmem>>
    %dma_start3A_155 = arith.constant 0 : i32
    %dma_start3A_156 = tpu.memref_slice %arg6[%dma_start3A_147, %dma_start3A_148, %dma_start3A_149, %dma_start3A_155] : memref<2x2x2x128xi32, #tpu.memory_space<vmem>> -> memref<1x1x1x128xi32, #tpu.memory_space<vmem>>
    %dma_start3A_157 = tpu.memref_squeeze %dma_start3A_156 : memref<1x1x1x128xi32, #tpu.memory_space<vmem>> -> memref<128xi32, #tpu.memory_space<vmem>>
    %dma_start3A_158 = arith.constant 0 : i32
    %dma_start3A_159 = arith.constant 0 : i32
    %dma_start3A_160 = tpu.memref_slice %arg2[%dma_start3A_158, %dma_start3A_159] : memref<10000x128xf32, #tpu.memory_space<hbm>> -> memref<10000x128xf32, #tpu.memory_space<hbm>>
    tpu.enqueue_indirect_dma source(%dma_start3A_160 : memref<10000x128xf32, #tpu.memory_space<hbm>>) target(%dma_start3A_154 : memref<128x128xf32, #tpu.memory_space<vmem>>) offsets(%dma_start3A_157 : memref<128xi32, #tpu.memory_space<vmem>>) semaphore(%arg12 : memref<!tpu.dma_semaphore, #tpu.memory_space<semaphore_mem>>)
    %dma_wait3A_161 = arith.constant 0 : i32
    %dma_wait3A_162 = arith.constant 0 : i32
    %dma_wait3A_163 = arith.constant 0 : i32
    %dma_wait3A_164 = arith.constant 0 : i32
    %dma_wait3A_165 = arith.constant 0 : i32
    %dma_wait3A_166 = arith.constant 0 : i32
    %dma_wait3A_167 = tpu.memref_slice %arg7[%dma_wait3A_164, %dma_wait3A_165, %dma_wait3A_166] : memref<2x128x128xf32, #tpu.memory_space<vmem>> -> memref<1x128x128xf32, #tpu.memory_space<vmem>>
    %dma_wait3A_168 = tpu.memref_squeeze %dma_wait3A_167 : memref<1x128x128xf32, #tpu.memory_space<vmem>> -> memref<128x128xf32, #tpu.memory_space<vmem>>
    %dma_wait3A_169 = arith.constant 0 : i32
    %dma_wait3A_170 = tpu.memref_slice %arg6[%dma_wait3A_161, %dma_wait3A_162, %dma_wait3A_163, %dma_wait3A_169] : memref<2x2x2x128xi32, #tpu.memory_space<vmem>> -> memref<1x1x1x128xi32, #tpu.memory_space<vmem>>
    %dma_wait3A_171 = tpu.memref_squeeze %dma_wait3A_170 : memref<1x1x1x128xi32, #tpu.memory_space<vmem>> -> memref<128xi32, #tpu.memory_space<vmem>>
    %dma_wait3A_172 = arith.constant 0 : i32
    %dma_wait3A_173 = arith.constant 0 : i32
    %dma_wait3A_174 = tpu.memref_slice %arg2[%dma_wait3A_172, %dma_wait3A_173] : memref<10000x128xf32, #tpu.memory_space<hbm>> -> memref<10000x128xf32, #tpu.memory_space<hbm>>
    tpu.wait_indirect_dma semaphore(%arg12 : memref<!tpu.dma_semaphore, #tpu.memory_space<semaphore_mem>>) src(%dma_wait3A_174 : memref<10000x128xf32, #tpu.memory_space<hbm>>) dst(%dma_wait3A_168 : memref<128x128xf32, #tpu.memory_space<vmem>>)
    %dma_wait3A_175 = arith.constant 0 : i32
    %dma_wait3A_176 = arith.constant 1 : i32
    %dma_wait3A_177 = arith.constant 0 : i32
    %dma_wait3A_178 = arith.constant 1 : i32
    %dma_wait3A_179 = arith.constant 0 : i32
    %dma_wait3A_180 = arith.constant 0 : i32
    %dma_wait3A_181 = tpu.memref_slice %arg7[%dma_wait3A_178, %dma_wait3A_179, %dma_wait3A_180] : memref<2x128x128xf32, #tpu.memory_space<vmem>> -> memref<1x128x128xf32, #tpu.memory_space<vmem>>
    %dma_wait3A_182 = tpu.memref_squeeze %dma_wait3A_181 : memref<1x128x128xf32, #tpu.memory_space<vmem>> -> memref<128x128xf32, #tpu.memory_space<vmem>>
    %dma_wait3A_183 = arith.constant 0 : i32
    %dma_wait3A_184 = tpu.memref_slice %arg6[%dma_wait3A_175, %dma_wait3A_176, %dma_wait3A_177, %dma_wait3A_183] : memref<2x2x2x128xi32, #tpu.memory_space<vmem>> -> memref<1x1x1x128xi32, #tpu.memory_space<vmem>>
    %dma_wait3A_185 = tpu.memref_squeeze %dma_wait3A_184 : memref<1x1x1x128xi32, #tpu.memory_space<vmem>> -> memref<128xi32, #tpu.memory_space<vmem>>
    %dma_wait3A_186 = arith.constant 0 : i32
    %dma_wait3A_187 = arith.constant 0 : i32
    %dma_wait3A_188 = tpu.memref_slice %arg2[%dma_wait3A_186, %dma_wait3A_187] : memref<10000x128xf32, #tpu.memory_space<hbm>> -> memref<10000x128xf32, #tpu.memory_space<hbm>>
    tpu.wait_indirect_dma semaphore(%arg12 : memref<!tpu.dma_semaphore, #tpu.memory_space<semaphore_mem>>) src(%dma_wait3A_188 : memref<10000x128xf32, #tpu.memory_space<hbm>>) dst(%dma_wait3A_182 : memref<128x128xf32, #tpu.memory_space<vmem>>)
    %dma_start3A_189 = arith.constant 0 : i32
    %dma_start3A_190 = arith.constant 0 : i32
    %dma_start3A_191 = arith.constant 0 : i32
    %dma_start3A_192 = arith.constant 1 : i32
    %dma_start3A_193 = arith.constant 0 : i32
    %dma_start3A_194 = arith.constant 0 : i32
    %dma_start3A_195 = tpu.memref_slice %arg7[%dma_start3A_189, %dma_start3A_193, %dma_start3A_194] : memref<2x128x128xf32, #tpu.memory_space<vmem>> -> memref<1x128x128xf32, #tpu.memory_space<vmem>>
    %dma_start3A_196 = tpu.memref_squeeze %dma_start3A_195 : memref<1x128x128xf32, #tpu.memory_space<vmem>> -> memref<128x128xf32, #tpu.memory_space<vmem>>
    %dma_start3A_197 = arith.constant 0 : i32
    %dma_start3A_198 = tpu.memref_slice %arg6[%dma_start3A_190, %dma_start3A_191, %dma_start3A_192, %dma_start3A_197] : memref<2x2x2x128xi32, #tpu.memory_space<vmem>> -> memref<1x1x1x128xi32, #tpu.memory_space<vmem>>
    %dma_start3A_199 = tpu.memref_squeeze %dma_start3A_198 : memref<1x1x1x128xi32, #tpu.memory_space<vmem>> -> memref<128xi32, #tpu.memory_space<vmem>>
    %dma_start3A_200 = arith.constant 0 : i32
    %dma_start3A_201 = arith.constant 0 : i32
    %dma_start3A_202 = tpu.memref_slice %arg9[%dma_start3A_200, %dma_start3A_201] : memref<10240x128xf32, #tpu.memory_space<vmem_shared>> -> memref<10240x128xf32, #tpu.memory_space<vmem_shared>>
    tpu.enqueue_indirect_dma source(%dma_start3A_196 : memref<128x128xf32, #tpu.memory_space<vmem>>) target(%dma_start3A_202 : memref<10240x128xf32, #tpu.memory_space<vmem_shared>>) offsets(%dma_start3A_199 : memref<128xi32, #tpu.memory_space<vmem>>) semaphore(%arg13 : memref<!tpu.dma_semaphore, #tpu.memory_space<semaphore_mem>>) {add = true}
    %dma_start3A_203 = arith.constant 0 : i32
    %dma_start3A_204 = arith.constant 0 : i32
    %dma_start3A_205 = arith.constant 1 : i32
    %dma_start3A_206 = arith.constant 0 : i32
    %dma_start3A_207 = tpu.memref_slice %arg6[%dma_start3A_203, %dma_start3A_204, %dma_start3A_205, %dma_start3A_206] : memref<2x2x2x128xi32, #tpu.memory_space<vmem>> -> memref<1x1x1x128xi32, #tpu.memory_space<vmem>>
    %dma_start3A_208 = tpu.memref_squeeze %dma_start3A_207 : memref<1x1x1x128xi32, #tpu.memory_space<vmem>> -> memref<128xi32, #tpu.memory_space<vmem>>
    %dma_start3A_209 = arith.constant 0 : i32
    %dma_start3A_210 = tpu.memref_slice %arg10[%dma_start3A_209] : memref<10240xf32, #tpu.memory_space<vmem_shared>> -> memref<10240xf32, #tpu.memory_space<vmem_shared>>
    tpu.enqueue_indirect_dma source(%arg8 : memref<128xf32, #tpu.memory_space<vmem>>) target(%dma_start3A_210 : memref<10240xf32, #tpu.memory_space<vmem_shared>>) offsets(%dma_start3A_208 : memref<128xi32, #tpu.memory_space<vmem>>) semaphore(%arg13 : memref<!tpu.dma_semaphore, #tpu.memory_space<semaphore_mem>>) {add = true}
    %dma_start3A_211 = arith.constant 1 : i32
    %dma_start3A_212 = arith.constant 0 : i32
    %dma_start3A_213 = arith.constant 1 : i32
    %dma_start3A_214 = arith.constant 1 : i32
    %dma_start3A_215 = arith.constant 0 : i32
    %dma_start3A_216 = arith.constant 0 : i32
    %dma_start3A_217 = tpu.memref_slice %arg7[%dma_start3A_211, %dma_start3A_215, %dma_start3A_216] : memref<2x128x128xf32, #tpu.memory_space<vmem>> -> memref<1x128x128xf32, #tpu.memory_space<vmem>>
    %dma_start3A_218 = tpu.memref_squeeze %dma_start3A_217 : memref<1x128x128xf32, #tpu.memory_space<vmem>> -> memref<128x128xf32, #tpu.memory_space<vmem>>
    %dma_start3A_219 = arith.constant 0 : i32
    %dma_start3A_220 = tpu.memref_slice %arg6[%dma_start3A_212, %dma_start3A_213, %dma_start3A_214, %dma_start3A_219] : memref<2x2x2x128xi32, #tpu.memory_space<vmem>> -> memref<1x1x1x128xi32, #tpu.memory_space<vmem>>
    %dma_start3A_221 = tpu.memref_squeeze %dma_start3A_220 : memref<1x1x1x128xi32, #tpu.memory_space<vmem>> -> memref<128xi32, #tpu.memory_space<vmem>>
    %dma_start3A_222 = arith.constant 0 : i32
    %dma_start3A_223 = arith.constant 0 : i32
    %dma_start3A_224 = tpu.memref_slice %arg9[%dma_start3A_222, %dma_start3A_223] : memref<10240x128xf32, #tpu.memory_space<vmem_shared>> -> memref<10240x128xf32, #tpu.memory_space<vmem_shared>>
    tpu.enqueue_indirect_dma source(%dma_start3A_218 : memref<128x128xf32, #tpu.memory_space<vmem>>) target(%dma_start3A_224 : memref<10240x128xf32, #tpu.memory_space<vmem_shared>>) offsets(%dma_start3A_221 : memref<128xi32, #tpu.memory_space<vmem>>) semaphore(%arg13 : memref<!tpu.dma_semaphore, #tpu.memory_space<semaphore_mem>>) {add = true}
    %dma_start3A_225 = arith.constant 0 : i32
    %dma_start3A_226 = arith.constant 1 : i32
    %dma_start3A_227 = arith.constant 1 : i32
    %dma_start3A_228 = arith.constant 0 : i32
    %dma_start3A_229 = tpu.memref_slice %arg6[%dma_start3A_225, %dma_start3A_226, %dma_start3A_227, %dma_start3A_228] : memref<2x2x2x128xi32, #tpu.memory_space<vmem>> -> memref<1x1x1x128xi32, #tpu.memory_space<vmem>>
    %dma_start3A_230 = tpu.memref_squeeze %dma_start3A_229 : memref<1x1x1x128xi32, #tpu.memory_space<vmem>> -> memref<128xi32, #tpu.memory_space<vmem>>
    %dma_start3A_231 = arith.constant 0 : i32
    %dma_start3A_232 = tpu.memref_slice %arg10[%dma_start3A_231] : memref<10240xf32, #tpu.memory_space<vmem_shared>> -> memref<10240xf32, #tpu.memory_space<vmem_shared>>
    tpu.enqueue_indirect_dma source(%arg8 : memref<128xf32, #tpu.memory_space<vmem>>) target(%dma_start3A_232 : memref<10240xf32, #tpu.memory_space<vmem_shared>>) offsets(%dma_start3A_230 : memref<128xi32, #tpu.memory_space<vmem>>) semaphore(%arg13 : memref<!tpu.dma_semaphore, #tpu.memory_space<semaphore_mem>>) {add = true}
    %dma_wait3A_233 = arith.constant 0 : i32
    %dma_wait3A_234 = arith.constant 0 : i32
    %dma_wait3A_235 = arith.constant 0 : i32
    %dma_wait3A_236 = arith.constant 1 : i32
    %dma_wait3A_237 = arith.constant 0 : i32
    %dma_wait3A_238 = arith.constant 0 : i32
    %dma_wait3A_239 = tpu.memref_slice %arg7[%dma_wait3A_233, %dma_wait3A_237, %dma_wait3A_238] : memref<2x128x128xf32, #tpu.memory_space<vmem>> -> memref<1x128x128xf32, #tpu.memory_space<vmem>>
    %dma_wait3A_240 = tpu.memref_squeeze %dma_wait3A_239 : memref<1x128x128xf32, #tpu.memory_space<vmem>> -> memref<128x128xf32, #tpu.memory_space<vmem>>
    %dma_wait3A_241 = arith.constant 0 : i32
    %dma_wait3A_242 = tpu.memref_slice %arg6[%dma_wait3A_234, %dma_wait3A_235, %dma_wait3A_236, %dma_wait3A_241] : memref<2x2x2x128xi32, #tpu.memory_space<vmem>> -> memref<1x1x1x128xi32, #tpu.memory_space<vmem>>
    %dma_wait3A_243 = tpu.memref_squeeze %dma_wait3A_242 : memref<1x1x1x128xi32, #tpu.memory_space<vmem>> -> memref<128xi32, #tpu.memory_space<vmem>>
    %dma_wait3A_244 = arith.constant 0 : i32
    %dma_wait3A_245 = arith.constant 0 : i32
    %dma_wait3A_246 = tpu.memref_slice %arg9[%dma_wait3A_244, %dma_wait3A_245] : memref<10240x128xf32, #tpu.memory_space<vmem_shared>> -> memref<10240x128xf32, #tpu.memory_space<vmem_shared>>
    tpu.wait_indirect_dma semaphore(%arg13 : memref<!tpu.dma_semaphore, #tpu.memory_space<semaphore_mem>>) src(%dma_wait3A_240 : memref<128x128xf32, #tpu.memory_space<vmem>>) dst(%dma_wait3A_246 : memref<10240x128xf32, #tpu.memory_space<vmem_shared>>)
    %dma_wait3A_247 = arith.constant 0 : i32
    %dma_wait3A_248 = arith.constant 0 : i32
    %dma_wait3A_249 = arith.constant 1 : i32
    %dma_wait3A_250 = arith.constant 0 : i32
    %dma_wait3A_251 = tpu.memref_slice %arg6[%dma_wait3A_247, %dma_wait3A_248, %dma_wait3A_249, %dma_wait3A_250] : memref<2x2x2x128xi32, #tpu.memory_space<vmem>> -> memref<1x1x1x128xi32, #tpu.memory_space<vmem>>
    %dma_wait3A_252 = tpu.memref_squeeze %dma_wait3A_251 : memref<1x1x1x128xi32, #tpu.memory_space<vmem>> -> memref<128xi32, #tpu.memory_space<vmem>>
    %dma_wait3A_253 = arith.constant 0 : i32
    %dma_wait3A_254 = tpu.memref_slice %arg10[%dma_wait3A_253] : memref<10240xf32, #tpu.memory_space<vmem_shared>> -> memref<10240xf32, #tpu.memory_space<vmem_shared>>
    tpu.wait_indirect_dma semaphore(%arg13 : memref<!tpu.dma_semaphore, #tpu.memory_space<semaphore_mem>>) src(%arg8 : memref<128xf32, #tpu.memory_space<vmem>>) dst(%dma_wait3A_254 : memref<10240xf32, #tpu.memory_space<vmem_shared>>)
    %dma_wait3A_255 = arith.constant 1 : i32
    %dma_wait3A_256 = arith.constant 0 : i32
    %dma_wait3A_257 = arith.constant 1 : i32
    %dma_wait3A_258 = arith.constant 1 : i32
    %dma_wait3A_259 = arith.constant 0 : i32
    %dma_wait3A_260 = arith.constant 0 : i32
    %dma_wait3A_261 = tpu.memref_slice %arg7[%dma_wait3A_255, %dma_wait3A_259, %dma_wait3A_260] : memref<2x128x128xf32, #tpu.memory_space<vmem>> -> memref<1x128x128xf32, #tpu.memory_space<vmem>>
    %dma_wait3A_262 = tpu.memref_squeeze %dma_wait3A_261 : memref<1x128x128xf32, #tpu.memory_space<vmem>> -> memref<128x128xf32, #tpu.memory_space<vmem>>
    %dma_wait3A_263 = arith.constant 0 : i32
    %dma_wait3A_264 = tpu.memref_slice %arg6[%dma_wait3A_256, %dma_wait3A_257, %dma_wait3A_258, %dma_wait3A_263] : memref<2x2x2x128xi32, #tpu.memory_space<vmem>> -> memref<1x1x1x128xi32, #tpu.memory_space<vmem>>
    %dma_wait3A_265 = tpu.memref_squeeze %dma_wait3A_264 : memref<1x1x1x128xi32, #tpu.memory_space<vmem>> -> memref<128xi32, #tpu.memory_space<vmem>>
    %dma_wait3A_266 = arith.constant 0 : i32
    %dma_wait3A_267 = arith.constant 0 : i32
    %dma_wait3A_268 = tpu.memref_slice %arg9[%dma_wait3A_266, %dma_wait3A_267] : memref<10240x128xf32, #tpu.memory_space<vmem_shared>> -> memref<10240x128xf32, #tpu.memory_space<vmem_shared>>
    tpu.wait_indirect_dma semaphore(%arg13 : memref<!tpu.dma_semaphore, #tpu.memory_space<semaphore_mem>>) src(%dma_wait3A_262 : memref<128x128xf32, #tpu.memory_space<vmem>>) dst(%dma_wait3A_268 : memref<10240x128xf32, #tpu.memory_space<vmem_shared>>)
    %dma_wait3A_269 = arith.constant 0 : i32
    %dma_wait3A_270 = arith.constant 1 : i32
    %dma_wait3A_271 = arith.constant 1 : i32
    %dma_wait3A_272 = arith.constant 0 : i32
    %dma_wait3A_273 = tpu.memref_slice %arg6[%dma_wait3A_269, %dma_wait3A_270, %dma_wait3A_271, %dma_wait3A_272] : memref<2x2x2x128xi32, #tpu.memory_space<vmem>> -> memref<1x1x1x128xi32, #tpu.memory_space<vmem>>
    %dma_wait3A_274 = tpu.memref_squeeze %dma_wait3A_273 : memref<1x1x1x128xi32, #tpu.memory_space<vmem>> -> memref<128xi32, #tpu.memory_space<vmem>>
    %dma_wait3A_275 = arith.constant 0 : i32
    %dma_wait3A_276 = tpu.memref_slice %arg10[%dma_wait3A_275] : memref<10240xf32, #tpu.memory_space<vmem_shared>> -> memref<10240xf32, #tpu.memory_space<vmem_shared>>
    tpu.wait_indirect_dma semaphore(%arg13 : memref<!tpu.dma_semaphore, #tpu.memory_space<semaphore_mem>>) src(%arg8 : memref<128xf32, #tpu.memory_space<vmem>>) dst(%dma_wait3A_276 : memref<10240xf32, #tpu.memory_space<vmem_shared>>)
    %while3A = arith.constant 0 : i32
    %while3A_277 = arith.constant 1 : i32
    %while3A_278 = arith.subi %select_n3A, %while3A_277 : i32
    %while3A_279 = arith.addi %while3A_277, %while3A_278 : i32
    %while3A_280 = arith.constant 1 : i32
    %while3A_281 = arith.divsi %while3A_278, %while3A_280 : i32
    %while3A_282 = arith.muli %while3A_281, %while3A_280 : i32
    %while3A_283 = arith.addi %while3A_277, %while3A_282 : i32
    %while3A_284 = arith.constant 1 : i32
    scf.for %while3A_401 = %while3A_277 to %while3A_283 step %while3A_284  : i32 {
      %jit3A_402 = arith.constant 2 : i32
      %eq3A_403 = arith.constant 0 : i32
      %eq3A_404 = arith.cmpi eq, %jit3A_402, %eq3A_403 : i32
      %jit3A_405 = arith.constant 1 : i32
      %select_n3A_406 = arith.select %eq3A_404, %jit3A_405, %jit3A_402 : i32
      %rem3A_407 = arith.remsi %while3A_401, %select_n3A_406 : i32
      %ne3A_408 = arith.constant 0 : i32
      %ne3A_409 = arith.cmpi ne, %rem3A_407, %ne3A_408 : i32
      %lt3A_410 = arith.constant 0 : i32
      %lt3A_411 = arith.cmpi slt, %rem3A_407, %lt3A_410 : i32
      %lt3A_412 = arith.constant 0 : i32
      %lt3A_413 = arith.cmpi slt, %select_n3A_406, %lt3A_412 : i32
      %ne3A_414 = arith.xori %lt3A_411, %lt3A_413 : i1
      %and3A_415 = arith.andi %ne3A_414, %ne3A_409 : i1
      %add3A_416 = arith.addi %rem3A_407, %select_n3A_406 : i32
      %select_n3A_417 = arith.select %and3A_415, %add3A_416, %rem3A_407 : i32
      %add3A_418 = arith.addi %select_n3A_8, %while3A_401 : i32
      %dma_wait3A_419 = arith.constant 0 : i32
      %dma_wait3A_420 = arith.constant 0 : i32
      %dma_wait3A_421 = arith.constant 0 : i32
      %dma_wait3A_422 = tpu.memref_slice %arg6[%select_n3A_417, %dma_wait3A_419, %dma_wait3A_420, %dma_wait3A_421] : memref<2x2x2x128xi32, #tpu.memory_space<vmem>> -> memref<1x2x2x128xi32, #tpu.memory_space<vmem>>
      %dma_wait3A_423 = tpu.memref_squeeze %dma_wait3A_422 : memref<1x2x2x128xi32, #tpu.memory_space<vmem>> -> memref<2x2x128xi32, #tpu.memory_space<vmem>>
      %dma_wait3A_424 = arith.constant 0 : i32
      %dma_wait3A_425 = arith.constant 0 : i32
      %dma_wait3A_426 = arith.constant 0 : i32
      %dma_wait3A_427 = tpu.memref_slice %arg3[%add3A_418, %dma_wait3A_424, %dma_wait3A_425, %dma_wait3A_426] : memref<1280x2x2x128xi32, #tpu.memory_space<hbm>> -> memref<1x2x2x128xi32, #tpu.memory_space<hbm>>
      %dma_wait3A_428 = tpu.memref_squeeze %dma_wait3A_427 : memref<1x2x2x128xi32, #tpu.memory_space<hbm>> -> memref<2x2x128xi32, #tpu.memory_space<hbm>>
      %dma_wait3A_429 = arith.constant 0 : i32
      %dma_wait3A_430 = arith.constant 0 : i32
      %dma_wait3A_431 = arith.constant 0 : i32
      %dma_wait3A_432 = tpu.memref_slice %arg6[%select_n3A_417, %dma_wait3A_429, %dma_wait3A_430, %dma_wait3A_431] : memref<2x2x2x128xi32, #tpu.memory_space<vmem>> -> memref<1x2x2x128xi32, #tpu.memory_space<vmem>>
      %dma_wait3A_433 = tpu.memref_squeeze %dma_wait3A_432 : memref<1x2x2x128xi32, #tpu.memory_space<vmem>> -> memref<2x2x128xi32, #tpu.memory_space<vmem>>
      %dma_wait3A_434 = arith.constant 0 : i32
      %dma_wait3A_435 = arith.constant 0 : i32
      %dma_wait3A_436 = arith.constant 0 : i32
      %dma_wait3A_437 = tpu.memref_slice %arg3[%add3A_418, %dma_wait3A_434, %dma_wait3A_435, %dma_wait3A_436] : memref<1280x2x2x128xi32, #tpu.memory_space<hbm>> -> memref<1x2x2x128xi32, #tpu.memory_space<hbm>>
      %dma_wait3A_438 = tpu.memref_squeeze %dma_wait3A_437 : memref<1x2x2x128xi32, #tpu.memory_space<hbm>> -> memref<2x2x128xi32, #tpu.memory_space<hbm>>
      tpu.wait_dma2 semaphore(%arg11 : memref<!tpu.dma_semaphore, #tpu.memory_space<semaphore_mem>>) src(%dma_wait3A_438 : memref<2x2x128xi32, #tpu.memory_space<hbm>>) dst(%dma_wait3A_433 : memref<2x2x128xi32, #tpu.memory_space<vmem>>)
      %add3A_439 = arith.constant 1 : i32
      %add3A_440 = arith.addi %while3A_401, %add3A_439 : i32
      %sub3A_441 = arith.constant 1 : i32
      %sub3A_442 = arith.subi %select_n3A, %sub3A_441 : i32
      %min3A = arith.minsi %add3A_440, %sub3A_442 : i32
      %add3A_443 = arith.addi %select_n3A_8, %min3A : i32
      %add3A_444 = arith.constant 1 : i32
      %add3A_445 = arith.addi %while3A_401, %add3A_444 : i32
      %jit3A_446 = arith.constant 2 : i32
      %eq3A_447 = arith.constant 0 : i32
      %eq3A_448 = arith.cmpi eq, %jit3A_446, %eq3A_447 : i32
      %jit3A_449 = arith.constant 1 : i32
      %select_n3A_450 = arith.select %eq3A_448, %jit3A_449, %jit3A_446 : i32
      %rem3A_451 = arith.remsi %add3A_445, %select_n3A_450 : i32
      %ne3A_452 = arith.constant 0 : i32
      %ne3A_453 = arith.cmpi ne, %rem3A_451, %ne3A_452 : i32
      %lt3A_454 = arith.constant 0 : i32
      %lt3A_455 = arith.cmpi slt, %rem3A_451, %lt3A_454 : i32
      %lt3A_456 = arith.constant 0 : i32
      %lt3A_457 = arith.cmpi slt, %select_n3A_450, %lt3A_456 : i32
      %ne3A_458 = arith.xori %lt3A_455, %lt3A_457 : i1
      %and3A_459 = arith.andi %ne3A_458, %ne3A_453 : i1
      %add3A_460 = arith.addi %rem3A_451, %select_n3A_450 : i32
      %select_n3A_461 = arith.select %and3A_459, %add3A_460, %rem3A_451 : i32
      %dma_start3A_462 = arith.constant 0 : i32
      %dma_start3A_463 = arith.constant 0 : i32
      %dma_start3A_464 = arith.constant 0 : i32
      %dma_start3A_465 = tpu.memref_slice %arg6[%select_n3A_461, %dma_start3A_462, %dma_start3A_463, %dma_start3A_464] : memref<2x2x2x128xi32, #tpu.memory_space<vmem>> -> memref<1x2x2x128xi32, #tpu.memory_space<vmem>>
      %dma_start3A_466 = tpu.memref_squeeze %dma_start3A_465 : memref<1x2x2x128xi32, #tpu.memory_space<vmem>> -> memref<2x2x128xi32, #tpu.memory_space<vmem>>
      %dma_start3A_467 = arith.constant 0 : i32
      %dma_start3A_468 = arith.constant 0 : i32
      %dma_start3A_469 = arith.constant 0 : i32
      %dma_start3A_470 = tpu.memref_slice %arg3[%add3A_443, %dma_start3A_467, %dma_start3A_468, %dma_start3A_469] : memref<1280x2x2x128xi32, #tpu.memory_space<hbm>> -> memref<1x2x2x128xi32, #tpu.memory_space<hbm>>
      %dma_start3A_471 = tpu.memref_squeeze %dma_start3A_470 : memref<1x2x2x128xi32, #tpu.memory_space<hbm>> -> memref<2x2x128xi32, #tpu.memory_space<hbm>>
      %dma_start3A_472 = arith.constant 0 : i32
      %dma_start3A_473 = arith.constant 0 : i32
      %dma_start3A_474 = arith.constant 0 : i32
      %dma_start3A_475 = tpu.memref_slice %arg6[%select_n3A_461, %dma_start3A_472, %dma_start3A_473, %dma_start3A_474] : memref<2x2x2x128xi32, #tpu.memory_space<vmem>> -> memref<1x2x2x128xi32, #tpu.memory_space<vmem>>
      %dma_start3A_476 = tpu.memref_squeeze %dma_start3A_475 : memref<1x2x2x128xi32, #tpu.memory_space<vmem>> -> memref<2x2x128xi32, #tpu.memory_space<vmem>>
      %dma_start3A_477 = arith.constant 0 : i32
      %dma_start3A_478 = arith.constant 0 : i32
      %dma_start3A_479 = arith.constant 0 : i32
      %dma_start3A_480 = tpu.memref_slice %arg3[%add3A_443, %dma_start3A_477, %dma_start3A_478, %dma_start3A_479] : memref<1280x2x2x128xi32, #tpu.memory_space<hbm>> -> memref<1x2x2x128xi32, #tpu.memory_space<hbm>>
      %dma_start3A_481 = tpu.memref_squeeze %dma_start3A_480 : memref<1x2x2x128xi32, #tpu.memory_space<hbm>> -> memref<2x2x128xi32, #tpu.memory_space<hbm>>
      tpu.enqueue_dma source(%dma_start3A_481 : memref<2x2x128xi32, #tpu.memory_space<hbm>>) target(%dma_start3A_476 : memref<2x2x128xi32, #tpu.memory_space<vmem>>) target_semaphore(%arg11 : memref<!tpu.dma_semaphore, #tpu.memory_space<semaphore_mem>>)
      %dma_start3A_482 = arith.constant 0 : i32
      %dma_start3A_483 = arith.constant 0 : i32
      %dma_start3A_484 = arith.constant 0 : i32
      %dma_start3A_485 = arith.constant 0 : i32
      %dma_start3A_486 = arith.constant 0 : i32
      %dma_start3A_487 = tpu.memref_slice %arg7[%dma_start3A_484, %dma_start3A_485, %dma_start3A_486] : memref<2x128x128xf32, #tpu.memory_space<vmem>> -> memref<1x128x128xf32, #tpu.memory_space<vmem>>
      %dma_start3A_488 = tpu.memref_squeeze %dma_start3A_487 : memref<1x128x128xf32, #tpu.memory_space<vmem>> -> memref<128x128xf32, #tpu.memory_space<vmem>>
      %dma_start3A_489 = arith.constant 0 : i32
      %dma_start3A_490 = tpu.memref_slice %arg6[%select_n3A_417, %dma_start3A_482, %dma_start3A_483, %dma_start3A_489] : memref<2x2x2x128xi32, #tpu.memory_space<vmem>> -> memref<1x1x1x128xi32, #tpu.memory_space<vmem>>
      %dma_start3A_491 = tpu.memref_squeeze %dma_start3A_490 : memref<1x1x1x128xi32, #tpu.memory_space<vmem>> -> memref<128xi32, #tpu.memory_space<vmem>>
      %dma_start3A_492 = arith.constant 0 : i32
      %dma_start3A_493 = arith.constant 0 : i32
      %dma_start3A_494 = tpu.memref_slice %arg2[%dma_start3A_492, %dma_start3A_493] : memref<10000x128xf32, #tpu.memory_space<hbm>> -> memref<10000x128xf32, #tpu.memory_space<hbm>>
      tpu.enqueue_indirect_dma source(%dma_start3A_494 : memref<10000x128xf32, #tpu.memory_space<hbm>>) target(%dma_start3A_488 : memref<128x128xf32, #tpu.memory_space<vmem>>) offsets(%dma_start3A_491 : memref<128xi32, #tpu.memory_space<vmem>>) semaphore(%arg12 : memref<!tpu.dma_semaphore, #tpu.memory_space<semaphore_mem>>)
      %dma_start3A_495 = arith.constant 1 : i32
      %dma_start3A_496 = arith.constant 0 : i32
      %dma_start3A_497 = arith.constant 1 : i32
      %dma_start3A_498 = arith.constant 0 : i32
      %dma_start3A_499 = arith.constant 0 : i32
      %dma_start3A_500 = tpu.memref_slice %arg7[%dma_start3A_497, %dma_start3A_498, %dma_start3A_499] : memref<2x128x128xf32, #tpu.memory_space<vmem>> -> memref<1x128x128xf32, #tpu.memory_space<vmem>>
      %dma_start3A_501 = tpu.memref_squeeze %dma_start3A_500 : memref<1x128x128xf32, #tpu.memory_space<vmem>> -> memref<128x128xf32, #tpu.memory_space<vmem>>
      %dma_start3A_502 = arith.constant 0 : i32
      %dma_start3A_503 = tpu.memref_slice %arg6[%select_n3A_417, %dma_start3A_495, %dma_start3A_496, %dma_start3A_502] : memref<2x2x2x128xi32, #tpu.memory_space<vmem>> -> memref<1x1x1x128xi32, #tpu.memory_space<vmem>>
      %dma_start3A_504 = tpu.memref_squeeze %dma_start3A_503 : memref<1x1x1x128xi32, #tpu.memory_space<vmem>> -> memref<128xi32, #tpu.memory_space<vmem>>
      %dma_start3A_505 = arith.constant 0 : i32
      %dma_start3A_506 = arith.constant 0 : i32
      %dma_start3A_507 = tpu.memref_slice %arg2[%dma_start3A_505, %dma_start3A_506] : memref<10000x128xf32, #tpu.memory_space<hbm>> -> memref<10000x128xf32, #tpu.memory_space<hbm>>
      tpu.enqueue_indirect_dma source(%dma_start3A_507 : memref<10000x128xf32, #tpu.memory_space<hbm>>) target(%dma_start3A_501 : memref<128x128xf32, #tpu.memory_space<vmem>>) offsets(%dma_start3A_504 : memref<128xi32, #tpu.memory_space<vmem>>) semaphore(%arg12 : memref<!tpu.dma_semaphore, #tpu.memory_space<semaphore_mem>>)
      %dma_wait3A_508 = arith.constant 0 : i32
      %dma_wait3A_509 = arith.constant 0 : i32
      %dma_wait3A_510 = arith.constant 0 : i32
      %dma_wait3A_511 = arith.constant 0 : i32
      %dma_wait3A_512 = arith.constant 0 : i32
      %dma_wait3A_513 = tpu.memref_slice %arg7[%dma_wait3A_510, %dma_wait3A_511, %dma_wait3A_512] : memref<2x128x128xf32, #tpu.memory_space<vmem>> -> memref<1x128x128xf32, #tpu.memory_space<vmem>>
      %dma_wait3A_514 = tpu.memref_squeeze %dma_wait3A_513 : memref<1x128x128xf32, #tpu.memory_space<vmem>> -> memref<128x128xf32, #tpu.memory_space<vmem>>
      %dma_wait3A_515 = arith.constant 0 : i32
      %dma_wait3A_516 = tpu.memref_slice %arg6[%select_n3A_417, %dma_wait3A_508, %dma_wait3A_509, %dma_wait3A_515] : memref<2x2x2x128xi32, #tpu.memory_space<vmem>> -> memref<1x1x1x128xi32, #tpu.memory_space<vmem>>
      %dma_wait3A_517 = tpu.memref_squeeze %dma_wait3A_516 : memref<1x1x1x128xi32, #tpu.memory_space<vmem>> -> memref<128xi32, #tpu.memory_space<vmem>>
      %dma_wait3A_518 = arith.constant 0 : i32
      %dma_wait3A_519 = arith.constant 0 : i32
      %dma_wait3A_520 = tpu.memref_slice %arg2[%dma_wait3A_518, %dma_wait3A_519] : memref<10000x128xf32, #tpu.memory_space<hbm>> -> memref<10000x128xf32, #tpu.memory_space<hbm>>
      tpu.wait_indirect_dma semaphore(%arg12 : memref<!tpu.dma_semaphore, #tpu.memory_space<semaphore_mem>>) src(%dma_wait3A_520 : memref<10000x128xf32, #tpu.memory_space<hbm>>) dst(%dma_wait3A_514 : memref<128x128xf32, #tpu.memory_space<vmem>>)
      %dma_wait3A_521 = arith.constant 1 : i32
      %dma_wait3A_522 = arith.constant 0 : i32
      %dma_wait3A_523 = arith.constant 1 : i32
      %dma_wait3A_524 = arith.constant 0 : i32
      %dma_wait3A_525 = arith.constant 0 : i32
      %dma_wait3A_526 = tpu.memref_slice %arg7[%dma_wait3A_523, %dma_wait3A_524, %dma_wait3A_525] : memref<2x128x128xf32, #tpu.memory_space<vmem>> -> memref<1x128x128xf32, #tpu.memory_space<vmem>>
      %dma_wait3A_527 = tpu.memref_squeeze %dma_wait3A_526 : memref<1x128x128xf32, #tpu.memory_space<vmem>> -> memref<128x128xf32, #tpu.memory_space<vmem>>
      %dma_wait3A_528 = arith.constant 0 : i32
      %dma_wait3A_529 = tpu.memref_slice %arg6[%select_n3A_417, %dma_wait3A_521, %dma_wait3A_522, %dma_wait3A_528] : memref<2x2x2x128xi32, #tpu.memory_space<vmem>> -> memref<1x1x1x128xi32, #tpu.memory_space<vmem>>
      %dma_wait3A_530 = tpu.memref_squeeze %dma_wait3A_529 : memref<1x1x1x128xi32, #tpu.memory_space<vmem>> -> memref<128xi32, #tpu.memory_space<vmem>>
      %dma_wait3A_531 = arith.constant 0 : i32
      %dma_wait3A_532 = arith.constant 0 : i32
      %dma_wait3A_533 = tpu.memref_slice %arg2[%dma_wait3A_531, %dma_wait3A_532] : memref<10000x128xf32, #tpu.memory_space<hbm>> -> memref<10000x128xf32, #tpu.memory_space<hbm>>
      tpu.wait_indirect_dma semaphore(%arg12 : memref<!tpu.dma_semaphore, #tpu.memory_space<semaphore_mem>>) src(%dma_wait3A_533 : memref<10000x128xf32, #tpu.memory_space<hbm>>) dst(%dma_wait3A_527 : memref<128x128xf32, #tpu.memory_space<vmem>>)
      %dma_start3A_534 = arith.constant 0 : i32
      %dma_start3A_535 = arith.constant 0 : i32
      %dma_start3A_536 = arith.constant 1 : i32
      %dma_start3A_537 = arith.constant 0 : i32
      %dma_start3A_538 = arith.constant 0 : i32
      %dma_start3A_539 = tpu.memref_slice %arg7[%dma_start3A_534, %dma_start3A_537, %dma_start3A_538] : memref<2x128x128xf32, #tpu.memory_space<vmem>> -> memref<1x128x128xf32, #tpu.memory_space<vmem>>
      %dma_start3A_540 = tpu.memref_squeeze %dma_start3A_539 : memref<1x128x128xf32, #tpu.memory_space<vmem>> -> memref<128x128xf32, #tpu.memory_space<vmem>>
      %dma_start3A_541 = arith.constant 0 : i32
      %dma_start3A_542 = tpu.memref_slice %arg6[%select_n3A_417, %dma_start3A_535, %dma_start3A_536, %dma_start3A_541] : memref<2x2x2x128xi32, #tpu.memory_space<vmem>> -> memref<1x1x1x128xi32, #tpu.memory_space<vmem>>
      %dma_start3A_543 = tpu.memref_squeeze %dma_start3A_542 : memref<1x1x1x128xi32, #tpu.memory_space<vmem>> -> memref<128xi32, #tpu.memory_space<vmem>>
      %dma_start3A_544 = arith.constant 0 : i32
      %dma_start3A_545 = arith.constant 0 : i32
      %dma_start3A_546 = tpu.memref_slice %arg9[%dma_start3A_544, %dma_start3A_545] : memref<10240x128xf32, #tpu.memory_space<vmem_shared>> -> memref<10240x128xf32, #tpu.memory_space<vmem_shared>>
      tpu.enqueue_indirect_dma source(%dma_start3A_540 : memref<128x128xf32, #tpu.memory_space<vmem>>) target(%dma_start3A_546 : memref<10240x128xf32, #tpu.memory_space<vmem_shared>>) offsets(%dma_start3A_543 : memref<128xi32, #tpu.memory_space<vmem>>) semaphore(%arg13 : memref<!tpu.dma_semaphore, #tpu.memory_space<semaphore_mem>>) {add = true}
      %dma_start3A_547 = arith.constant 0 : i32
      %dma_start3A_548 = arith.constant 1 : i32
      %dma_start3A_549 = arith.constant 0 : i32
      %dma_start3A_550 = tpu.memref_slice %arg6[%select_n3A_417, %dma_start3A_547, %dma_start3A_548, %dma_start3A_549] : memref<2x2x2x128xi32, #tpu.memory_space<vmem>> -> memref<1x1x1x128xi32, #tpu.memory_space<vmem>>
      %dma_start3A_551 = tpu.memref_squeeze %dma_start3A_550 : memref<1x1x1x128xi32, #tpu.memory_space<vmem>> -> memref<128xi32, #tpu.memory_space<vmem>>
      %dma_start3A_552 = arith.constant 0 : i32
      %dma_start3A_553 = tpu.memref_slice %arg10[%dma_start3A_552] : memref<10240xf32, #tpu.memory_space<vmem_shared>> -> memref<10240xf32, #tpu.memory_space<vmem_shared>>
      tpu.enqueue_indirect_dma source(%arg8 : memref<128xf32, #tpu.memory_space<vmem>>) target(%dma_start3A_553 : memref<10240xf32, #tpu.memory_space<vmem_shared>>) offsets(%dma_start3A_551 : memref<128xi32, #tpu.memory_space<vmem>>) semaphore(%arg13 : memref<!tpu.dma_semaphore, #tpu.memory_space<semaphore_mem>>) {add = true}
      %dma_start3A_554 = arith.constant 1 : i32
      %dma_start3A_555 = arith.constant 1 : i32
      %dma_start3A_556 = arith.constant 1 : i32
      %dma_start3A_557 = arith.constant 0 : i32
      %dma_start3A_558 = arith.constant 0 : i32
      %dma_start3A_559 = tpu.memref_slice %arg7[%dma_start3A_554, %dma_start3A_557, %dma_start3A_558] : memref<2x128x128xf32, #tpu.memory_space<vmem>> -> memref<1x128x128xf32, #tpu.memory_space<vmem>>
      %dma_start3A_560 = tpu.memref_squeeze %dma_start3A_559 : memref<1x128x128xf32, #tpu.memory_space<vmem>> -> memref<128x128xf32, #tpu.memory_space<vmem>>
      %dma_start3A_561 = arith.constant 0 : i32
      %dma_start3A_562 = tpu.memref_slice %arg6[%select_n3A_417, %dma_start3A_555, %dma_start3A_556, %dma_start3A_561] : memref<2x2x2x128xi32, #tpu.memory_space<vmem>> -> memref<1x1x1x128xi32, #tpu.memory_space<vmem>>
      %dma_start3A_563 = tpu.memref_squeeze %dma_start3A_562 : memref<1x1x1x128xi32, #tpu.memory_space<vmem>> -> memref<128xi32, #tpu.memory_space<vmem>>
      %dma_start3A_564 = arith.constant 0 : i32
      %dma_start3A_565 = arith.constant 0 : i32
      %dma_start3A_566 = tpu.memref_slice %arg9[%dma_start3A_564, %dma_start3A_565] : memref<10240x128xf32, #tpu.memory_space<vmem_shared>> -> memref<10240x128xf32, #tpu.memory_space<vmem_shared>>
      tpu.enqueue_indirect_dma source(%dma_start3A_560 : memref<128x128xf32, #tpu.memory_space<vmem>>) target(%dma_start3A_566 : memref<10240x128xf32, #tpu.memory_space<vmem_shared>>) offsets(%dma_start3A_563 : memref<128xi32, #tpu.memory_space<vmem>>) semaphore(%arg13 : memref<!tpu.dma_semaphore, #tpu.memory_space<semaphore_mem>>) {add = true}
      %dma_start3A_567 = arith.constant 1 : i32
      %dma_start3A_568 = arith.constant 1 : i32
      %dma_start3A_569 = arith.constant 0 : i32
      %dma_start3A_570 = tpu.memref_slice %arg6[%select_n3A_417, %dma_start3A_567, %dma_start3A_568, %dma_start3A_569] : memref<2x2x2x128xi32, #tpu.memory_space<vmem>> -> memref<1x1x1x128xi32, #tpu.memory_space<vmem>>
      %dma_start3A_571 = tpu.memref_squeeze %dma_start3A_570 : memref<1x1x1x128xi32, #tpu.memory_space<vmem>> -> memref<128xi32, #tpu.memory_space<vmem>>
      %dma_start3A_572 = arith.constant 0 : i32
      %dma_start3A_573 = tpu.memref_slice %arg10[%dma_start3A_572] : memref<10240xf32, #tpu.memory_space<vmem_shared>> -> memref<10240xf32, #tpu.memory_space<vmem_shared>>
      tpu.enqueue_indirect_dma source(%arg8 : memref<128xf32, #tpu.memory_space<vmem>>) target(%dma_start3A_573 : memref<10240xf32, #tpu.memory_space<vmem_shared>>) offsets(%dma_start3A_571 : memref<128xi32, #tpu.memory_space<vmem>>) semaphore(%arg13 : memref<!tpu.dma_semaphore, #tpu.memory_space<semaphore_mem>>) {add = true}
      %dma_wait3A_574 = arith.constant 0 : i32
      %dma_wait3A_575 = arith.constant 0 : i32
      %dma_wait3A_576 = arith.constant 1 : i32
      %dma_wait3A_577 = arith.constant 0 : i32
      %dma_wait3A_578 = arith.constant 0 : i32
      %dma_wait3A_579 = tpu.memref_slice %arg7[%dma_wait3A_574, %dma_wait3A_577, %dma_wait3A_578] : memref<2x128x128xf32, #tpu.memory_space<vmem>> -> memref<1x128x128xf32, #tpu.memory_space<vmem>>
      %dma_wait3A_580 = tpu.memref_squeeze %dma_wait3A_579 : memref<1x128x128xf32, #tpu.memory_space<vmem>> -> memref<128x128xf32, #tpu.memory_space<vmem>>
      %dma_wait3A_581 = arith.constant 0 : i32
      %dma_wait3A_582 = tpu.memref_slice %arg6[%select_n3A_417, %dma_wait3A_575, %dma_wait3A_576, %dma_wait3A_581] : memref<2x2x2x128xi32, #tpu.memory_space<vmem>> -> memref<1x1x1x128xi32, #tpu.memory_space<vmem>>
      %dma_wait3A_583 = tpu.memref_squeeze %dma_wait3A_582 : memref<1x1x1x128xi32, #tpu.memory_space<vmem>> -> memref<128xi32, #tpu.memory_space<vmem>>
      %dma_wait3A_584 = arith.constant 0 : i32
      %dma_wait3A_585 = arith.constant 0 : i32
      %dma_wait3A_586 = tpu.memref_slice %arg9[%dma_wait3A_584, %dma_wait3A_585] : memref<10240x128xf32, #tpu.memory_space<vmem_shared>> -> memref<10240x128xf32, #tpu.memory_space<vmem_shared>>
      tpu.wait_indirect_dma semaphore(%arg13 : memref<!tpu.dma_semaphore, #tpu.memory_space<semaphore_mem>>) src(%dma_wait3A_580 : memref<128x128xf32, #tpu.memory_space<vmem>>) dst(%dma_wait3A_586 : memref<10240x128xf32, #tpu.memory_space<vmem_shared>>)
      %dma_wait3A_587 = arith.constant 0 : i32
      %dma_wait3A_588 = arith.constant 1 : i32
      %dma_wait3A_589 = arith.constant 0 : i32
      %dma_wait3A_590 = tpu.memref_slice %arg6[%select_n3A_417, %dma_wait3A_587, %dma_wait3A_588, %dma_wait3A_589] : memref<2x2x2x128xi32, #tpu.memory_space<vmem>> -> memref<1x1x1x128xi32, #tpu.memory_space<vmem>>
      %dma_wait3A_591 = tpu.memref_squeeze %dma_wait3A_590 : memref<1x1x1x128xi32, #tpu.memory_space<vmem>> -> memref<128xi32, #tpu.memory_space<vmem>>
      %dma_wait3A_592 = arith.constant 0 : i32
      %dma_wait3A_593 = tpu.memref_slice %arg10[%dma_wait3A_592] : memref<10240xf32, #tpu.memory_space<vmem_shared>> -> memref<10240xf32, #tpu.memory_space<vmem_shared>>
      tpu.wait_indirect_dma semaphore(%arg13 : memref<!tpu.dma_semaphore, #tpu.memory_space<semaphore_mem>>) src(%arg8 : memref<128xf32, #tpu.memory_space<vmem>>) dst(%dma_wait3A_593 : memref<10240xf32, #tpu.memory_space<vmem_shared>>)
      %dma_wait3A_594 = arith.constant 1 : i32
      %dma_wait3A_595 = arith.constant 1 : i32
      %dma_wait3A_596 = arith.constant 1 : i32
      %dma_wait3A_597 = arith.constant 0 : i32
      %dma_wait3A_598 = arith.constant 0 : i32
      %dma_wait3A_599 = tpu.memref_slice %arg7[%dma_wait3A_594, %dma_wait3A_597, %dma_wait3A_598] : memref<2x128x128xf32, #tpu.memory_space<vmem>> -> memref<1x128x128xf32, #tpu.memory_space<vmem>>
      %dma_wait3A_600 = tpu.memref_squeeze %dma_wait3A_599 : memref<1x128x128xf32, #tpu.memory_space<vmem>> -> memref<128x128xf32, #tpu.memory_space<vmem>>
      %dma_wait3A_601 = arith.constant 0 : i32
      %dma_wait3A_602 = tpu.memref_slice %arg6[%select_n3A_417, %dma_wait3A_595, %dma_wait3A_596, %dma_wait3A_601] : memref<2x2x2x128xi32, #tpu.memory_space<vmem>> -> memref<1x1x1x128xi32, #tpu.memory_space<vmem>>
      %dma_wait3A_603 = tpu.memref_squeeze %dma_wait3A_602 : memref<1x1x1x128xi32, #tpu.memory_space<vmem>> -> memref<128xi32, #tpu.memory_space<vmem>>
      %dma_wait3A_604 = arith.constant 0 : i32
      %dma_wait3A_605 = arith.constant 0 : i32
      %dma_wait3A_606 = tpu.memref_slice %arg9[%dma_wait3A_604, %dma_wait3A_605] : memref<10240x128xf32, #tpu.memory_space<vmem_shared>> -> memref<10240x128xf32, #tpu.memory_space<vmem_shared>>
      tpu.wait_indirect_dma semaphore(%arg13 : memref<!tpu.dma_semaphore, #tpu.memory_space<semaphore_mem>>) src(%dma_wait3A_600 : memref<128x128xf32, #tpu.memory_space<vmem>>) dst(%dma_wait3A_606 : memref<10240x128xf32, #tpu.memory_space<vmem_shared>>)
      %dma_wait3A_607 = arith.constant 1 : i32
      %dma_wait3A_608 = arith.constant 1 : i32
      %dma_wait3A_609 = arith.constant 0 : i32
      %dma_wait3A_610 = tpu.memref_slice %arg6[%select_n3A_417, %dma_wait3A_607, %dma_wait3A_608, %dma_wait3A_609] : memref<2x2x2x128xi32, #tpu.memory_space<vmem>> -> memref<1x1x1x128xi32, #tpu.memory_space<vmem>>
      %dma_wait3A_611 = tpu.memref_squeeze %dma_wait3A_610 : memref<1x1x1x128xi32, #tpu.memory_space<vmem>> -> memref<128xi32, #tpu.memory_space<vmem>>
      %dma_wait3A_612 = arith.constant 0 : i32
      %dma_wait3A_613 = tpu.memref_slice %arg10[%dma_wait3A_612] : memref<10240xf32, #tpu.memory_space<vmem_shared>> -> memref<10240xf32, #tpu.memory_space<vmem_shared>>
      tpu.wait_indirect_dma semaphore(%arg13 : memref<!tpu.dma_semaphore, #tpu.memory_space<semaphore_mem>>) src(%arg8 : memref<128xf32, #tpu.memory_space<vmem>>) dst(%dma_wait3A_613 : memref<10240xf32, #tpu.memory_space<vmem_shared>>)
    }
    %while3A_285 = arith.constant 1 : i32
    scf.for %while3A_401 = %while3A_283 to %while3A_279 step %while3A_285  : i32 {
      %jit3A_402 = arith.constant 2 : i32
      %eq3A_403 = arith.constant 0 : i32
      %eq3A_404 = arith.cmpi eq, %jit3A_402, %eq3A_403 : i32
      %jit3A_405 = arith.constant 1 : i32
      %select_n3A_406 = arith.select %eq3A_404, %jit3A_405, %jit3A_402 : i32
      %rem3A_407 = arith.remsi %while3A_401, %select_n3A_406 : i32
      %ne3A_408 = arith.constant 0 : i32
      %ne3A_409 = arith.cmpi ne, %rem3A_407, %ne3A_408 : i32
      %lt3A_410 = arith.constant 0 : i32
      %lt3A_411 = arith.cmpi slt, %rem3A_407, %lt3A_410 : i32
      %lt3A_412 = arith.constant 0 : i32
      %lt3A_413 = arith.cmpi slt, %select_n3A_406, %lt3A_412 : i32
      %ne3A_414 = arith.xori %lt3A_411, %lt3A_413 : i1
      %and3A_415 = arith.andi %ne3A_414, %ne3A_409 : i1
      %add3A_416 = arith.addi %rem3A_407, %select_n3A_406 : i32
      %select_n3A_417 = arith.select %and3A_415, %add3A_416, %rem3A_407 : i32
      %add3A_418 = arith.addi %select_n3A_8, %while3A_401 : i32
      %dma_wait3A_419 = arith.constant 0 : i32
      %dma_wait3A_420 = arith.constant 0 : i32
      %dma_wait3A_421 = arith.constant 0 : i32
      %dma_wait3A_422 = tpu.memref_slice %arg6[%select_n3A_417, %dma_wait3A_419, %dma_wait3A_420, %dma_wait3A_421] : memref<2x2x2x128xi32, #tpu.memory_space<vmem>> -> memref<1x2x2x128xi32, #tpu.memory_space<vmem>>
      %dma_wait3A_423 = tpu.memref_squeeze %dma_wait3A_422 : memref<1x2x2x128xi32, #tpu.memory_space<vmem>> -> memref<2x2x128xi32, #tpu.memory_space<vmem>>
      %dma_wait3A_424 = arith.constant 0 : i32
      %dma_wait3A_425 = arith.constant 0 : i32
      %dma_wait3A_426 = arith.constant 0 : i32
      %dma_wait3A_427 = tpu.memref_slice %arg3[%add3A_418, %dma_wait3A_424, %dma_wait3A_425, %dma_wait3A_426] : memref<1280x2x2x128xi32, #tpu.memory_space<hbm>> -> memref<1x2x2x128xi32, #tpu.memory_space<hbm>>
      %dma_wait3A_428 = tpu.memref_squeeze %dma_wait3A_427 : memref<1x2x2x128xi32, #tpu.memory_space<hbm>> -> memref<2x2x128xi32, #tpu.memory_space<hbm>>
      %dma_wait3A_429 = arith.constant 0 : i32
      %dma_wait3A_430 = arith.constant 0 : i32
      %dma_wait3A_431 = arith.constant 0 : i32
      %dma_wait3A_432 = tpu.memref_slice %arg6[%select_n3A_417, %dma_wait3A_429, %dma_wait3A_430, %dma_wait3A_431] : memref<2x2x2x128xi32, #tpu.memory_space<vmem>> -> memref<1x2x2x128xi32, #tpu.memory_space<vmem>>
      %dma_wait3A_433 = tpu.memref_squeeze %dma_wait3A_432 : memref<1x2x2x128xi32, #tpu.memory_space<vmem>> -> memref<2x2x128xi32, #tpu.memory_space<vmem>>
      %dma_wait3A_434 = arith.constant 0 : i32
      %dma_wait3A_435 = arith.constant 0 : i32
      %dma_wait3A_436 = arith.constant 0 : i32
      %dma_wait3A_437 = tpu.memref_slice %arg3[%add3A_418, %dma_wait3A_434, %dma_wait3A_435, %dma_wait3A_436] : memref<1280x2x2x128xi32, #tpu.memory_space<hbm>> -> memref<1x2x2x128xi32, #tpu.memory_space<hbm>>
      %dma_wait3A_438 = tpu.memref_squeeze %dma_wait3A_437 : memref<1x2x2x128xi32, #tpu.memory_space<hbm>> -> memref<2x2x128xi32, #tpu.memory_space<hbm>>
      tpu.wait_dma2 semaphore(%arg11 : memref<!tpu.dma_semaphore, #tpu.memory_space<semaphore_mem>>) src(%dma_wait3A_438 : memref<2x2x128xi32, #tpu.memory_space<hbm>>) dst(%dma_wait3A_433 : memref<2x2x128xi32, #tpu.memory_space<vmem>>)
      %add3A_439 = arith.constant 1 : i32
      %add3A_440 = arith.addi %while3A_401, %add3A_439 : i32
      %sub3A_441 = arith.constant 1 : i32
      %sub3A_442 = arith.subi %select_n3A, %sub3A_441 : i32
      %min3A = arith.minsi %add3A_440, %sub3A_442 : i32
      %add3A_443 = arith.addi %select_n3A_8, %min3A : i32
      %add3A_444 = arith.constant 1 : i32
      %add3A_445 = arith.addi %while3A_401, %add3A_444 : i32
      %jit3A_446 = arith.constant 2 : i32
      %eq3A_447 = arith.constant 0 : i32
      %eq3A_448 = arith.cmpi eq, %jit3A_446, %eq3A_447 : i32
      %jit3A_449 = arith.constant 1 : i32
      %select_n3A_450 = arith.select %eq3A_448, %jit3A_449, %jit3A_446 : i32
      %rem3A_451 = arith.remsi %add3A_445, %select_n3A_450 : i32
      %ne3A_452 = arith.constant 0 : i32
      %ne3A_453 = arith.cmpi ne, %rem3A_451, %ne3A_452 : i32
      %lt3A_454 = arith.constant 0 : i32
      %lt3A_455 = arith.cmpi slt, %rem3A_451, %lt3A_454 : i32
      %lt3A_456 = arith.constant 0 : i32
      %lt3A_457 = arith.cmpi slt, %select_n3A_450, %lt3A_456 : i32
      %ne3A_458 = arith.xori %lt3A_455, %lt3A_457 : i1
      %and3A_459 = arith.andi %ne3A_458, %ne3A_453 : i1
      %add3A_460 = arith.addi %rem3A_451, %select_n3A_450 : i32
      %select_n3A_461 = arith.select %and3A_459, %add3A_460, %rem3A_451 : i32
      %dma_start3A_462 = arith.constant 0 : i32
      %dma_start3A_463 = arith.constant 0 : i32
      %dma_start3A_464 = arith.constant 0 : i32
      %dma_start3A_465 = tpu.memref_slice %arg6[%select_n3A_461, %dma_start3A_462, %dma_start3A_463, %dma_start3A_464] : memref<2x2x2x128xi32, #tpu.memory_space<vmem>> -> memref<1x2x2x128xi32, #tpu.memory_space<vmem>>
      %dma_start3A_466 = tpu.memref_squeeze %dma_start3A_465 : memref<1x2x2x128xi32, #tpu.memory_space<vmem>> -> memref<2x2x128xi32, #tpu.memory_space<vmem>>
      %dma_start3A_467 = arith.constant 0 : i32
      %dma_start3A_468 = arith.constant 0 : i32
      %dma_start3A_469 = arith.constant 0 : i32
      %dma_start3A_470 = tpu.memref_slice %arg3[%add3A_443, %dma_start3A_467, %dma_start3A_468, %dma_start3A_469] : memref<1280x2x2x128xi32, #tpu.memory_space<hbm>> -> memref<1x2x2x128xi32, #tpu.memory_space<hbm>>
      %dma_start3A_471 = tpu.memref_squeeze %dma_start3A_470 : memref<1x2x2x128xi32, #tpu.memory_space<hbm>> -> memref<2x2x128xi32, #tpu.memory_space<hbm>>
      %dma_start3A_472 = arith.constant 0 : i32
      %dma_start3A_473 = arith.constant 0 : i32
      %dma_start3A_474 = arith.constant 0 : i32
      %dma_start3A_475 = tpu.memref_slice %arg6[%select_n3A_461, %dma_start3A_472, %dma_start3A_473, %dma_start3A_474] : memref<2x2x2x128xi32, #tpu.memory_space<vmem>> -> memref<1x2x2x128xi32, #tpu.memory_space<vmem>>
      %dma_start3A_476 = tpu.memref_squeeze %dma_start3A_475 : memref<1x2x2x128xi32, #tpu.memory_space<vmem>> -> memref<2x2x128xi32, #tpu.memory_space<vmem>>
      %dma_start3A_477 = arith.constant 0 : i32
      %dma_start3A_478 = arith.constant 0 : i32
      %dma_start3A_479 = arith.constant 0 : i32
      %dma_start3A_480 = tpu.memref_slice %arg3[%add3A_443, %dma_start3A_477, %dma_start3A_478, %dma_start3A_479] : memref<1280x2x2x128xi32, #tpu.memory_space<hbm>> -> memref<1x2x2x128xi32, #tpu.memory_space<hbm>>
      %dma_start3A_481 = tpu.memref_squeeze %dma_start3A_480 : memref<1x2x2x128xi32, #tpu.memory_space<hbm>> -> memref<2x2x128xi32, #tpu.memory_space<hbm>>
      tpu.enqueue_dma source(%dma_start3A_481 : memref<2x2x128xi32, #tpu.memory_space<hbm>>) target(%dma_start3A_476 : memref<2x2x128xi32, #tpu.memory_space<vmem>>) target_semaphore(%arg11 : memref<!tpu.dma_semaphore, #tpu.memory_space<semaphore_mem>>)
      %dma_start3A_482 = arith.constant 0 : i32
      %dma_start3A_483 = arith.constant 0 : i32
      %dma_start3A_484 = arith.constant 0 : i32
      %dma_start3A_485 = arith.constant 0 : i32
      %dma_start3A_486 = arith.constant 0 : i32
      %dma_start3A_487 = tpu.memref_slice %arg7[%dma_start3A_484, %dma_start3A_485, %dma_start3A_486] : memref<2x128x128xf32, #tpu.memory_space<vmem>> -> memref<1x128x128xf32, #tpu.memory_space<vmem>>
      %dma_start3A_488 = tpu.memref_squeeze %dma_start3A_487 : memref<1x128x128xf32, #tpu.memory_space<vmem>> -> memref<128x128xf32, #tpu.memory_space<vmem>>
      %dma_start3A_489 = arith.constant 0 : i32
      %dma_start3A_490 = tpu.memref_slice %arg6[%select_n3A_417, %dma_start3A_482, %dma_start3A_483, %dma_start3A_489] : memref<2x2x2x128xi32, #tpu.memory_space<vmem>> -> memref<1x1x1x128xi32, #tpu.memory_space<vmem>>
      %dma_start3A_491 = tpu.memref_squeeze %dma_start3A_490 : memref<1x1x1x128xi32, #tpu.memory_space<vmem>> -> memref<128xi32, #tpu.memory_space<vmem>>
      %dma_start3A_492 = arith.constant 0 : i32
      %dma_start3A_493 = arith.constant 0 : i32
      %dma_start3A_494 = tpu.memref_slice %arg2[%dma_start3A_492, %dma_start3A_493] : memref<10000x128xf32, #tpu.memory_space<hbm>> -> memref<10000x128xf32, #tpu.memory_space<hbm>>
      tpu.enqueue_indirect_dma source(%dma_start3A_494 : memref<10000x128xf32, #tpu.memory_space<hbm>>) target(%dma_start3A_488 : memref<128x128xf32, #tpu.memory_space<vmem>>) offsets(%dma_start3A_491 : memref<128xi32, #tpu.memory_space<vmem>>) semaphore(%arg12 : memref<!tpu.dma_semaphore, #tpu.memory_space<semaphore_mem>>)
      %dma_start3A_495 = arith.constant 1 : i32
      %dma_start3A_496 = arith.constant 0 : i32
      %dma_start3A_497 = arith.constant 1 : i32
      %dma_start3A_498 = arith.constant 0 : i32
      %dma_start3A_499 = arith.constant 0 : i32
      %dma_start3A_500 = tpu.memref_slice %arg7[%dma_start3A_497, %dma_start3A_498, %dma_start3A_499] : memref<2x128x128xf32, #tpu.memory_space<vmem>> -> memref<1x128x128xf32, #tpu.memory_space<vmem>>
      %dma_start3A_501 = tpu.memref_squeeze %dma_start3A_500 : memref<1x128x128xf32, #tpu.memory_space<vmem>> -> memref<128x128xf32, #tpu.memory_space<vmem>>
      %dma_start3A_502 = arith.constant 0 : i32
      %dma_start3A_503 = tpu.memref_slice %arg6[%select_n3A_417, %dma_start3A_495, %dma_start3A_496, %dma_start3A_502] : memref<2x2x2x128xi32, #tpu.memory_space<vmem>> -> memref<1x1x1x128xi32, #tpu.memory_space<vmem>>
      %dma_start3A_504 = tpu.memref_squeeze %dma_start3A_503 : memref<1x1x1x128xi32, #tpu.memory_space<vmem>> -> memref<128xi32, #tpu.memory_space<vmem>>
      %dma_start3A_505 = arith.constant 0 : i32
      %dma_start3A_506 = arith.constant 0 : i32
      %dma_start3A_507 = tpu.memref_slice %arg2[%dma_start3A_505, %dma_start3A_506] : memref<10000x128xf32, #tpu.memory_space<hbm>> -> memref<10000x128xf32, #tpu.memory_space<hbm>>
      tpu.enqueue_indirect_dma source(%dma_start3A_507 : memref<10000x128xf32, #tpu.memory_space<hbm>>) target(%dma_start3A_501 : memref<128x128xf32, #tpu.memory_space<vmem>>) offsets(%dma_start3A_504 : memref<128xi32, #tpu.memory_space<vmem>>) semaphore(%arg12 : memref<!tpu.dma_semaphore, #tpu.memory_space<semaphore_mem>>)
      %dma_wait3A_508 = arith.constant 0 : i32
      %dma_wait3A_509 = arith.constant 0 : i32
      %dma_wait3A_510 = arith.constant 0 : i32
      %dma_wait3A_511 = arith.constant 0 : i32
      %dma_wait3A_512 = arith.constant 0 : i32
      %dma_wait3A_513 = tpu.memref_slice %arg7[%dma_wait3A_510, %dma_wait3A_511, %dma_wait3A_512] : memref<2x128x128xf32, #tpu.memory_space<vmem>> -> memref<1x128x128xf32, #tpu.memory_space<vmem>>
      %dma_wait3A_514 = tpu.memref_squeeze %dma_wait3A_513 : memref<1x128x128xf32, #tpu.memory_space<vmem>> -> memref<128x128xf32, #tpu.memory_space<vmem>>
      %dma_wait3A_515 = arith.constant 0 : i32
      %dma_wait3A_516 = tpu.memref_slice %arg6[%select_n3A_417, %dma_wait3A_508, %dma_wait3A_509, %dma_wait3A_515] : memref<2x2x2x128xi32, #tpu.memory_space<vmem>> -> memref<1x1x1x128xi32, #tpu.memory_space<vmem>>
      %dma_wait3A_517 = tpu.memref_squeeze %dma_wait3A_516 : memref<1x1x1x128xi32, #tpu.memory_space<vmem>> -> memref<128xi32, #tpu.memory_space<vmem>>
      %dma_wait3A_518 = arith.constant 0 : i32
      %dma_wait3A_519 = arith.constant 0 : i32
      %dma_wait3A_520 = tpu.memref_slice %arg2[%dma_wait3A_518, %dma_wait3A_519] : memref<10000x128xf32, #tpu.memory_space<hbm>> -> memref<10000x128xf32, #tpu.memory_space<hbm>>
      tpu.wait_indirect_dma semaphore(%arg12 : memref<!tpu.dma_semaphore, #tpu.memory_space<semaphore_mem>>) src(%dma_wait3A_520 : memref<10000x128xf32, #tpu.memory_space<hbm>>) dst(%dma_wait3A_514 : memref<128x128xf32, #tpu.memory_space<vmem>>)
      %dma_wait3A_521 = arith.constant 1 : i32
      %dma_wait3A_522 = arith.constant 0 : i32
      %dma_wait3A_523 = arith.constant 1 : i32
      %dma_wait3A_524 = arith.constant 0 : i32
      %dma_wait3A_525 = arith.constant 0 : i32
      %dma_wait3A_526 = tpu.memref_slice %arg7[%dma_wait3A_523, %dma_wait3A_524, %dma_wait3A_525] : memref<2x128x128xf32, #tpu.memory_space<vmem>> -> memref<1x128x128xf32, #tpu.memory_space<vmem>>
      %dma_wait3A_527 = tpu.memref_squeeze %dma_wait3A_526 : memref<1x128x128xf32, #tpu.memory_space<vmem>> -> memref<128x128xf32, #tpu.memory_space<vmem>>
      %dma_wait3A_528 = arith.constant 0 : i32
      %dma_wait3A_529 = tpu.memref_slice %arg6[%select_n3A_417, %dma_wait3A_521, %dma_wait3A_522, %dma_wait3A_528] : memref<2x2x2x128xi32, #tpu.memory_space<vmem>> -> memref<1x1x1x128xi32, #tpu.memory_space<vmem>>
      %dma_wait3A_530 = tpu.memref_squeeze %dma_wait3A_529 : memref<1x1x1x128xi32, #tpu.memory_space<vmem>> -> memref<128xi32, #tpu.memory_space<vmem>>
      %dma_wait3A_531 = arith.constant 0 : i32
      %dma_wait3A_532 = arith.constant 0 : i32
      %dma_wait3A_533 = tpu.memref_slice %arg2[%dma_wait3A_531, %dma_wait3A_532] : memref<10000x128xf32, #tpu.memory_space<hbm>> -> memref<10000x128xf32, #tpu.memory_space<hbm>>
      tpu.wait_indirect_dma semaphore(%arg12 : memref<!tpu.dma_semaphore, #tpu.memory_space<semaphore_mem>>) src(%dma_wait3A_533 : memref<10000x128xf32, #tpu.memory_space<hbm>>) dst(%dma_wait3A_527 : memref<128x128xf32, #tpu.memory_space<vmem>>)
      %dma_start3A_534 = arith.constant 0 : i32
      %dma_start3A_535 = arith.constant 0 : i32
      %dma_start3A_536 = arith.constant 1 : i32
      %dma_start3A_537 = arith.constant 0 : i32
      %dma_start3A_538 = arith.constant 0 : i32
      %dma_start3A_539 = tpu.memref_slice %arg7[%dma_start3A_534, %dma_start3A_537, %dma_start3A_538] : memref<2x128x128xf32, #tpu.memory_space<vmem>> -> memref<1x128x128xf32, #tpu.memory_space<vmem>>
      %dma_start3A_540 = tpu.memref_squeeze %dma_start3A_539 : memref<1x128x128xf32, #tpu.memory_space<vmem>> -> memref<128x128xf32, #tpu.memory_space<vmem>>
      %dma_start3A_541 = arith.constant 0 : i32
      %dma_start3A_542 = tpu.memref_slice %arg6[%select_n3A_417, %dma_start3A_535, %dma_start3A_536, %dma_start3A_541] : memref<2x2x2x128xi32, #tpu.memory_space<vmem>> -> memref<1x1x1x128xi32, #tpu.memory_space<vmem>>
      %dma_start3A_543 = tpu.memref_squeeze %dma_start3A_542 : memref<1x1x1x128xi32, #tpu.memory_space<vmem>> -> memref<128xi32, #tpu.memory_space<vmem>>
      %dma_start3A_544 = arith.constant 0 : i32
      %dma_start3A_545 = arith.constant 0 : i32
      %dma_start3A_546 = tpu.memref_slice %arg9[%dma_start3A_544, %dma_start3A_545] : memref<10240x128xf32, #tpu.memory_space<vmem_shared>> -> memref<10240x128xf32, #tpu.memory_space<vmem_shared>>
      tpu.enqueue_indirect_dma source(%dma_start3A_540 : memref<128x128xf32, #tpu.memory_space<vmem>>) target(%dma_start3A_546 : memref<10240x128xf32, #tpu.memory_space<vmem_shared>>) offsets(%dma_start3A_543 : memref<128xi32, #tpu.memory_space<vmem>>) semaphore(%arg13 : memref<!tpu.dma_semaphore, #tpu.memory_space<semaphore_mem>>) {add = true}
      %dma_start3A_547 = arith.constant 0 : i32
      %dma_start3A_548 = arith.constant 1 : i32
      %dma_start3A_549 = arith.constant 0 : i32
      %dma_start3A_550 = tpu.memref_slice %arg6[%select_n3A_417, %dma_start3A_547, %dma_start3A_548, %dma_start3A_549] : memref<2x2x2x128xi32, #tpu.memory_space<vmem>> -> memref<1x1x1x128xi32, #tpu.memory_space<vmem>>
      %dma_start3A_551 = tpu.memref_squeeze %dma_start3A_550 : memref<1x1x1x128xi32, #tpu.memory_space<vmem>> -> memref<128xi32, #tpu.memory_space<vmem>>
      %dma_start3A_552 = arith.constant 0 : i32
      %dma_start3A_553 = tpu.memref_slice %arg10[%dma_start3A_552] : memref<10240xf32, #tpu.memory_space<vmem_shared>> -> memref<10240xf32, #tpu.memory_space<vmem_shared>>
      tpu.enqueue_indirect_dma source(%arg8 : memref<128xf32, #tpu.memory_space<vmem>>) target(%dma_start3A_553 : memref<10240xf32, #tpu.memory_space<vmem_shared>>) offsets(%dma_start3A_551 : memref<128xi32, #tpu.memory_space<vmem>>) semaphore(%arg13 : memref<!tpu.dma_semaphore, #tpu.memory_space<semaphore_mem>>) {add = true}
      %dma_start3A_554 = arith.constant 1 : i32
      %dma_start3A_555 = arith.constant 1 : i32
      %dma_start3A_556 = arith.constant 1 : i32
      %dma_start3A_557 = arith.constant 0 : i32
      %dma_start3A_558 = arith.constant 0 : i32
      %dma_start3A_559 = tpu.memref_slice %arg7[%dma_start3A_554, %dma_start3A_557, %dma_start3A_558] : memref<2x128x128xf32, #tpu.memory_space<vmem>> -> memref<1x128x128xf32, #tpu.memory_space<vmem>>
      %dma_start3A_560 = tpu.memref_squeeze %dma_start3A_559 : memref<1x128x128xf32, #tpu.memory_space<vmem>> -> memref<128x128xf32, #tpu.memory_space<vmem>>
      %dma_start3A_561 = arith.constant 0 : i32
      %dma_start3A_562 = tpu.memref_slice %arg6[%select_n3A_417, %dma_start3A_555, %dma_start3A_556, %dma_start3A_561] : memref<2x2x2x128xi32, #tpu.memory_space<vmem>> -> memref<1x1x1x128xi32, #tpu.memory_space<vmem>>
      %dma_start3A_563 = tpu.memref_squeeze %dma_start3A_562 : memref<1x1x1x128xi32, #tpu.memory_space<vmem>> -> memref<128xi32, #tpu.memory_space<vmem>>
      %dma_start3A_564 = arith.constant 0 : i32
      %dma_start3A_565 = arith.constant 0 : i32
      %dma_start3A_566 = tpu.memref_slice %arg9[%dma_start3A_564, %dma_start3A_565] : memref<10240x128xf32, #tpu.memory_space<vmem_shared>> -> memref<10240x128xf32, #tpu.memory_space<vmem_shared>>
      tpu.enqueue_indirect_dma source(%dma_start3A_560 : memref<128x128xf32, #tpu.memory_space<vmem>>) target(%dma_start3A_566 : memref<10240x128xf32, #tpu.memory_space<vmem_shared>>) offsets(%dma_start3A_563 : memref<128xi32, #tpu.memory_space<vmem>>) semaphore(%arg13 : memref<!tpu.dma_semaphore, #tpu.memory_space<semaphore_mem>>) {add = true}
      %dma_start3A_567 = arith.constant 1 : i32
      %dma_start3A_568 = arith.constant 1 : i32
      %dma_start3A_569 = arith.constant 0 : i32
      %dma_start3A_570 = tpu.memref_slice %arg6[%select_n3A_417, %dma_start3A_567, %dma_start3A_568, %dma_start3A_569] : memref<2x2x2x128xi32, #tpu.memory_space<vmem>> -> memref<1x1x1x128xi32, #tpu.memory_space<vmem>>
      %dma_start3A_571 = tpu.memref_squeeze %dma_start3A_570 : memref<1x1x1x128xi32, #tpu.memory_space<vmem>> -> memref<128xi32, #tpu.memory_space<vmem>>
      %dma_start3A_572 = arith.constant 0 : i32
      %dma_start3A_573 = tpu.memref_slice %arg10[%dma_start3A_572] : memref<10240xf32, #tpu.memory_space<vmem_shared>> -> memref<10240xf32, #tpu.memory_space<vmem_shared>>
      tpu.enqueue_indirect_dma source(%arg8 : memref<128xf32, #tpu.memory_space<vmem>>) target(%dma_start3A_573 : memref<10240xf32, #tpu.memory_space<vmem_shared>>) offsets(%dma_start3A_571 : memref<128xi32, #tpu.memory_space<vmem>>) semaphore(%arg13 : memref<!tpu.dma_semaphore, #tpu.memory_space<semaphore_mem>>) {add = true}
      %dma_wait3A_574 = arith.constant 0 : i32
      %dma_wait3A_575 = arith.constant 0 : i32
      %dma_wait3A_576 = arith.constant 1 : i32
      %dma_wait3A_577 = arith.constant 0 : i32
      %dma_wait3A_578 = arith.constant 0 : i32
      %dma_wait3A_579 = tpu.memref_slice %arg7[%dma_wait3A_574, %dma_wait3A_577, %dma_wait3A_578] : memref<2x128x128xf32, #tpu.memory_space<vmem>> -> memref<1x128x128xf32, #tpu.memory_space<vmem>>
      %dma_wait3A_580 = tpu.memref_squeeze %dma_wait3A_579 : memref<1x128x128xf32, #tpu.memory_space<vmem>> -> memref<128x128xf32, #tpu.memory_space<vmem>>
      %dma_wait3A_581 = arith.constant 0 : i32
      %dma_wait3A_582 = tpu.memref_slice %arg6[%select_n3A_417, %dma_wait3A_575, %dma_wait3A_576, %dma_wait3A_581] : memref<2x2x2x128xi32, #tpu.memory_space<vmem>> -> memref<1x1x1x128xi32, #tpu.memory_space<vmem>>
      %dma_wait3A_583 = tpu.memref_squeeze %dma_wait3A_582 : memref<1x1x1x128xi32, #tpu.memory_space<vmem>> -> memref<128xi32, #tpu.memory_space<vmem>>
      %dma_wait3A_584 = arith.constant 0 : i32
      %dma_wait3A_585 = arith.constant 0 : i32
      %dma_wait3A_586 = tpu.memref_slice %arg9[%dma_wait3A_584, %dma_wait3A_585] : memref<10240x128xf32, #tpu.memory_space<vmem_shared>> -> memref<10240x128xf32, #tpu.memory_space<vmem_shared>>
      tpu.wait_indirect_dma semaphore(%arg13 : memref<!tpu.dma_semaphore, #tpu.memory_space<semaphore_mem>>) src(%dma_wait3A_580 : memref<128x128xf32, #tpu.memory_space<vmem>>) dst(%dma_wait3A_586 : memref<10240x128xf32, #tpu.memory_space<vmem_shared>>)
      %dma_wait3A_587 = arith.constant 0 : i32
      %dma_wait3A_588 = arith.constant 1 : i32
      %dma_wait3A_589 = arith.constant 0 : i32
      %dma_wait3A_590 = tpu.memref_slice %arg6[%select_n3A_417, %dma_wait3A_587, %dma_wait3A_588, %dma_wait3A_589] : memref<2x2x2x128xi32, #tpu.memory_space<vmem>> -> memref<1x1x1x128xi32, #tpu.memory_space<vmem>>
      %dma_wait3A_591 = tpu.memref_squeeze %dma_wait3A_590 : memref<1x1x1x128xi32, #tpu.memory_space<vmem>> -> memref<128xi32, #tpu.memory_space<vmem>>
      %dma_wait3A_592 = arith.constant 0 : i32
      %dma_wait3A_593 = tpu.memref_slice %arg10[%dma_wait3A_592] : memref<10240xf32, #tpu.memory_space<vmem_shared>> -> memref<10240xf32, #tpu.memory_space<vmem_shared>>
      tpu.wait_indirect_dma semaphore(%arg13 : memref<!tpu.dma_semaphore, #tpu.memory_space<semaphore_mem>>) src(%arg8 : memref<128xf32, #tpu.memory_space<vmem>>) dst(%dma_wait3A_593 : memref<10240xf32, #tpu.memory_space<vmem_shared>>)
      %dma_wait3A_594 = arith.constant 1 : i32
      %dma_wait3A_595 = arith.constant 1 : i32
      %dma_wait3A_596 = arith.constant 1 : i32
      %dma_wait3A_597 = arith.constant 0 : i32
      %dma_wait3A_598 = arith.constant 0 : i32
      %dma_wait3A_599 = tpu.memref_slice %arg7[%dma_wait3A_594, %dma_wait3A_597, %dma_wait3A_598] : memref<2x128x128xf32, #tpu.memory_space<vmem>> -> memref<1x128x128xf32, #tpu.memory_space<vmem>>
      %dma_wait3A_600 = tpu.memref_squeeze %dma_wait3A_599 : memref<1x128x128xf32, #tpu.memory_space<vmem>> -> memref<128x128xf32, #tpu.memory_space<vmem>>
      %dma_wait3A_601 = arith.constant 0 : i32
      %dma_wait3A_602 = tpu.memref_slice %arg6[%select_n3A_417, %dma_wait3A_595, %dma_wait3A_596, %dma_wait3A_601] : memref<2x2x2x128xi32, #tpu.memory_space<vmem>> -> memref<1x1x1x128xi32, #tpu.memory_space<vmem>>
      %dma_wait3A_603 = tpu.memref_squeeze %dma_wait3A_602 : memref<1x1x1x128xi32, #tpu.memory_space<vmem>> -> memref<128xi32, #tpu.memory_space<vmem>>
      %dma_wait3A_604 = arith.constant 0 : i32
      %dma_wait3A_605 = arith.constant 0 : i32
      %dma_wait3A_606 = tpu.memref_slice %arg9[%dma_wait3A_604, %dma_wait3A_605] : memref<10240x128xf32, #tpu.memory_space<vmem_shared>> -> memref<10240x128xf32, #tpu.memory_space<vmem_shared>>
      tpu.wait_indirect_dma semaphore(%arg13 : memref<!tpu.dma_semaphore, #tpu.memory_space<semaphore_mem>>) src(%dma_wait3A_600 : memref<128x128xf32, #tpu.memory_space<vmem>>) dst(%dma_wait3A_606 : memref<10240x128xf32, #tpu.memory_space<vmem_shared>>)
      %dma_wait3A_607 = arith.constant 1 : i32
      %dma_wait3A_608 = arith.constant 1 : i32
      %dma_wait3A_609 = arith.constant 0 : i32
      %dma_wait3A_610 = tpu.memref_slice %arg6[%select_n3A_417, %dma_wait3A_607, %dma_wait3A_608, %dma_wait3A_609] : memref<2x2x2x128xi32, #tpu.memory_space<vmem>> -> memref<1x1x1x128xi32, #tpu.memory_space<vmem>>
      %dma_wait3A_611 = tpu.memref_squeeze %dma_wait3A_610 : memref<1x1x1x128xi32, #tpu.memory_space<vmem>> -> memref<128xi32, #tpu.memory_space<vmem>>
      %dma_wait3A_612 = arith.constant 0 : i32
      %dma_wait3A_613 = tpu.memref_slice %arg10[%dma_wait3A_612] : memref<10240xf32, #tpu.memory_space<vmem_shared>> -> memref<10240xf32, #tpu.memory_space<vmem_shared>>
      tpu.wait_indirect_dma semaphore(%arg13 : memref<!tpu.dma_semaphore, #tpu.memory_space<semaphore_mem>>) src(%arg8 : memref<128xf32, #tpu.memory_space<vmem>>) dst(%dma_wait3A_613 : memref<10240xf32, #tpu.memory_space<vmem_shared>>)
    }
    %add3A_286 = arith.addi %select_n3A_8, %select_n3A : i32
    %sub3A = arith.constant 1 : i32
    %sub3A_287 = arith.subi %add3A_286, %sub3A : i32
    %jit3A_288 = arith.constant 2 : i32
    %eq3A_289 = arith.constant 0 : i32
    %eq3A_290 = arith.cmpi eq, %jit3A_288, %eq3A_289 : i32
    %jit3A_291 = arith.constant 1 : i32
    %select_n3A_292 = arith.select %eq3A_290, %jit3A_291, %jit3A_288 : i32
    %rem3A = arith.remsi %select_n3A, %select_n3A_292 : i32
    %ne3A = arith.constant 0 : i32
    %ne3A_293 = arith.cmpi ne, %rem3A, %ne3A : i32
    %lt3A = arith.constant 0 : i32
    %lt3A_294 = arith.cmpi slt, %rem3A, %lt3A : i32
    %lt3A_295 = arith.constant 0 : i32
    %lt3A_296 = arith.cmpi slt, %select_n3A_292, %lt3A_295 : i32
    %ne3A_297 = arith.xori %lt3A_294, %lt3A_296 : i1
    %and3A = arith.andi %ne3A_297, %ne3A_293 : i1
    %add3A_298 = arith.addi %rem3A, %select_n3A_292 : i32
    %select_n3A_299 = arith.select %and3A, %add3A_298, %rem3A : i32
    %dma_wait3A_300 = arith.constant 0 : i32
    %dma_wait3A_301 = arith.constant 0 : i32
    %dma_wait3A_302 = arith.constant 0 : i32
    %dma_wait3A_303 = tpu.memref_slice %arg6[%select_n3A_299, %dma_wait3A_300, %dma_wait3A_301, %dma_wait3A_302] : memref<2x2x2x128xi32, #tpu.memory_space<vmem>> -> memref<1x2x2x128xi32, #tpu.memory_space<vmem>>
    %dma_wait3A_304 = tpu.memref_squeeze %dma_wait3A_303 : memref<1x2x2x128xi32, #tpu.memory_space<vmem>> -> memref<2x2x128xi32, #tpu.memory_space<vmem>>
    %dma_wait3A_305 = arith.constant 0 : i32
    %dma_wait3A_306 = arith.constant 0 : i32
    %dma_wait3A_307 = arith.constant 0 : i32
    %dma_wait3A_308 = tpu.memref_slice %arg3[%sub3A_287, %dma_wait3A_305, %dma_wait3A_306, %dma_wait3A_307] : memref<1280x2x2x128xi32, #tpu.memory_space<hbm>> -> memref<1x2x2x128xi32, #tpu.memory_space<hbm>>
    %dma_wait3A_309 = tpu.memref_squeeze %dma_wait3A_308 : memref<1x2x2x128xi32, #tpu.memory_space<hbm>> -> memref<2x2x128xi32, #tpu.memory_space<hbm>>
    %dma_wait3A_310 = arith.constant 0 : i32
    %dma_wait3A_311 = arith.constant 0 : i32
    %dma_wait3A_312 = arith.constant 0 : i32
    %dma_wait3A_313 = tpu.memref_slice %arg6[%select_n3A_299, %dma_wait3A_310, %dma_wait3A_311, %dma_wait3A_312] : memref<2x2x2x128xi32, #tpu.memory_space<vmem>> -> memref<1x2x2x128xi32, #tpu.memory_space<vmem>>
    %dma_wait3A_314 = tpu.memref_squeeze %dma_wait3A_313 : memref<1x2x2x128xi32, #tpu.memory_space<vmem>> -> memref<2x2x128xi32, #tpu.memory_space<vmem>>
    %dma_wait3A_315 = arith.constant 0 : i32
    %dma_wait3A_316 = arith.constant 0 : i32
    %dma_wait3A_317 = arith.constant 0 : i32
    %dma_wait3A_318 = tpu.memref_slice %arg3[%sub3A_287, %dma_wait3A_315, %dma_wait3A_316, %dma_wait3A_317] : memref<1280x2x2x128xi32, #tpu.memory_space<hbm>> -> memref<1x2x2x128xi32, #tpu.memory_space<hbm>>
    %dma_wait3A_319 = tpu.memref_squeeze %dma_wait3A_318 : memref<1x2x2x128xi32, #tpu.memory_space<hbm>> -> memref<2x2x128xi32, #tpu.memory_space<hbm>>
    tpu.wait_dma2 semaphore(%arg11 : memref<!tpu.dma_semaphore, #tpu.memory_space<semaphore_mem>>) src(%dma_wait3A_319 : memref<2x2x128xi32, #tpu.memory_space<hbm>>) dst(%dma_wait3A_314 : memref<2x2x128xi32, #tpu.memory_space<vmem>>)
    %barrier3A_320 = arith.constant 0 : index
    tpu.barrier barrier_id(%barrier3A_320)
    %mul3A_321 = arith.constant 640 : i32
    %mul3A_322 = arith.muli %arg1, %mul3A_321 : i32
    %add3A_323 = arith.constant 0 : i32
    %add3A_324 = arith.addi %mul3A_322, %add3A_323 : i32
    %dma_start3A_325 = arith.constant 0 : i32
    %dma_start3A_326 = tpu.memref_slice %arg4[%arg0, %add3A_324, %dma_start3A_325] : memref<2x10240x128xf32, #tpu.memory_space<hbm>> -> memref<1x128x128xf32, #tpu.memory_space<hbm>>
    %dma_start3A_327 = tpu.memref_squeeze %dma_start3A_326 : memref<1x128x128xf32, #tpu.memory_space<hbm>> -> memref<128x128xf32, #tpu.memory_space<hbm>>
    %dma_start3A_328 = arith.constant 0 : i32
    %dma_start3A_329 = tpu.memref_slice %arg9[%add3A_324, %dma_start3A_328] : memref<10240x128xf32, #tpu.memory_space<vmem_shared>> -> memref<128x128xf32, #tpu.memory_space<vmem_shared>>
    tpu.enqueue_dma source(%dma_start3A_329 : memref<128x128xf32, #tpu.memory_space<vmem_shared>>) target(%dma_start3A_327 : memref<128x128xf32, #tpu.memory_space<hbm>>) target_semaphore(%arg11 : memref<!tpu.dma_semaphore, #tpu.memory_space<semaphore_mem>>)
    %mul3A_330 = arith.constant 640 : i32
    %mul3A_331 = arith.muli %arg1, %mul3A_330 : i32
    %add3A_332 = arith.constant 128 : i32
    %add3A_333 = arith.addi %mul3A_331, %add3A_332 : i32
    %dma_start3A_334 = arith.constant 0 : i32
    %dma_start3A_335 = tpu.memref_slice %arg4[%arg0, %add3A_333, %dma_start3A_334] : memref<2x10240x128xf32, #tpu.memory_space<hbm>> -> memref<1x128x128xf32, #tpu.memory_space<hbm>>
    %dma_start3A_336 = tpu.memref_squeeze %dma_start3A_335 : memref<1x128x128xf32, #tpu.memory_space<hbm>> -> memref<128x128xf32, #tpu.memory_space<hbm>>
    %dma_start3A_337 = arith.constant 0 : i32
    %dma_start3A_338 = tpu.memref_slice %arg9[%add3A_333, %dma_start3A_337] : memref<10240x128xf32, #tpu.memory_space<vmem_shared>> -> memref<128x128xf32, #tpu.memory_space<vmem_shared>>
    tpu.enqueue_dma source(%dma_start3A_338 : memref<128x128xf32, #tpu.memory_space<vmem_shared>>) target(%dma_start3A_336 : memref<128x128xf32, #tpu.memory_space<hbm>>) target_semaphore(%arg11 : memref<!tpu.dma_semaphore, #tpu.memory_space<semaphore_mem>>)
    %mul3A_339 = arith.constant 640 : i32
    %mul3A_340 = arith.muli %arg1, %mul3A_339 : i32
    %add3A_341 = arith.constant 256 : i32
    %add3A_342 = arith.addi %mul3A_340, %add3A_341 : i32
    %dma_start3A_343 = arith.constant 0 : i32
    %dma_start3A_344 = tpu.memref_slice %arg4[%arg0, %add3A_342, %dma_start3A_343] : memref<2x10240x128xf32, #tpu.memory_space<hbm>> -> memref<1x128x128xf32, #tpu.memory_space<hbm>>
    %dma_start3A_345 = tpu.memref_squeeze %dma_start3A_344 : memref<1x128x128xf32, #tpu.memory_space<hbm>> -> memref<128x128xf32, #tpu.memory_space<hbm>>
    %dma_start3A_346 = arith.constant 0 : i32
    %dma_start3A_347 = tpu.memref_slice %arg9[%add3A_342, %dma_start3A_346] : memref<10240x128xf32, #tpu.memory_space<vmem_shared>> -> memref<128x128xf32, #tpu.memory_space<vmem_shared>>
    tpu.enqueue_dma source(%dma_start3A_347 : memref<128x128xf32, #tpu.memory_space<vmem_shared>>) target(%dma_start3A_345 : memref<128x128xf32, #tpu.memory_space<hbm>>) target_semaphore(%arg11 : memref<!tpu.dma_semaphore, #tpu.memory_space<semaphore_mem>>)
    %mul3A_348 = arith.constant 640 : i32
    %mul3A_349 = arith.muli %arg1, %mul3A_348 : i32
    %add3A_350 = arith.constant 384 : i32
    %add3A_351 = arith.addi %mul3A_349, %add3A_350 : i32
    %dma_start3A_352 = arith.constant 0 : i32
    %dma_start3A_353 = tpu.memref_slice %arg4[%arg0, %add3A_351, %dma_start3A_352] : memref<2x10240x128xf32, #tpu.memory_space<hbm>> -> memref<1x128x128xf32, #tpu.memory_space<hbm>>
    %dma_start3A_354 = tpu.memref_squeeze %dma_start3A_353 : memref<1x128x128xf32, #tpu.memory_space<hbm>> -> memref<128x128xf32, #tpu.memory_space<hbm>>
    %dma_start3A_355 = arith.constant 0 : i32
    %dma_start3A_356 = tpu.memref_slice %arg9[%add3A_351, %dma_start3A_355] : memref<10240x128xf32, #tpu.memory_space<vmem_shared>> -> memref<128x128xf32, #tpu.memory_space<vmem_shared>>
    tpu.enqueue_dma source(%dma_start3A_356 : memref<128x128xf32, #tpu.memory_space<vmem_shared>>) target(%dma_start3A_354 : memref<128x128xf32, #tpu.memory_space<hbm>>) target_semaphore(%arg11 : memref<!tpu.dma_semaphore, #tpu.memory_space<semaphore_mem>>)
    %mul3A_357 = arith.constant 640 : i32
    %mul3A_358 = arith.muli %arg1, %mul3A_357 : i32
    %add3A_359 = arith.constant 512 : i32
    %add3A_360 = arith.addi %mul3A_358, %add3A_359 : i32
    %dma_start3A_361 = arith.constant 0 : i32
    %dma_start3A_362 = tpu.memref_slice %arg4[%arg0, %add3A_360, %dma_start3A_361] : memref<2x10240x128xf32, #tpu.memory_space<hbm>> -> memref<1x128x128xf32, #tpu.memory_space<hbm>>
    %dma_start3A_363 = tpu.memref_squeeze %dma_start3A_362 : memref<1x128x128xf32, #tpu.memory_space<hbm>> -> memref<128x128xf32, #tpu.memory_space<hbm>>
    %dma_start3A_364 = arith.constant 0 : i32
    %dma_start3A_365 = tpu.memref_slice %arg9[%add3A_360, %dma_start3A_364] : memref<10240x128xf32, #tpu.memory_space<vmem_shared>> -> memref<128x128xf32, #tpu.memory_space<vmem_shared>>
    tpu.enqueue_dma source(%dma_start3A_365 : memref<128x128xf32, #tpu.memory_space<vmem_shared>>) target(%dma_start3A_363 : memref<128x128xf32, #tpu.memory_space<hbm>>) target_semaphore(%arg11 : memref<!tpu.dma_semaphore, #tpu.memory_space<semaphore_mem>>)
    %mul3A_366 = arith.constant 640 : i32
    %mul3A_367 = arith.muli %arg1, %mul3A_366 : i32
    %mul3A_368 = arith.constant 640 : i32
    %mul3A_369 = arith.muli %arg1, %mul3A_368 : i32
    %dma_start3A_370 = tpu.memref_slice %arg5[%arg0, %mul3A_369] : memref<2x10240xf32, #tpu.memory_space<hbm>> -> memref<1x640xf32, #tpu.memory_space<hbm>>
    %dma_start3A_371 = tpu.memref_squeeze %dma_start3A_370 : memref<1x640xf32, #tpu.memory_space<hbm>> -> memref<640xf32, #tpu.memory_space<hbm>>
    %dma_start3A_372 = tpu.memref_slice %arg10[%mul3A_367] : memref<10240xf32, #tpu.memory_space<vmem_shared>> -> memref<640xf32, #tpu.memory_space<vmem_shared>>
    tpu.enqueue_dma source(%dma_start3A_372 : memref<640xf32, #tpu.memory_space<vmem_shared>>) target(%dma_start3A_371 : memref<640xf32, #tpu.memory_space<hbm>>) target_semaphore(%arg11 : memref<!tpu.dma_semaphore, #tpu.memory_space<semaphore_mem>>)
    %dma_wait3A_373 = arith.constant 0 : i32
    %dma_wait3A_374 = tpu.memref_slice %arg4[%arg0, %add3A_324, %dma_wait3A_373] : memref<2x10240x128xf32, #tpu.memory_space<hbm>> -> memref<1x128x128xf32, #tpu.memory_space<hbm>>
    %dma_wait3A_375 = tpu.memref_squeeze %dma_wait3A_374 : memref<1x128x128xf32, #tpu.memory_space<hbm>> -> memref<128x128xf32, #tpu.memory_space<hbm>>
    %dma_wait3A_376 = arith.constant 0 : i32
    %dma_wait3A_377 = tpu.memref_slice %arg9[%add3A_324, %dma_wait3A_376] : memref<10240x128xf32, #tpu.memory_space<vmem_shared>> -> memref<128x128xf32, #tpu.memory_space<vmem_shared>>
    tpu.wait_dma2 semaphore(%arg11 : memref<!tpu.dma_semaphore, #tpu.memory_space<semaphore_mem>>) src(%dma_wait3A_377 : memref<128x128xf32, #tpu.memory_space<vmem_shared>>) dst(%dma_wait3A_375 : memref<128x128xf32, #tpu.memory_space<hbm>>)
    %dma_wait3A_378 = arith.constant 0 : i32
    %dma_wait3A_379 = tpu.memref_slice %arg4[%arg0, %add3A_333, %dma_wait3A_378] : memref<2x10240x128xf32, #tpu.memory_space<hbm>> -> memref<1x128x128xf32, #tpu.memory_space<hbm>>
    %dma_wait3A_380 = tpu.memref_squeeze %dma_wait3A_379 : memref<1x128x128xf32, #tpu.memory_space<hbm>> -> memref<128x128xf32, #tpu.memory_space<hbm>>
    %dma_wait3A_381 = arith.constant 0 : i32
    %dma_wait3A_382 = tpu.memref_slice %arg9[%add3A_333, %dma_wait3A_381] : memref<10240x128xf32, #tpu.memory_space<vmem_shared>> -> memref<128x128xf32, #tpu.memory_space<vmem_shared>>
    tpu.wait_dma2 semaphore(%arg11 : memref<!tpu.dma_semaphore, #tpu.memory_space<semaphore_mem>>) src(%dma_wait3A_382 : memref<128x128xf32, #tpu.memory_space<vmem_shared>>) dst(%dma_wait3A_380 : memref<128x128xf32, #tpu.memory_space<hbm>>)
    %dma_wait3A_383 = arith.constant 0 : i32
    %dma_wait3A_384 = tpu.memref_slice %arg4[%arg0, %add3A_342, %dma_wait3A_383] : memref<2x10240x128xf32, #tpu.memory_space<hbm>> -> memref<1x128x128xf32, #tpu.memory_space<hbm>>
    %dma_wait3A_385 = tpu.memref_squeeze %dma_wait3A_384 : memref<1x128x128xf32, #tpu.memory_space<hbm>> -> memref<128x128xf32, #tpu.memory_space<hbm>>
    %dma_wait3A_386 = arith.constant 0 : i32
    %dma_wait3A_387 = tpu.memref_slice %arg9[%add3A_342, %dma_wait3A_386] : memref<10240x128xf32, #tpu.memory_space<vmem_shared>> -> memref<128x128xf32, #tpu.memory_space<vmem_shared>>
    tpu.wait_dma2 semaphore(%arg11 : memref<!tpu.dma_semaphore, #tpu.memory_space<semaphore_mem>>) src(%dma_wait3A_387 : memref<128x128xf32, #tpu.memory_space<vmem_shared>>) dst(%dma_wait3A_385 : memref<128x128xf32, #tpu.memory_space<hbm>>)
    %dma_wait3A_388 = arith.constant 0 : i32
    %dma_wait3A_389 = tpu.memref_slice %arg4[%arg0, %add3A_351, %dma_wait3A_388] : memref<2x10240x128xf32, #tpu.memory_space<hbm>> -> memref<1x128x128xf32, #tpu.memory_space<hbm>>
    %dma_wait3A_390 = tpu.memref_squeeze %dma_wait3A_389 : memref<1x128x128xf32, #tpu.memory_space<hbm>> -> memref<128x128xf32, #tpu.memory_space<hbm>>
    %dma_wait3A_391 = arith.constant 0 : i32
    %dma_wait3A_392 = tpu.memref_slice %arg9[%add3A_351, %dma_wait3A_391] : memref<10240x128xf32, #tpu.memory_space<vmem_shared>> -> memref<128x128xf32, #tpu.memory_space<vmem_shared>>
    tpu.wait_dma2 semaphore(%arg11 : memref<!tpu.dma_semaphore, #tpu.memory_space<semaphore_mem>>) src(%dma_wait3A_392 : memref<128x128xf32, #tpu.memory_space<vmem_shared>>) dst(%dma_wait3A_390 : memref<128x128xf32, #tpu.memory_space<hbm>>)
    %dma_wait3A_393 = arith.constant 0 : i32
    %dma_wait3A_394 = tpu.memref_slice %arg4[%arg0, %add3A_360, %dma_wait3A_393] : memref<2x10240x128xf32, #tpu.memory_space<hbm>> -> memref<1x128x128xf32, #tpu.memory_space<hbm>>
    %dma_wait3A_395 = tpu.memref_squeeze %dma_wait3A_394 : memref<1x128x128xf32, #tpu.memory_space<hbm>> -> memref<128x128xf32, #tpu.memory_space<hbm>>
    %dma_wait3A_396 = arith.constant 0 : i32
    %dma_wait3A_397 = tpu.memref_slice %arg9[%add3A_360, %dma_wait3A_396] : memref<10240x128xf32, #tpu.memory_space<vmem_shared>> -> memref<128x128xf32, #tpu.memory_space<vmem_shared>>
    tpu.wait_dma2 semaphore(%arg11 : memref<!tpu.dma_semaphore, #tpu.memory_space<semaphore_mem>>) src(%dma_wait3A_397 : memref<128x128xf32, #tpu.memory_space<vmem_shared>>) dst(%dma_wait3A_395 : memref<128x128xf32, #tpu.memory_space<hbm>>)
    %dma_wait3A_398 = tpu.memref_slice %arg5[%arg0, %mul3A_369] : memref<2x10240xf32, #tpu.memory_space<hbm>> -> memref<1x640xf32, #tpu.memory_space<hbm>>
    %dma_wait3A_399 = tpu.memref_squeeze %dma_wait3A_398 : memref<1x640xf32, #tpu.memory_space<hbm>> -> memref<640xf32, #tpu.memory_space<hbm>>
    %dma_wait3A_400 = tpu.memref_slice %arg10[%mul3A_367] : memref<10240xf32, #tpu.memory_space<vmem_shared>> -> memref<640xf32, #tpu.memory_space<vmem_shared>>
    tpu.wait_dma2 semaphore(%arg11 : memref<!tpu.dma_semaphore, #tpu.memory_space<semaphore_mem>>) src(%dma_wait3A_400 : memref<640xf32, #tpu.memory_space<vmem_shared>>) dst(%dma_wait3A_399 : memref<640xf32, #tpu.memory_space<hbm>>)
    return
  }
}

module attributes {stable_mosaic.version = 14 : i64} {
  func.func @body(%arg0: i32, %arg1: memref<2x400x128xf32, #tpu.memory_space<vmem>>, %arg2: memref<2x1x1x400xf32, #tpu.memory_space<vmem>>, %arg3: memref<400x128xf32, #tpu.memory_space<vmem>>, %arg4: memref<128x128xf32, #tpu.memory_space<vmem>>, %arg5: memref<128x128xf32, #tpu.memory_space<vmem>>, %arg6: memref<1x128xf32, #tpu.memory_space<vmem>>, %arg7: memref<400x128xf32, #tpu.memory_space<vmem>>) attributes {dimension_semantics = [#tpu.dimension_semantics<arbitrary>], iteration_bounds = array<i64: 25>, scalar_prefetch = 0 : i64, scratch_operands = 0 : i64, tpu.core_type = #tpu.core_type<tc>, window_params = [{transform_indices = @transform_0, window_bounds = array<i64: 2, 400, 128>}, {transform_indices = @transform_1, window_bounds = array<i64: 2, 1, 1, 400>}, {transform_indices = @transform_2, window_bounds = array<i64: 400, 128>}, {pipeline_mode = #tpu.pipeline_mode<synchronous>, transform_indices = @transform_3, window_bounds = array<i64: 128, 128>}, {pipeline_mode = #tpu.pipeline_mode<synchronous>, transform_indices = @transform_4, window_bounds = array<i64: 128, 128>}, {pipeline_mode = #tpu.pipeline_mode<synchronous>, transform_indices = @transform_5, window_bounds = array<i64: 1, 128>}, {transform_indices = @transform_6, window_bounds = array<i64: 400, 128>}]} {
    %get3A = arith.constant 0 : index
    %get3A_0 = arith.constant 0 : index
    %get3A_1 = arith.constant 0 : index
    %get3A_2 = vector.load %arg1[%get3A, %get3A_0, %get3A_1] : memref<2x400x128xf32, #tpu.memory_space<vmem>>, vector<1x400x128xf32>
    %get3A_3 = vector.shape_cast %get3A_2 : vector<1x400x128xf32> to vector<400x128xf32>
    %get3A_4 = arith.constant 1 : index
    %get3A_5 = arith.constant 0 : index
    %get3A_6 = arith.constant 0 : index
    %get3A_7 = vector.load %arg1[%get3A_4, %get3A_5, %get3A_6] : memref<2x400x128xf32, #tpu.memory_space<vmem>>, vector<1x400x128xf32>
    %get3A_8 = vector.shape_cast %get3A_7 : vector<1x400x128xf32> to vector<400x128xf32>
    %add3A = arith.addf %get3A_3, %get3A_8 : vector<400x128xf32>
    %get3A_9 = arith.constant 0 : index
    %get3A_10 = arith.constant 0 : index
    %get3A_11 = arith.constant 0 : index
    %get3A_12 = arith.constant 0 : index
    %get3A_13 = vector.load %arg2[%get3A_9, %get3A_10, %get3A_11, %get3A_12] : memref<2x1x1x400xf32, #tpu.memory_space<vmem>>, vector<1x1x1x400xf32>
    %get3A_14 = vector.shape_cast %get3A_13 : vector<1x1x1x400xf32> to vector<400xf32>
    %get3A_15 = arith.constant 1 : index
    %get3A_16 = arith.constant 0 : index
    %get3A_17 = arith.constant 0 : index
    %get3A_18 = arith.constant 0 : index
    %get3A_19 = vector.load %arg2[%get3A_15, %get3A_16, %get3A_17, %get3A_18] : memref<2x1x1x400xf32, #tpu.memory_space<vmem>>, vector<1x1x1x400xf32>
    %get3A_20 = vector.shape_cast %get3A_19 : vector<1x1x1x400xf32> to vector<400xf32>
    %add3A_21 = arith.addf %get3A_14, %get3A_20 : vector<400xf32>
    %jit3A = arith.constant 1.000000e+00 : f32
    %max3A = vector.broadcast %jit3A : f32 to vector<400xf32>
    %max3A_22 = arith.maximumf %max3A, %add3A_21 : vector<400xf32>
    %broadcast_in_dim3A = vector.shape_cast %max3A_22 : vector<400xf32> to vector<400x1xf32>
    %div3A = vector.broadcast %broadcast_in_dim3A : vector<400x1xf32> to vector<400x128xf32>
    %div3A_23 = arith.divf %add3A, %div3A : vector<400x128xf32>
    %get3A_24 = arith.constant 0 : index
    %get3A_25 = arith.constant 0 : index
    %get3A_26 = vector.load %arg4[%get3A_24, %get3A_25] : memref<128x128xf32, #tpu.memory_space<vmem>>, vector<128x128xf32>
    %dot_general3A = arith.constant dense<0.000000e+00> : vector<400x128xf32>
    %dot_general3A_27 = tpu.matmul %div3A_23, %get3A_26, %dot_general3A {dimension_numbers = #tpu.dot_dimension_numbers<[1], [0], [0], [1], [0, 0, 1, 1], [], []>, transpose_lhs_hint = false} : vector<400x128xf32>, vector<128x128xf32>, vector<400x128xf32> -> vector<400x128xf32>
    %get3A_28 = arith.constant 0 : index
    %get3A_29 = arith.constant 0 : index
    %get3A_30 = vector.load %arg3[%get3A_28, %get3A_29] : memref<400x128xf32, #tpu.memory_space<vmem>>, vector<400x128xf32>
    %get3A_31 = arith.constant 0 : index
    %get3A_32 = arith.constant 0 : index
    %get3A_33 = vector.load %arg5[%get3A_31, %get3A_32] : memref<128x128xf32, #tpu.memory_space<vmem>>, vector<128x128xf32>
    %dot_general3A_34 = arith.constant dense<0.000000e+00> : vector<400x128xf32>
    %dot_general3A_35 = tpu.matmul %get3A_30, %get3A_33, %dot_general3A_34 {dimension_numbers = #tpu.dot_dimension_numbers<[1], [0], [0], [1], [0, 0, 1, 1], [], []>, transpose_lhs_hint = false} : vector<400x128xf32>, vector<128x128xf32>, vector<400x128xf32> -> vector<400x128xf32>
    %add3A_36 = arith.addf %dot_general3A_27, %dot_general3A_35 : vector<400x128xf32>
    %get3A_37 = arith.constant 0 : index
    %get3A_38 = arith.constant 0 : index
    %get3A_39 = vector.load %arg6[%get3A_37, %get3A_38] : memref<1x128xf32, #tpu.memory_space<vmem>>, vector<1x128xf32>
    %add3A_40 = vector.broadcast %get3A_39 : vector<1x128xf32> to vector<400x128xf32>
    %add3A_41 = arith.addf %add3A_36, %add3A_40 : vector<400x128xf32>
    %max3A_42 = arith.constant 0.000000e+00 : f32
    %max3A_43 = vector.broadcast %max3A_42 : f32 to vector<400x128xf32>
    %max3A_44 = arith.maximumf %add3A_41, %max3A_43 : vector<400x128xf32>
    %swap3A = arith.constant 0 : index
    %swap3A_45 = arith.constant 0 : index
    %swap3A_46 = vector.load %arg7[%swap3A, %swap3A_45] : memref<400x128xf32, #tpu.memory_space<vmem>>, vector<400x128xf32>
    tpu.vector_store %arg7[%swap3A, %swap3A_45], %max3A_44 {strides = array<i32>} : memref<400x128xf32, #tpu.memory_space<vmem>>, vector<400x128xf32>,
    return
  }
  func.func @transform_0(%arg0: i32) -> (i32, i32, i32) {
    %c0_i32 = arith.constant 0 : i32
    %c0_i32_0 = arith.constant 0 : i32
    %c0_i32_1 = arith.constant 0 : i32
    return %c0_i32, %arg0, %c0_i32_0 : i32, i32, i32
  }
  func.func @transform_1(%arg0: i32) -> (i32, i32, i32, i32) {
    %c0_i32 = arith.constant 0 : i32
    %c0_i32_0 = arith.constant 0 : i32
    %c0_i32_1 = arith.constant 0 : i32
    %c0_i32_2 = arith.constant 0 : i32
    return %c0_i32, %arg0, %c0_i32_0, %c0_i32_1 : i32, i32, i32, i32
  }
  func.func @transform_2(%arg0: i32) -> (i32, i32) {
    %c0_i32 = arith.constant 0 : i32
    %c0_i32_0 = arith.constant 0 : i32
    return %arg0, %c0_i32 : i32, i32
  }
  func.func @transform_3(%arg0: i32) -> (i32, i32) {
    %c0_i32 = arith.constant 0 : i32
    %c0_i32_0 = arith.constant 0 : i32
    %c0_i32_1 = arith.constant 0 : i32
    return %c0_i32, %c0_i32_0 : i32, i32
  }
  func.func @transform_4(%arg0: i32) -> (i32, i32) {
    %c0_i32 = arith.constant 0 : i32
    %c0_i32_0 = arith.constant 0 : i32
    %c0_i32_1 = arith.constant 0 : i32
    return %c0_i32, %c0_i32_0 : i32, i32
  }
  func.func @transform_5(%arg0: i32) -> (i32, i32) {
    %c0_i32 = arith.constant 0 : i32
    %c0_i32_0 = arith.constant 0 : i32
    %c0_i32_1 = arith.constant 0 : i32
    return %c0_i32, %c0_i32_0 : i32, i32
  }
  func.func @transform_6(%arg0: i32) -> (i32, i32) {
    %c0_i32 = arith.constant 0 : i32
    %c0_i32_0 = arith.constant 0 : i32
    return %arg0, %c0_i32 : i32, i32
  }
}

module attributes {stable_mosaic.version = 14 : i64} {
  func.func @body(%arg0: i32, %arg1: memref<2x400x128xf32, #tpu.memory_space<vmem>>, %arg2: memref<2x1x1x400xf32, #tpu.memory_space<vmem>>, %arg3: memref<400x128xf32, #tpu.memory_space<vmem>>, %arg4: memref<128x64xf32, #tpu.memory_space<vmem>>, %arg5: memref<128x64xf32, #tpu.memory_space<vmem>>, %arg6: memref<1x64xf32, #tpu.memory_space<vmem>>, %arg7: memref<400x64xf32, #tpu.memory_space<vmem>>) attributes {dimension_semantics = [#tpu.dimension_semantics<arbitrary>], iteration_bounds = array<i64: 25>, scalar_prefetch = 0 : i64, scratch_operands = 0 : i64, tpu.core_type = #tpu.core_type<tc>, window_params = [{transform_indices = @transform_0, window_bounds = array<i64: 2, 400, 128>}, {transform_indices = @transform_1, window_bounds = array<i64: 2, 1, 1, 400>}, {transform_indices = @transform_2, window_bounds = array<i64: 400, 128>}, {pipeline_mode = #tpu.pipeline_mode<synchronous>, transform_indices = @transform_3, window_bounds = array<i64: 128, 64>}, {pipeline_mode = #tpu.pipeline_mode<synchronous>, transform_indices = @transform_4, window_bounds = array<i64: 128, 64>}, {pipeline_mode = #tpu.pipeline_mode<synchronous>, transform_indices = @transform_5, window_bounds = array<i64: 1, 64>}, {transform_indices = @transform_6, window_bounds = array<i64: 400, 64>}]} {
    %get3A = arith.constant 0 : index
    %get3A_0 = arith.constant 0 : index
    %get3A_1 = arith.constant 0 : index
    %get3A_2 = vector.load %arg1[%get3A, %get3A_0, %get3A_1] : memref<2x400x128xf32, #tpu.memory_space<vmem>>, vector<1x400x128xf32>
    %get3A_3 = vector.shape_cast %get3A_2 : vector<1x400x128xf32> to vector<400x128xf32>
    %get3A_4 = arith.constant 1 : index
    %get3A_5 = arith.constant 0 : index
    %get3A_6 = arith.constant 0 : index
    %get3A_7 = vector.load %arg1[%get3A_4, %get3A_5, %get3A_6] : memref<2x400x128xf32, #tpu.memory_space<vmem>>, vector<1x400x128xf32>
    %get3A_8 = vector.shape_cast %get3A_7 : vector<1x400x128xf32> to vector<400x128xf32>
    %add3A = arith.addf %get3A_3, %get3A_8 : vector<400x128xf32>
    %get3A_9 = arith.constant 0 : index
    %get3A_10 = arith.constant 0 : index
    %get3A_11 = arith.constant 0 : index
    %get3A_12 = arith.constant 0 : index
    %get3A_13 = vector.load %arg2[%get3A_9, %get3A_10, %get3A_11, %get3A_12] : memref<2x1x1x400xf32, #tpu.memory_space<vmem>>, vector<1x1x1x400xf32>
    %get3A_14 = vector.shape_cast %get3A_13 : vector<1x1x1x400xf32> to vector<400xf32>
    %get3A_15 = arith.constant 1 : index
    %get3A_16 = arith.constant 0 : index
    %get3A_17 = arith.constant 0 : index
    %get3A_18 = arith.constant 0 : index
    %get3A_19 = vector.load %arg2[%get3A_15, %get3A_16, %get3A_17, %get3A_18] : memref<2x1x1x400xf32, #tpu.memory_space<vmem>>, vector<1x1x1x400xf32>
    %get3A_20 = vector.shape_cast %get3A_19 : vector<1x1x1x400xf32> to vector<400xf32>
    %add3A_21 = arith.addf %get3A_14, %get3A_20 : vector<400xf32>
    %jit3A = arith.constant 1.000000e+00 : f32
    %max3A = vector.broadcast %jit3A : f32 to vector<400xf32>
    %max3A_22 = arith.maximumf %max3A, %add3A_21 : vector<400xf32>
    %broadcast_in_dim3A = vector.shape_cast %max3A_22 : vector<400xf32> to vector<400x1xf32>
    %div3A = vector.broadcast %broadcast_in_dim3A : vector<400x1xf32> to vector<400x128xf32>
    %div3A_23 = arith.divf %add3A, %div3A : vector<400x128xf32>
    %get3A_24 = arith.constant 0 : index
    %get3A_25 = arith.constant 0 : index
    %get3A_26 = vector.load %arg4[%get3A_24, %get3A_25] : memref<128x64xf32, #tpu.memory_space<vmem>>, vector<128x64xf32>
    %dot_general3A = arith.constant dense<0.000000e+00> : vector<400x64xf32>
    %dot_general3A_27 = tpu.matmul %div3A_23, %get3A_26, %dot_general3A {dimension_numbers = #tpu.dot_dimension_numbers<[1], [0], [0], [1], [0, 0, 1, 1], [], []>, transpose_lhs_hint = false} : vector<400x128xf32>, vector<128x64xf32>, vector<400x64xf32> -> vector<400x64xf32>
    %get3A_28 = arith.constant 0 : index
    %get3A_29 = arith.constant 0 : index
    %get3A_30 = vector.load %arg3[%get3A_28, %get3A_29] : memref<400x128xf32, #tpu.memory_space<vmem>>, vector<400x128xf32>
    %get3A_31 = arith.constant 0 : index
    %get3A_32 = arith.constant 0 : index
    %get3A_33 = vector.load %arg5[%get3A_31, %get3A_32] : memref<128x64xf32, #tpu.memory_space<vmem>>, vector<128x64xf32>
    %dot_general3A_34 = arith.constant dense<0.000000e+00> : vector<400x64xf32>
    %dot_general3A_35 = tpu.matmul %get3A_30, %get3A_33, %dot_general3A_34 {dimension_numbers = #tpu.dot_dimension_numbers<[1], [0], [0], [1], [0, 0, 1, 1], [], []>, transpose_lhs_hint = false} : vector<400x128xf32>, vector<128x64xf32>, vector<400x64xf32> -> vector<400x64xf32>
    %add3A_36 = arith.addf %dot_general3A_27, %dot_general3A_35 : vector<400x64xf32>
    %get3A_37 = arith.constant 0 : index
    %get3A_38 = arith.constant 0 : index
    %get3A_39 = vector.load %arg6[%get3A_37, %get3A_38] : memref<1x64xf32, #tpu.memory_space<vmem>>, vector<1x64xf32>
    %add3A_40 = vector.broadcast %get3A_39 : vector<1x64xf32> to vector<400x64xf32>
    %add3A_41 = arith.addf %add3A_36, %add3A_40 : vector<400x64xf32>
    %swap3A = arith.constant 0 : index
    %swap3A_42 = arith.constant 0 : index
    %swap3A_43 = vector.load %arg7[%swap3A, %swap3A_42] : memref<400x64xf32, #tpu.memory_space<vmem>>, vector<400x64xf32>
    tpu.vector_store %arg7[%swap3A, %swap3A_42], %add3A_41 {strides = array<i32>} : memref<400x64xf32, #tpu.memory_space<vmem>>, vector<400x64xf32>,
    return
  }
  func.func @transform_0(%arg0: i32) -> (i32, i32, i32) {
    %c0_i32 = arith.constant 0 : i32
    %c0_i32_0 = arith.constant 0 : i32
    %c0_i32_1 = arith.constant 0 : i32
    return %c0_i32, %arg0, %c0_i32_0 : i32, i32, i32
  }
  func.func @transform_1(%arg0: i32) -> (i32, i32, i32, i32) {
    %c0_i32 = arith.constant 0 : i32
    %c0_i32_0 = arith.constant 0 : i32
    %c0_i32_1 = arith.constant 0 : i32
    %c0_i32_2 = arith.constant 0 : i32
    return %c0_i32, %arg0, %c0_i32_0, %c0_i32_1 : i32, i32, i32, i32
  }
  func.func @transform_2(%arg0: i32) -> (i32, i32) {
    %c0_i32 = arith.constant 0 : i32
    %c0_i32_0 = arith.constant 0 : i32
    return %arg0, %c0_i32 : i32, i32
  }
  func.func @transform_3(%arg0: i32) -> (i32, i32) {
    %c0_i32 = arith.constant 0 : i32
    %c0_i32_0 = arith.constant 0 : i32
    %c0_i32_1 = arith.constant 0 : i32
    return %c0_i32, %c0_i32_0 : i32, i32
  }
  func.func @transform_4(%arg0: i32) -> (i32, i32) {
    %c0_i32 = arith.constant 0 : i32
    %c0_i32_0 = arith.constant 0 : i32
    %c0_i32_1 = arith.constant 0 : i32
    return %c0_i32, %c0_i32_0 : i32, i32
  }
  func.func @transform_5(%arg0: i32) -> (i32, i32) {
    %c0_i32 = arith.constant 0 : i32
    %c0_i32_0 = arith.constant 0 : i32
    %c0_i32_1 = arith.constant 0 : i32
    return %c0_i32, %c0_i32_0 : i32, i32
  }
  func.func @transform_6(%arg0: i32) -> (i32, i32) {
    %c0_i32 = arith.constant 0 : i32
    %c0_i32_0 = arith.constant 0 : i32
    return %arg0, %c0_i32 : i32, i32
  }
}

</mosaic_0001>

<sc_bundles>
// kernel: kernel.6.cloned.1.call-start
scs
__scs_entry_jumppad:
0x0: {  	(pc) =	sbr.rel $0x88, $3  }
0x1: {  	(tag) =	ssettag $0x0;
	lr =	simm.s32 $0x1  }
0x2: {  	[smem:$0x3F99] =	sst lr;
	_ =	strace $0xD0000000  }
0x3: {  	_ = 	snop  }
0x4: {  	_ = 	snop  }
0x5: {  	_ = 	snop  }
0x6: {  	_ = 	snop  }
0x7: {  	_ = 	snop  }
__scs_overlays_trampoline_lowered:
0x8: {  	[smem:$0x3FA8] =	sst s0  }
0x9: {  	[smem:$0x3FA9] =	sst s1  }
0xa: {  	[smem:$0x3FAA] =	sst s2  }
0xb: {  	[smem:$0x3FAB] =	sst s3  }
0xc: {  	[smem:$0x3FAC] =	sst s4  }
0xd: {  	[smem:$0x3FAD] =	sst s5  }
0xe: {  	[smem:$0x3FAE] =	sst s6  }
0xf: {  	[smem:$0x3FAF] =	sst s7  }
0x10: {  	[smem:$0x3FB0] =	sst s8  }
0x11: {  	[smem:$0x3FB1] =	sst s9;
	s0 =	simm.s32 @!p0 $0x0  }
0x12: {  	s1 =	sld [smem:$0x3F97];
	s0 =	simm.s32 @p0 $0x1  }
0x13: {  	[smem:$0x3FB2] =	sst s0;
	s0 =	simm.s32 @!p1 $0x0  }
0x14: {  	s2 =	sld [smem:$0x3F96];
	s0 =	simm.s32 @p1 $0x1  }
0x15: {  	[smem:$0x3FB3] =	sst s0;
	s0 =	simm.s32 @!p2 $0x0  }
0x16: {  	s3 =	sld [smem:$0x3FDB];
	s0 =	simm.s32 @p2 $0x1  }
0x17: {  	s4 =	simm.s32 $0x1BF5;
	[smem:$0x3FB5] =	sst s0  }
0x18: {  	s0 =	sld [smem:$0x3F98];
	_ =	swait.ge [sflag:s4], $0x0  }
0x19: {  	s7 =	sld [smem:$0x3F99]  }
0x1a: {  	s8 =	sadd.s32 $0xFFFFE003, lr  }
0x1b: {  	s9 =	sadd.s32 $0xFFFFFEF7, lr;
	s5 =	simm.s32 $0xFFFFFFFF;
	p2 =	slt.u32 s8, $0xFFFFF086  }
0x1c: {  	p1 =	slt.u32 s9, $0xF7A;
	s5 =	simm.s32 @!p2 $0x0  }
0x1d: {  	s5 =	simm.s32 @p1 $0x1;
	p0 =	seq.s32 s7, s2  }
0x1e: {  	s7 =	smul.u32 @!p0 $0xF7A, s2;
	p2 =	seq.s32 @!p0 s5, $0x0  }
0x1f: {  	s9 =	smul.u32 $0xF7A, s1;
	s8 =	simm.s32 @!p0 $0x1BF5;
	p2 =	por !p2, p0  }
0x20: {  	[sflag:s8] =	ssyncset.s32 @!p0 $0xFFFFF086;
	s6 =	sadd.s32 @!p0 s3, s7;
	s7 =	simm.s32 @!p0 $0x108  }
0x21: {  	s3 =	sadd.s32 s3, s9;
	s6 =	sadd.s32 @!p0 $0x88, s6;
	s7 =	simm.s32 @p2 $0x1082  }
0x22: {  	[simem:s7], [sflag:s8] =	dma.local @!p0 [hbm:s6], $0xF7A  }
0x23: {  	s9 =	sor.u32 $0xD0000000, s2;
	s6 =	simm.s32 $0x108;
	_ =	swait.ge @!p0 [sflag:s8], $0x0  }
0x24: {  	s3 =	sadd.s32 $0x88, s3;
	s6 =	simm.s32 @!p1 $0x1082;
	[sflag:s4] =	ssyncset.s32 $0xFFFFF086  }
0x25: {  	[simem:s6], [sflag:s4] =	dma.local [hbm:s3], $0xF7A  }
0x26: {  	[smem:$0x3F99] =	sst s1;
	(tag) =	ssettag s2;
	_ =	strace s9  }
0x27: {  	s1 =	sld [smem:$0x3FA9]  }
0x28: {  	s2 =	sld [smem:$0x3FAA]  }
0x29: {  	s4 =	sld [smem:$0x3FAC]  }
0x2a: {  	p0 =	seq.s32 s5, $0x0;
	s5 =	sld [smem:$0x3FAD]  }
0x2b: {  	s6 =	sld [smem:$0x3FAE]  }
0x2c: {  	s7 =	sld [smem:$0x3FAF]  }
0x2d: {  	s3 =	simm.s32 $0x108;
	s8 =	sld [smem:$0x3FB0]  }
0x2e: {  	s3 =	simm.s32 @!p0 $0x1082;
	s9 =	sld [smem:$0x3FB1]  }
0x2f: {  	lr =	sadd.s32 s0, s3;
	s0 =	sld [smem:$0x3FA8]  }
0x30: {  	s3 =	sld [smem:$0x3FAB]  }
0x31: {  	[smem:$0x3FB4] =	sst s10  }
0x32: {  	s10 =	sld [smem:$0x3FB2];
	_ =	sdelay $0x3  }
0x33: {  	p0 =	seq.s32 s10, $0x1;
	s10 =	sld [smem:$0x3FB4];
	_ =	sdelay $0x3  }
0x34: {  	[smem:$0x3FB4] =	sst s10  }
0x35: {  	s10 =	sld [smem:$0x3FB3];
	_ =	sdelay $0x3  }
0x36: {  	p1 =	seq.s32 s10, $0x1;
	s10 =	sld [smem:$0x3FB4];
	_ =	sdelay $0x3  }
0x37: {  	[smem:$0x3FB4] =	sst s10  }
0x38: {  	s10 =	sld [smem:$0x3FB5]  }
0x39: {  	_ = 	snop;
	(pc) =	sbr.ind lr, $3  }
0x3a: {  	_ = 	snop  }
0x3b: {  	_ = 	snop  }
0x3c: {  	p2 =	seq.s32 s10, $0x1;
	s10 =	sld [smem:$0x3FB4]  }
0x3d: {  	_ =	shalt  }
0x3e: {  	_ =	shalt  }
0x3f: {  	_ =	shalt  }
0x40: {  	_ =	shalt  }
0x41: {  	_ =	shalt  }
0x42: {  	_ =	shalt  }
0x43: {  	_ =	shalt  }
0x44: {  	_ =	shalt  }
0x45: {  	_ =	shalt  }
0x46: {  	_ =	shalt  }
0x47: {  	_ =	shalt  }
0x48: {  	_ =	shalt  }
0x49: {  	_ =	shalt  }
0x4a: {  	_ =	shalt  }
0x4b: {  	_ =	shalt  }
0x4c: {  	_ =	shalt  }
0x4d: {  	_ =	shalt  }
0x4e: {  	_ =	shalt  }
0x4f: {  	_ =	shalt  }
0x50: {  	_ =	shalt  }
0x51: {  	_ =	shalt  }
0x52: {  	_ =	shalt  }
0x53: {  	_ =	shalt  }
0x54: {  	_ =	shalt  }
0x55: {  	_ =	shalt  }
0x56: {  	_ =	shalt  }
0x57: {  	_ =	shalt  }
0x58: {  	_ =	shalt  }
0x59: {  	_ =	shalt  }
0x5a: {  	_ =	shalt  }
0x5b: {  	_ =	shalt  }
0x5c: {  	_ =	shalt  }
0x5d: {  	_ =	shalt  }
0x5e: {  	_ =	shalt  }
0x5f: {  	_ =	shalt  }
0x60: {  	_ =	shalt  }
0x61: {  	_ =	shalt  }
0x62: {  	_ =	shalt  }
0x63: {  	_ =	shalt  }
0x64: {  	_ =	shalt  }
0x65: {  	_ =	shalt  }
0x66: {  	_ =	shalt  }
0x67: {  	_ =	shalt  }
0x68: {  	_ =	shalt  }
0x69: {  	_ =	shalt  }
0x6a: {  	_ =	shalt  }
0x6b: {  	_ =	shalt  }
0x6c: {  	_ =	shalt  }
0x6d: {  	_ =	shalt  }
0x6e: {  	_ =	shalt  }
0x6f: {  	_ =	shalt  }
0x70: {  	_ =	shalt  }
0x71: {  	_ =	shalt  }
0x72: {  	_ =	shalt  }
0x73: {  	_ =	shalt  }
0x74: {  	_ =	shalt  }
0x75: {  	_ =	shalt  }
0x76: {  	_ =	shalt  }
0x77: {  	_ =	shalt  }
0x78: {  	_ =	shalt  }
0x79: {  	_ =	shalt  }
0x7a: {  	_ =	shalt  }
0x7b: {  	_ =	shalt  }
0x7c: {  	_ =	shalt  }
0x7d: {  	_ =	shalt  }
0x7e: {  	_ =	shalt  }
0x7f: {  	_ =	shalt  }
0x80: {  	_ =	shalt  }
0x81: {  	_ =	shalt  }
0x82: {  	_ =	shalt  }
0x83: {  	_ =	shalt  }
0x84: {  	_ =	shalt  }
0x85: {  	_ =	shalt  }
0x86: {  	_ =	shalt  }
0x87: {  	_ =	shalt  }
.Lfunc_end0:
.L_simem_size_0:
called_computation_lowered:
.L_overlay_start_0:
0x88: {  	s2 =	sld [smem:$0x3FD9]  }
0x89: {  	s3 =	sld [smem:$0x3FFE];
	_ =	sdelay $0x1  }
0x8a: {  	s1 =	srdreg.scid  }
0x8b: {  	s0 =	sand.u32 $0x1, s1  }
0x8c: {  	s17 =	sshll.u32 s0, $0xA;
	s2 =	sadd.s32 s3, s2  }
0x8d: {  	s2 =	sadd.s32 s2, s17  }
0x8e: {  	[smem:$0x3FC0] =	sst s2  }
0x8f: {  	_ = 	snop  }
0x90: {  	s2 =	sld [smem:$0x3FC9]  }
0x91: {  	s18 =	sld [smem:$0x3FD0];
	(tm) =	ssettm $0x1  }
0x92: {  	s4 =	sld [smem:$0x3FFB];
	_ =	sdelay $0x3  }
0x93: {  	_ =	strace s4  }
0x94: {  	s4 =	sld [smem:$0x3FFC];
	_ =	sdelay $0x3  }
0x95: {  	_ =	strace s4  }
0x96: {  	s4 =	sld [smem:$0x3FFD];
	_ =	sdelay $0x3  }
0x97: {  	_ =	strace s4  }
0x98: {  	_ =	strace $0x8FFFFFFF  }
0x99: {  	s19 =	sld [smem:$0x3FDB];
	_ =	sdelay $0x1  }
0x9a: {  	s5 =	simm.s32 $_scs_section_size  }
0x9b: {  	s6 =	simm.s32 $_size__tile_overlayer_lowered;
	s7 =	simm.s32 $_tile_overlayer_lowered  }
0x9c: {  	s22 =	simm.s32 $0x1BFF;
	s21 =	sshll.u32 s7, $0x1;
	s4 =	sadd.s32 s5, s19  }
0x9d: {  	s8 =	simm.s32 $0x0;
	s20 =	sshll.u32 s6, $0x1;
	s6 =	sadd.s32 s21, s4  }
0x9e: {  	[timem:s8], [sflag:s22] =	dma.local [hbm:s6], s20  }
0x9f: {  	_ =	swait.ge [sflag:s22], s20  }
0xa0: {  	s5 =	ssub.s32 $0x0, s20;
	[sflag:s22] =	ssyncset.done $0x0  }
0xa1: {  	[sflag:s22] =	ssyncadd.s32 s5;
	_ =	sdelay $0x1  }
0xa2: {  	s23 =	simm.s32 $0x1B8B  }
0xa3: {  	_ =	swait.ge [sflag:s23], $0x1  }
0xa4: {  	[sflag:s23] =	ssyncset.done $0x0  }
0xa5: {  	s25 =	simm.s32 $0x1B8E;
	s24 =	sld [smem:$0x3FFE];
	[sflag:s23] =	ssyncadd.s32 $0xFFFFFFFF  }
0xa6: {  	s26 =	simm.s32 $execute0_lowered;
	[smem:$0x3FD2] =	sst s25  }
0xa7: {  	s6 =	sshll.u32 s26, $0x1;
	_ =	strace $0x80000046;
	[dreg:$0x1] =	wrdreg $0xFFFFFFFF  }
0xa8: {  	s28 =	simm.s32 $_size_execute0_lowered;
	s4 =	sadd.s32 s4, s6;
	[dreg:$0x0] =	wrdreg $0x0  }
0xa9: {  	s6 =	sshll.u32 s28, $0x1;
	[dreg:$0x2] =	wrdreg s4  }
0xaa: {  	[dreg:$0x3] =	wrdreg s6  }
0xab: {  	[dreg:$0x4] =	wrdreg $0xC0  }
0xac: {  	_ =	task [dreg:s8], $0x5FFFF  }
0xad: {  	[dreg:$0x1] =	wrdreg $0xFFFFFFFF  }
0xae: {  	[dreg:$0x0] =	wrdreg $0x60  }
0xaf: {  	[dreg:$0x2] =	wrdreg s2  }
0xb0: {  	[dreg:$0x3] =	wrdreg s24  }
0xb1: {  	[dreg:$0x4] =	wrdreg s18  }
0xb2: {  	[dreg:$0x5] =	wrdreg $0x84800  }
0xb3: {  	[dreg:$0x6] =	wrdreg $0x1C4800  }
0xb4: {  	[dreg:$0x7] =	wrdreg $0x9  }
0xb5: {  	_ =	task.clear_ibuf [dreg:s8], $0x8FFFF;
	_ =	strace $0x90000046  }
0xb6: {  	s29 =	simm.s32 $0x9;
	_ =	strace $0x80000048  }
0xb7: {  	_ =	swait.ge [sflag:s29], $0x1  }
0xb8: {  	[sflag:s29] =	ssyncadd.s32 $0xFFFFFFFF  }
0xb9: {  	_ =	strace $0x90000048  }
0xba: {  	_ =	sfence  }
0xbb: {  	s30 =	sld [smem:$0x0];
	_ =	sdelay $0x2  }
0xbc: {  	s31 =	sshll.u32 s1, $0xD;
	s1 =	sshrl.u32 s1, $0x2  }
0xbd: {  	s3 =	sand.u32 $0x4000, s31;
	s1 =	sadd.s32 s1, s30  }
0xbe: {  	s0 =	sor.u32 s3, s0;
	s1 =	sshll.u32 s1, $0x11  }
0xbf: {  	s0 =	sor.u32 s1, s0  }
0xc0: {  	s0 =	sadd.s32 $0x8F2B, s0  }
0xc1: {  	[sflag:s0] =	ssyncadd.remote.s32 $0x1  }
0xc2: {  	_ =	sfence.sel $0xFFFF  }
0xc3: {  	[dreg:$0x0] =	wrdreg $0xFFFFFFFF;
	(pc) =	sbr.abs _section_cstart, $3  }
0xc4: {  	[dreg:$0x1] =	wrdreg $0xFFFFFFFF  }
0xc5: {  	_ =	task.clear_ibuf [dreg:s8], $0x2FFFF;
	_ =	strace $0x9FFFFFFF  }
0xc6: {  	(tm) =	ssettm $0x7FFFFFFF  }
0xc7: {  	_ =	shalt  }
tec
execute0_lowered:
.L_overlay_start_1:
0x0: {  	(tag) =	ssettag $0x1  }
0x1: {  	s1 =	rddreg [dreg:$0x0]  }
0x2: {  	s0 =	rddreg [dreg:$0x1]  }
0x3: {  	s2 =	rddreg [dreg:$0x2]  }
0x4: {  	s3 =	rddreg [dreg:$0x3];
	s16 =	stileid.u32  }
0x5: {  	s4 =	rddreg [dreg:$0x4];
	s7 =	smul.u32 $0x4D, s16  }
0x6: {  	s6 =	srdreg.scid;
	s5 =	simm.s32 $0x0;
	s19 =	smul.u32 $0x3, s16  }
0x7: {  	s29 =	simm.s32 $0x400;
	s30 =	simm.s32 $0x4;
	s10 =	smul.u32 $0x280, s16  }
0x8: {  	s31 =	simm.s32 $0x1;
	s8 =	sand.u32 $0x1, s6;
	s20 =	smul.u32 $0x14000, s16  }
0x9: {  	[smem:$0x7FF] =	sst s5;
	s11 =	sadd.s32 $0x16000, s0;
	s14 =	smul.u32 $0x500, s16  }
0xa: {  	s9 =	ssub.s32 $0x2, s8;
	s13 =	smul.u32 $0x140000, s8;
	p0 =	seq.s32 s8, $0x0  }
0xb: {  	s8 =	sshll.u32 s8, $0x7;
	s12 =	sshrl.u32 s9, $0x1;
	s22 =	sadd.s32 $0x80, s10  }
0xc: {  	s6 =	sadd.s32 $0x4D0, s19;
	s26 =	sadd.s32 $0x200, s10;
	s8 =	sor.u32 s8, s14  }
0xd: {  	s14 =	simm.s32 $0x4C;
	s9 =	ssub.s32 s9, s12;
	s17 =	sshll.u32 s22, $0x7  }
0xe: {  	s6 =	smov.u32 @p0 s7;
	s21 =	sadd.s32 s20, s13;
	s20 =	sshll.u32 s26, $0x7  }
0xf: {  	s8 =	sshrl.u32 s8, $0x3;
	s14 =	simm.s32 @!p0 $0x2;
	s22 =	sadd.s32 s22, s4  }
0x10: {  	s26 =	sadd.s32 s26, s4;
	s23 =	sadd.s32 s13, s17;
	s7 =	sshrl.u32 s21, $0x3  }
0x11: {  	s2 =	sadd.s32 s2, s8;
	s17 =	sadd.s32 s17, s3;
	s7 =	sadd.s32 s11, s7  }
0x12: {  	s12 =	sshrl.u32 s23, $0x3;
	s23 =	sadd.s32 $0x100, s10;
	[dreg:$0x6] =	wrdreg s7  }
0x13: {  	s24 =	sadd.s32 s11, s12;
	s7 =	sshll.u32 s23, $0x7;
	s23 =	sadd.s32 s23, s4  }
0x14: {  	[dreg:$0x7] =	wrdreg s24;
	s25 =	sadd.s32 s13, s7;
	s24 =	sadd.s32 $0x180, s10  }
0x15: {  	s19 =	sshll.u32 s24, $0x7;
	s12 =	sshrl.u32 s25, $0x3;
	s25 =	smul.u32 $0x50000, s16  }
0x16: {  	s15 =	sadd.s32 s13, s19;
	s13 =	sadd.s32 s13, s20;
	s12 =	sadd.s32 s11, s12  }
0x17: {  	s19 =	sadd.s32 s19, s3;
	s20 =	sadd.s32 s20, s3;
	s15 =	sshrl.u32 s15, $0x3  }
0x18: {  	[dreg:$0x8] =	wrdreg s12;
	s21 =	sshrl.u32 s13, $0x3;
	s18 =	sadd.s32 s11, s15  }
0x19: {  	s12 =	sadd.s32 $0x2000, s0;
	s11 =	sadd.s32 s11, s21;
	[dreg:$0x9] =	wrdreg s18  }
0x1a: {  	s8 =	sshrl.u32 s25, $0x2;
	s13 =	smax.u32 s9, $0x1;
	[dreg:$0xa] =	wrdreg s11  }
0x1b: {  	s25 =	sadd.s32 s24, s4;
	_ =	strace $0x80000047;
	[dreg:$0xb] =	wrdreg s2  }
0x1c: {  	s0 =	simm.s32 $0x80;
	s9 =	simm.s32 $0x180;
	[dreg:$0xc] =	wrdreg s13  }
0x1d: {  	s16 =	sadd.s32 s8, s3;
	s21 =	sadd.s32 s10, s4;
	[dreg:$0xd] =	wrdreg s22  }
0x1e: {  	s8 =	simm.s32 $0x8400;
	s10 =	simm.s32 $0x3;
	[dreg:$0xe] =	wrdreg s23  }
0x1f: {  	s11 =	sshll.u32 s6, $0x6;
	s18 =	sadd.s32 s7, s3;
	[dreg:$0xf] =	wrdreg s25  }
0x20: {  	s7 =	simm.s32 $0x2;
	s15 =	sadd.s32 s12, s11;
	[dreg:$0x10] =	wrdreg s26  }
0x21: {  	v0 =	vimm.f32 $0.0e+00;
	v1 =	vimm.f32 $1.000000000e+00;
	s2 =	simm.s32 $0x4400;
	s11 =	simm.s32 $0x0;
	s28 =	sadd.s32 $0x40, s15  }
.LBB2_1:
0x22: {  	[tilespmem:s5], [sflag:$0x1] =	stream.linear.gather [hbm4b:s15+s5], $0x200, $0x38;
	[tilespmem:$0x1C700] =	vst v63  }
0x23: {  	s13 =	simm.s32 $0x0;
	s22 =	simm.s32 $0x200  }
.LBB2_2:
0x24: {  	p0 =	sne.s32 s22, $0xFE00;
	[tilespmem:s13+$0x470] =	vst v0  }
0x25: {  	[tilespmem:s13+$0x400] =	vst v0  }
0x26: {  	[tilespmem:s13+$0x410] =	vst v0  }
.Ltmp0:
0x27: {  	[tilespmem:s13+$0x420] =	vst v0;
	(pc) =	sbr.rel @p0 .LBB2_2-.Ltmp0, $4  }
0x28: {  	[tilespmem:s13+$0x430] =	vst v0  }
0x29: {  	[tilespmem:s13+$0x440] =	vst v0  }
0x2a: {  	[tilespmem:s13+$0x450] =	vst v0  }
0x2b: {  	[tilespmem:s13+$0x460] =	vst v0;
	s13 =	sshra.s32 s22, $0x2;
	s22 =	sadd.s32 $0x200, s22  }
0x2c: {  	[tilespmem:s13+$0x470] =	vst v0  }
0x2d: {  	[tilespmem:s13+$0x400] =	vst v0  }
0x2e: {  	[tilespmem:s13+$0x410] =	vst v0  }
0x2f: {  	[tilespmem:s13+$0x420] =	vst v0  }
0x30: {  	[tilespmem:s13+$0x430] =	vst v0  }
0x31: {  	[tilespmem:s13+$0x440] =	vst v0  }
0x32: {  	[tilespmem:s13+$0x450] =	vst v0  }
0x33: {  	[tilespmem:s13+$0x460] =	vst v0  }
0x34: {  	[tilespmem:$0x8400] =	vst v1  }
0x35: {  	[tilespmem:$0x8410] =	vst v1  }
0x36: {  	[tilespmem:$0x8420] =	vst v1  }
0x37: {  	[tilespmem:$0x8430] =	vst v1  }
0x38: {  	[tilespmem:$0x8440] =	vst v1  }
0x39: {  	[tilespmem:$0x8450] =	vst v1  }
0x3a: {  	[tilespmem:$0x8460] =	vst v1  }
0x3b: {  	[tilespmem:$0x8470] =	vst v1  }
0x3c: {  	[spmem:s16] =	stream.linear.scatter [tilespmem:s29], [sflag:$0x4], $0x4000, $0x38;
	[tilespmem:$0x1C700] =	vst v63  }
0x3d: {  	_ =	swait.ge [sflag:s30], $0x4000  }
0x3e: {  	[sflag:s30] =	ssyncset.done $0x0  }
0x3f: {  	[sflag:s30] =	ssyncadd.s32 $0xFFFFC000  }
0x40: {  	[spmem:s21] =	stream.linear.scatter [tilespmem:s29], [sflag:$0x4], $0x80, $0x38;
	[tilespmem:$0x1C700] =	vst v63  }
0x41: {  	_ =	swait.ge [sflag:s30], $0x80  }
0x42: {  	[sflag:s30] =	ssyncset.done $0x0  }
0x43: {  	[sflag:s30] =	ssyncadd.s32 $0xFFFFFF80  }
0x44: {  	[spmem:s17] =	stream.linear.scatter [tilespmem:s29], [sflag:$0x4], $0x4000, $0x38;
	[tilespmem:$0x1C700] =	vst v63  }
0x45: {  	_ =	swait.ge [sflag:s30], $0x4000  }
0x46: {  	[sflag:s30] =	ssyncset.done $0x0  }
0x47: {  	s26 =	rddreg [dreg:$0xd];
	[sflag:s30] =	ssyncadd.s32 $0xFFFFC000  }
0x48: {  	[spmem:s26] =	stream.linear.scatter [tilespmem:s29], [sflag:$0x4], $0x80, $0x38;
	[tilespmem:$0x1C700] =	vst v63  }
0x49: {  	_ =	swait.ge [sflag:s30], $0x80  }
0x4a: {  	[sflag:s30] =	ssyncset.done $0x0  }
0x4b: {  	[sflag:s30] =	ssyncadd.s32 $0xFFFFFF80  }
0x4c: {  	[spmem:s18] =	stream.linear.scatter [tilespmem:s29], [sflag:$0x4], $0x4000, $0x38;
	[tilespmem:$0x1C700] =	vst v63  }
0x4d: {  	_ =	swait.ge [sflag:s30], $0x4000  }
0x4e: {  	[sflag:s30] =	ssyncset.done $0x0  }
0x4f: {  	s22 =	rddreg [dreg:$0xe];
	[sflag:s30] =	ssyncadd.s32 $0xFFFFC000  }
0x50: {  	[spmem:s22] =	stream.linear.scatter [tilespmem:s29], [sflag:$0x4], $0x80, $0x38;
	[tilespmem:$0x1C700] =	vst v63  }
0x51: {  	_ =	swait.ge [sflag:s30], $0x80  }
0x52: {  	[sflag:s30] =	ssyncset.done $0x0  }
0x53: {  	[sflag:s30] =	ssyncadd.s32 $0xFFFFFF80  }
0x54: {  	[spmem:s19] =	stream.linear.scatter [tilespmem:s29], [sflag:$0x4], $0x4000, $0x38;
	[tilespmem:$0x1C700] =	vst v63  }
0x55: {  	_ =	swait.ge [sflag:s30], $0x4000  }
0x56: {  	[sflag:s30] =	ssyncset.done $0x0  }
0x57: {  	s23 =	rddreg [dreg:$0xf];
	[sflag:s30] =	ssyncadd.s32 $0xFFFFC000  }
0x58: {  	[spmem:s23] =	stream.linear.scatter [tilespmem:s29], [sflag:$0x4], $0x80, $0x38;
	[tilespmem:$0x1C700] =	vst v63  }
0x59: {  	_ =	swait.ge [sflag:s30], $0x80  }
0x5a: {  	[sflag:s30] =	ssyncset.done $0x0  }
0x5b: {  	[sflag:s30] =	ssyncadd.s32 $0xFFFFFF80  }
0x5c: {  	[spmem:s20] =	stream.linear.scatter [tilespmem:s29], [sflag:$0x4], $0x4000, $0x38;
	[tilespmem:$0x1C700] =	vst v63  }
0x5d: {  	_ =	swait.ge [sflag:s30], $0x4000  }
0x5e: {  	[sflag:s30] =	ssyncset.done $0x0  }
0x5f: {  	s24 =	rddreg [dreg:$0x10];
	[sflag:s30] =	ssyncadd.s32 $0xFFFFC000  }
0x60: {  	[spmem:s24] =	stream.linear.scatter [tilespmem:s29], [sflag:$0x4], $0x80, $0x38;
	[tilespmem:$0x1C700] =	vst v63  }
0x61: {  	_ =	swait.ge [sflag:s30], $0x80  }
0x62: {  	[sflag:s30] =	ssyncset.done $0x0  }
0x63: {  	[sflag:s30] =	ssyncadd.s32 $0xFFFFFF80  }
0x64: {  	[bflag:$0x0] =	sbarrier.arrive $0xFFFF  }
0x65: {  	_ =	swait.ge [sflag:s31], $0x200  }
0x66: {  	[sflag:s31] =	ssyncset.done $0x0  }
0x67: {  	s25 =	simm.s32 $0x0;
	s23 =	simm.s32 $0x200;
	[sflag:s31] =	ssyncadd.s32 $0xFFFFFE00  }
0x68: {  	[tilespmem:s23], [sflag:$0x1] =	stream.linear.gather [hbm4b:s28+s25], $0x200, $0x38;
	[tilespmem:$0x1C700] =	vst v63  }
0x69: {  	_ = 	snop  }
0x6a: {  	[tilespmem:s29], [sflag:$0x2] =	stream.indirect.gather [hbm4b:s1+s0], $0x80, s25, s0, $0xb8;
	[tilespmem:$0x1C700] =	vst v63  }
0x6b: {  	s26 =	simm.s32 $0x100  }
0x6c: {  	[tilespmem:s2], [sflag:$0x2] =	stream.indirect.gather [hbm4b:s1+s0], $0x80, s26, s0, $0xb8;
	[tilespmem:$0x1C700] =	vst v63  }
0x6d: {  	_ =	swait.ge [sflag:s7], $0x4000  }
0x6e: {  	[sflag:s7] =	ssyncset.done $0x0  }
0x6f: {  	[sflag:s7] =	ssyncadd.s32 $0xFFFFC000  }
0x70: {  	_ =	swait.ge [sflag:s7], $0x4000  }
0x71: {  	[sflag:s7] =	ssyncset.done $0x0  }
0x72: {  	[sflag:s7] =	ssyncadd.s32 $0xFFFFC000  }
0x73: {  	[spmem:s3] =	stream.indirect.scatter.add.f32 [tilespmem:s29], [sflag:$0x3], $0x80, s0, s0, $0xb8;
	[tilespmem:$0x1C700] =	vst v63  }
0x74: {  	_ = 	snop  }
0x75: {  	[spmem:s4] =	stream.indirect.scatter.add.f32 [tilespmem:s8], [sflag:$0x3], $0x1, s0, s0, $0xb8;
	[tilespmem:$0x1C700] =	vst v63  }
0x76: {  	_ = 	snop  }
0x77: {  	[spmem:s3] =	stream.indirect.scatter.add.f32 [tilespmem:s2], [sflag:$0x3], $0x80, s9, s0, $0xb8;
	[tilespmem:$0x1C700] =	vst v63  }
0x78: {  	_ = 	snop  }
0x79: {  	[spmem:s4] =	stream.indirect.scatter.add.f32 [tilespmem:s8], [sflag:$0x3], $0x1, s9, s0, $0xb8;
	[tilespmem:$0x1C700] =	vst v63  }
0x7a: {  	_ =	swait.ge [sflag:s10], $0x4000  }
0x7b: {  	[sflag:s10] =	ssyncset.done $0x0  }
0x7c: {  	[sflag:s10] =	ssyncadd.s32 $0xFFFFC000  }
0x7d: {  	_ =	swait.ge [sflag:s10], $0x80  }
0x7e: {  	[sflag:s10] =	ssyncset.done $0x0  }
0x7f: {  	[sflag:s10] =	ssyncadd.s32 $0xFFFFFF80  }
0x80: {  	p1 =	sne.s32 s14, $0x1;
	_ =	swait.ge [sflag:s10], $0x4000  }
.Ltmp1:
0x81: {  	[sflag:s10] =	ssyncset.done $0x0;
	(pc) =	sbr.rel @!p1 .LBB2_4-.Ltmp1, $4  }
0x82: {  	[sflag:s10] =	ssyncadd.s32 $0xFFFFC000  }
0x83: {  	s13 =	simm.s32 $0x2;
	_ =	swait.ge [sflag:s10], $0x80  }
0x84: {  	p0 =	sgt.s32 s14, $0x2;
	s24 =	smov.u32 s14;
	[sflag:s10] =	ssyncset.done $0x0  }
0x85: {  	s24 =	smov.u32 @p0 s13;
	p0 =	por $0x0, $0x0;
	[sflag:s10] =	ssyncadd.s32 $0xFFFFFF80  }
0x86: {  	s13 =	sadd.s32 s6, s24  }
0x87: {  	_ =	swait.ge [sflag:s31], $0x200;
	s22 =	sshll.u32 s13, $0x6  }
0x88: {  	[sflag:s31] =	ssyncset.done $0x0;
	s13 =	simm.s32 $0x400;
	s22 =	sand.u32 $0x1FFFFFC0, s22  }
0x89: {  	[sflag:s31] =	ssyncadd.s32 $0xFFFFFE00;
	s26 =	sand.u32 $0x200, s13;
	s22 =	sadd.s32 s12, s22  }
0x8a: {  	[tilespmem:s26], [sflag:$0x1] =	stream.linear.gather [hbm4b:s22+s5], $0x200, $0x38;
	[tilespmem:$0x1C700] =	vst v63  }
0x8b: {  	s25 =	sand.u32 $0x200, s23  }
0x8c: {  	[tilespmem:s29], [sflag:$0x2] =	stream.indirect.gather [hbm4b:s1+s0], $0x80, s25, s0, $0xb8;
	[tilespmem:$0x1C700] =	vst v63  }
0x8d: {  	s23 =	sor.u32 $0x100, s25  }
0x8e: {  	[tilespmem:s2], [sflag:$0x2] =	stream.indirect.gather [hbm4b:s1+s0], $0x80, s23, s0, $0xb8;
	[tilespmem:$0x1C700] =	vst v63  }
0x8f: {  	_ =	swait.ge [sflag:s7], $0x4000  }
0x90: {  	[sflag:s7] =	ssyncset.done $0x0  }
0x91: {  	[sflag:s7] =	ssyncadd.s32 $0xFFFFC000  }
0x92: {  	_ =	swait.ge [sflag:s7], $0x4000  }
0x93: {  	[sflag:s7] =	ssyncset.done $0x0  }
0x94: {  	s26 =	sor.u32 $0x80, s25;
	[sflag:s7] =	ssyncadd.s32 $0xFFFFC000  }
0x95: {  	[spmem:s3] =	stream.indirect.scatter.add.f32 [tilespmem:s29], [sflag:$0x3], $0x80, s26, s0, $0xb8;
	[tilespmem:$0x1C700] =	vst v63  }
0x96: {  	_ = 	snop  }
0x97: {  	[spmem:s4] =	stream.indirect.scatter.add.f32 [tilespmem:s8], [sflag:$0x3], $0x1, s26, s0, $0xb8;
	[tilespmem:$0x1C700] =	vst v63  }
0x98: {  	s22 =	sor.u32 $0x180, s25  }
0x99: {  	[spmem:s3] =	stream.indirect.scatter.add.f32 [tilespmem:s2], [sflag:$0x3], $0x80, s22, s0, $0xb8;
	[tilespmem:$0x1C700] =	vst v63  }
0x9a: {  	_ = 	snop  }
0x9b: {  	[spmem:s4] =	stream.indirect.scatter.add.f32 [tilespmem:s8], [sflag:$0x3], $0x1, s22, s0, $0xb8;
	[tilespmem:$0x1C700] =	vst v63  }
0x9c: {  	_ =	swait.ge [sflag:s10], $0x4000  }
0x9d: {  	[sflag:s10] =	ssyncset.done $0x0  }
0x9e: {  	[sflag:s10] =	ssyncadd.s32 $0xFFFFC000  }
0x9f: {  	_ =	swait.ge [sflag:s10], $0x80  }
0xa0: {  	[sflag:s10] =	ssyncset.done $0x0  }
0xa1: {  	p1 =	sne.s32 s14, $0x2;
	[sflag:s10] =	ssyncadd.s32 $0xFFFFFF80  }
.Ltmp2:
0xa2: {  	_ =	swait.ge [sflag:s10], $0x4000;
	(pc) =	sbr.rel @!p1 .LBB2_6-.Ltmp2, $4  }
0xa3: {  	p0 =	sgt.s32 s14, $0x3;
	[sflag:s10] =	ssyncset.done $0x0  }
0xa4: {  	s24 =	smov.u32 s14;
	s22 =	simm.s32 $0x3;
	[sflag:s10] =	ssyncadd.s32 $0xFFFFC000  }
0xa5: {  	s23 =	simm.s32 $0x2;
	s24 =	smov.u32 @p0 s22;
	_ =	swait.ge [sflag:s10], $0x80  }
0xa6: {  	p0 =	por $0x1, $0x1;
	s22 =	simm.s32 $0x400;
	[sflag:s10] =	ssyncset.done $0x0  }
.LBB2_7:
0xa7: {  	s25 =	sadd.s32 s6, s24  }
0xa8: {  	[sflag:s10] =	ssyncadd.s32 $0xFFFFFF80;
	s24 =	smov.u32 s23;
	s23 =	sadd.s32 $0x1, s23  }
0xa9: {  	p1 =	sne.s32 s14, s23;
	_ =	swait.ge [sflag:s31], $0x200;
	s25 =	sshll.u32 s25, $0x6  }
0xaa: {  	s13 =	sadd.s32 $0x200, s13;
	[sflag:s31] =	ssyncset.done $0x0;
	s25 =	sand.u32 $0x1FFFFFC0, s25  }
0xab: {  	s26 =	sand.u32 $0x200, s13;
	[sflag:s31] =	ssyncadd.s32 $0xFFFFFE00;
	s25 =	sadd.s32 s12, s25  }
0xac: {  	[tilespmem:s26], [sflag:$0x1] =	stream.linear.gather [hbm4b:s25+s5], $0x200, $0x38;
	[tilespmem:$0x1C700] =	vst v63  }
0xad: {  	s25 =	sand.u32 $0x200, s22;
	s22 =	smov.u32 s13  }
0xae: {  	[tilespmem:s29], [sflag:$0x2] =	stream.indirect.gather [hbm4b:s1+s0], $0x80, s25, s0, $0xb8;
	[tilespmem:$0x1C700] =	vst v63  }
0xaf: {  	s26 =	sor.u32 $0x100, s25  }
0xb0: {  	[tilespmem:s2], [sflag:$0x2] =	stream.indirect.gather [hbm4b:s1+s0], $0x80, s26, s0, $0xb8;
	[tilespmem:$0x1C700] =	vst v63  }
0xb1: {  	_ =	swait.ge [sflag:s7], $0x4000  }
0xb2: {  	[sflag:s7] =	ssyncset.done $0x0  }
0xb3: {  	[sflag:s7] =	ssyncadd.s32 $0xFFFFC000  }
0xb4: {  	_ =	swait.ge [sflag:s7], $0x4000  }
0xb5: {  	[sflag:s7] =	ssyncset.done $0x0  }
0xb6: {  	s26 =	sor.u32 $0x80, s25;
	[sflag:s7] =	ssyncadd.s32 $0xFFFFC000  }
0xb7: {  	[spmem:s3] =	stream.indirect.scatter.add.f32 [tilespmem:s29], [sflag:$0x3], $0x80, s26, s0, $0xb8;
	[tilespmem:$0x1C700] =	vst v63  }
0xb8: {  	_ = 	snop  }
0xb9: {  	[spmem:s4] =	stream.indirect.scatter.add.f32 [tilespmem:s8], [sflag:$0x3], $0x1, s26, s0, $0xb8;
	[tilespmem:$0x1C700] =	vst v63  }
0xba: {  	s25 =	sor.u32 $0x180, s25  }
0xbb: {  	[spmem:s3] =	stream.indirect.scatter.add.f32 [tilespmem:s2], [sflag:$0x3], $0x80, s25, s0, $0xb8;
	[tilespmem:$0x1C700] =	vst v63  }
0xbc: {  	_ = 	snop  }
0xbd: {  	[spmem:s4] =	stream.indirect.scatter.add.f32 [tilespmem:s8], [sflag:$0x3], $0x1, s25, s0, $0xb8;
	[tilespmem:$0x1C700] =	vst v63  }
0xbe: {  	_ =	swait.ge [sflag:s10], $0x4000  }
0xbf: {  	[sflag:s10] =	ssyncset.done $0x0  }
0xc0: {  	[sflag:s10] =	ssyncadd.s32 $0xFFFFC000  }
0xc1: {  	_ =	swait.ge [sflag:s10], $0x80  }
0xc2: {  	[sflag:s10] =	ssyncset.done $0x0  }
0xc3: {  	[sflag:s10] =	ssyncadd.s32 $0xFFFFFF80  }
.Ltmp3:
0xc4: {  	_ =	swait.ge [sflag:s10], $0x4000;
	(pc) =	sbr.rel @p1 .LBB2_7-.Ltmp3, $4  }
0xc5: {  	[sflag:s10] =	ssyncset.done $0x0  }
0xc6: {  	s25 =	sadd.s32 $0x2, s24;
	[sflag:s10] =	ssyncadd.s32 $0xFFFFC000  }
0xc7: {  	s24 =	smov.u32 s14;
	p2 =	slt.s32 s25, s14;
	_ =	swait.ge [sflag:s10], $0x80  }
0xc8: {  	s24 =	smov.u32 @p2 s25;
	[sflag:s10] =	ssyncset.done $0x0  }
0xc9: {  	s23 =	smov.u32 s13  }
.LBB2_9:
0xca: {  	s13 =	sadd.s32 s6, s24;
	[sflag:s10] =	ssyncadd.s32 @p0 $0xFFFFFF80  }
0xcb: {  	_ =	swait.ge [sflag:s31], $0x200;
	s13 =	sshll.u32 s13, $0x6  }
0xcc: {  	s23 =	sadd.s32 $0x200, s23;
	[sflag:s31] =	ssyncset.done $0x0;
	s13 =	sand.u32 $0x1FFFFFC0, s13  }
0xcd: {  	s23 =	sand.u32 $0x200, s23;
	[sflag:s31] =	ssyncadd.s32 $0xFFFFFE00;
	s13 =	sadd.s32 s12, s13  }
0xce: {  	[tilespmem:s23], [sflag:$0x1] =	stream.linear.gather [hbm4b:s13+s5], $0x200, $0x38;
	[tilespmem:$0x1C700] =	vst v63  }
0xcf: {  	s25 =	sand.u32 $0x200, s22  }
0xd0: {  	[tilespmem:s29], [sflag:$0x2] =	stream.indirect.gather [hbm4b:s1+s0], $0x80, s25, s0, $0xb8;
	[tilespmem:$0x1C700] =	vst v63  }
0xd1: {  	s22 =	sor.u32 $0x100, s25  }
0xd2: {  	[tilespmem:s2], [sflag:$0x2] =	stream.indirect.gather [hbm4b:s1+s0], $0x80, s22, s0, $0xb8;
	[tilespmem:$0x1C700] =	vst v63  }
0xd3: {  	_ =	swait.ge [sflag:s7], $0x4000  }
0xd4: {  	[sflag:s7] =	ssyncset.done $0x0  }
0xd5: {  	[sflag:s7] =	ssyncadd.s32 $0xFFFFC000  }
0xd6: {  	_ =	swait.ge [sflag:s7], $0x4000  }
0xd7: {  	[sflag:s7] =	ssyncset.done $0x0  }
0xd8: {  	s26 =	sor.u32 $0x80, s25;
	[sflag:s7] =	ssyncadd.s32 $0xFFFFC000  }
0xd9: {  	[spmem:s3] =	stream.indirect.scatter.add.f32 [tilespmem:s29], [sflag:$0x3], $0x80, s26, s0, $0xb8;
	[tilespmem:$0x1C700] =	vst v63  }
0xda: {  	_ = 	snop  }
0xdb: {  	[spmem:s4] =	stream.indirect.scatter.add.f32 [tilespmem:s8], [sflag:$0x3], $0x1, s26, s0, $0xb8;
	[tilespmem:$0x1C700] =	vst v63  }
0xdc: {  	s13 =	sor.u32 $0x180, s25  }
0xdd: {  	[spmem:s3] =	stream.indirect.scatter.add.f32 [tilespmem:s2], [sflag:$0x3], $0x80, s13, s0, $0xb8;
	[tilespmem:$0x1C700] =	vst v63  }
0xde: {  	_ = 	snop  }
0xdf: {  	[spmem:s4] =	stream.indirect.scatter.add.f32 [tilespmem:s8], [sflag:$0x3], $0x1, s13, s0, $0xb8;
	[tilespmem:$0x1C700] =	vst v63  }
0xe0: {  	_ =	swait.ge [sflag:s10], $0x4000  }
0xe1: {  	[sflag:s10] =	ssyncset.done $0x0  }
0xe2: {  	[sflag:s10] =	ssyncadd.s32 $0xFFFFC000  }
0xe3: {  	_ =	swait.ge [sflag:s10], $0x80  }
0xe4: {  	[sflag:s10] =	ssyncset.done $0x0  }
0xe5: {  	[sflag:s10] =	ssyncadd.s32 $0xFFFFFF80  }
0xe6: {  	_ =	swait.ge [sflag:s10], $0x4000  }
0xe7: {  	[sflag:s10] =	ssyncset.done $0x0  }
0xe8: {  	[sflag:s10] =	ssyncadd.s32 $0xFFFFC000  }
0xe9: {  	_ =	swait.ge [sflag:s10], $0x80  }
0xea: {  	[sflag:s10] =	ssyncset.done $0x0  }
0xeb: {  	[sflag:s10] =	ssyncadd.s32 $0xFFFFFF80  }
0xec: {  	_ =	swait.ge [sflag:s31], $0x200  }
0xed: {  	[sflag:s31] =	ssyncset.done $0x0  }
0xee: {  	s23 =	stileid.u32;
	[sflag:s31] =	ssyncadd.s32 $0xFFFFFE00  }
0xef: {  	s13 =	sshll.u32 s23, $0x6;
	[bflag:$0x0] =	sbarrier.arrive $0xFFFF  }
0xf0: {  	s24 =	sshrl.u32 s16, $0x3;
	s13 =	sor.u32 $0x1C01, s13;
	s25 =	rddreg [dreg:$0x6]  }
0xf1: {  	[hbm:s25], [sflag:s13] =	dma.local [spmem:s24], $0x800  }
0xf2: {  	s26 =	sshrl.u32 s17, $0x3;
	s23 =	rddreg [dreg:$0x7]  }
0xf3: {  	[hbm:s23], [sflag:s13] =	dma.local [spmem:s26], $0x800  }
0xf4: {  	s24 =	sshrl.u32 s18, $0x3;
	s23 =	rddreg [dreg:$0x8]  }
0xf5: {  	[hbm:s23], [sflag:s13] =	dma.local [spmem:s24], $0x800  }
0xf6: {  	s25 =	sshrl.u32 s19, $0x3;
	s23 =	rddreg [dreg:$0x9]  }
0xf7: {  	[hbm:s23], [sflag:s13] =	dma.local [spmem:s25], $0x800  }
0xf8: {  	s26 =	sshrl.u32 s20, $0x3;
	s24 =	sshrl.u32 s21, $0x3;
	s23 =	rddreg [dreg:$0xa]  }
0xf9: {  	[hbm:s23], [sflag:s13] =	dma.local [spmem:s26], $0x800  }
0xfa: {  	s25 =	simm.s32 $0x10;
	s26 =	simm.s32 $0x20;
	s23 =	rddreg [dreg:$0xb]  }
0xfb: {  	[hbm:s23@s26], [sflag:s13] =	dma.strided [spmem:s24@s25], $0x50, s31, $0x10   }
0xfc: {  	_ =	swait.ge [sflag:s31], $0x800  }
0xfd: {  	[sflag:s31] =	ssyncset.done $0x0  }
0xfe: {  	[sflag:s31] =	ssyncadd.s32 $0xFFFFF800  }
0xff: {  	_ =	swait.ge [sflag:s31], $0x800  }
0x100: {  	[sflag:s31] =	ssyncset.done $0x0  }
0x101: {  	[sflag:s31] =	ssyncadd.s32 $0xFFFFF800  }
0x102: {  	_ =	swait.ge [sflag:s31], $0x800  }
0x103: {  	[sflag:s31] =	ssyncset.done $0x0  }
0x104: {  	[sflag:s31] =	ssyncadd.s32 $0xFFFFF800  }
0x105: {  	_ =	swait.ge [sflag:s31], $0x800  }
0x106: {  	[sflag:s31] =	ssyncset.done $0x0  }
0x107: {  	[sflag:s31] =	ssyncadd.s32 $0xFFFFF800  }
0x108: {  	_ =	swait.ge [sflag:s31], $0x800  }
0x109: {  	[sflag:s31] =	ssyncset.done $0x0  }
0x10a: {  	[sflag:s31] =	ssyncadd.s32 $0xFFFFF800  }
0x10b: {  	_ =	swait.ge [sflag:s31], $0x50  }
0x10c: {  	s11 =	sadd.s32 $0x1, s11;
	s26 =	rddreg [dreg:$0xc]  }
0x10d: {  	p0 =	sne.s32 s11, s26  }
.Ltmp4:
0x10e: {  	_ = 	snop;
	(pc) =	sbr.rel @p0 .LBB2_1-.Ltmp4, $4  }
.Ltmp5:
0x10f: {  	_ = 	snop;
	(pc) =	sbr.rel @!p0 .LBB2_10-.Ltmp5, $4  }
0x110: {  	_ = 	snop  }
0x111: {  	[sflag:s31] =	ssyncset.done $0x0  }
0x112: {  	[sflag:s31] =	ssyncadd.s32 $0xFFFFFFB0  }
0x113: {  	_ = 	snop  }
.LBB2_4:
.Ltmp6:
0x114: {  	(pc) =	sbr.rel .LBB2_9-.Ltmp6, $2  }
0x115: {  	_ =	sdelay $0x2  }
0x116: {  	s22 =	simm.s32 $0x200  }
.LBB2_6:
.Ltmp7:
0x117: {  	(pc) =	sbr.rel .LBB2_9-.Ltmp7, $2  }
0x118: {  	_ =	sdelay $0x2  }
0x119: {  	s23 =	simm.s32 $0x400;
	s22 =	simm.s32 $0x400  }
.LBB2_10:
0x11a: {  	_ =	sfence.sel $0x180000  }
0x11b: {  	[bflag:$0x0] =	sbarrier.arrive $0xFFFF  }
0x11c: {  	_ =	strace $0x90000047  }
0x11d: {  	s0 =	stileid.u32;
	[bflag:$0x2] =	sbarrier.arrive $0xFFFF  }
0x11e: {  	p0 =	sne.s32 s0, $0x0;
	s0 =	rddreg [dreg:$0x5]  }
0x11f: {  	s0 =	sadd.s32 @!p0 $0x100000, s0  }
0x120: {  	[sflag:s0] =	ssyncadd.tile.s32 @!p0 $0x1;
	_ =	shalt  }
.Lfunc_end2:
_tile_overlayer_lowered:
.L_overlay_start_2:
0x121: {  	(tag) =	ssettag $0x2  }
0x122: {  	s0 =	rddreg [dreg:$0x0];
	s2 =	stileid.u32  }
0x123: {  	s1 =	rddreg [dreg:$0x1];
	p0 =	sne.s32 s2, $0x0  }
0x124: {  	s3 =	rddreg [dreg:$0x2];
	[bflag:$0x3] =	sbarrier.arrive $0xFFFF;
	s2 =	simm.s32 @!p0 $0x1C04  }
0x125: {  	[timem:s3], [sflag:s2] =	dma.local @!p0 [hbm:s0], s1  }
0x126: {  	s0 =	simm.s32 @!p0 $0x4  }
0x127: {  	_ =	swait.ge @!p0 [sflag:s0], s1  }
0x128: {  	s1 =	ssub.s32 @!p0 $0x0, s1;
	[sflag:s0] =	ssyncset.done @!p0 $0x0  }
0x129: {  	[sflag:s0] =	ssyncadd.s32 @!p0 s1  }
0x12a: {  	[bflag:$0x3] =	sbarrier.arrive $0xFFFF  }
0x12b: {  	_ =	shalt  }

// kernel: kernel.9.cloned.1.call-start
scs
__scs_entry_jumppad:
0x0: {  	(pc) =	sbr.rel $0x88, $3  }
0x1: {  	(tag) =	ssettag $0x0;
	lr =	simm.s32 $0x1  }
0x2: {  	[smem:$0x3F99] =	sst lr;
	_ =	strace $0xD0000000  }
0x3: {  	_ = 	snop  }
0x4: {  	_ = 	snop  }
0x5: {  	_ = 	snop  }
0x6: {  	_ = 	snop  }
0x7: {  	_ = 	snop  }
__scs_overlays_trampoline_lowered:
0x8: {  	[smem:$0x3FA8] =	sst s0  }
0x9: {  	[smem:$0x3FA9] =	sst s1  }
0xa: {  	[smem:$0x3FAA] =	sst s2  }
0xb: {  	[smem:$0x3FAB] =	sst s3  }
0xc: {  	[smem:$0x3FAC] =	sst s4  }
0xd: {  	[smem:$0x3FAD] =	sst s5  }
0xe: {  	[smem:$0x3FAE] =	sst s6  }
0xf: {  	[smem:$0x3FAF] =	sst s7  }
0x10: {  	[smem:$0x3FB0] =	sst s8  }
0x11: {  	[smem:$0x3FB1] =	sst s9;
	s0 =	simm.s32 @!p0 $0x0  }
0x12: {  	s1 =	sld [smem:$0x3F97];
	s0 =	simm.s32 @p0 $0x1  }
0x13: {  	[smem:$0x3FB2] =	sst s0;
	s0 =	simm.s32 @!p1 $0x0  }
0x14: {  	s2 =	sld [smem:$0x3F96];
	s0 =	simm.s32 @p1 $0x1  }
0x15: {  	[smem:$0x3FB3] =	sst s0;
	s0 =	simm.s32 @!p2 $0x0  }
0x16: {  	s3 =	sld [smem:$0x3FDB];
	s0 =	simm.s32 @p2 $0x1  }
0x17: {  	s4 =	simm.s32 $0x1BF5;
	[smem:$0x3FB5] =	sst s0  }
0x18: {  	s0 =	sld [smem:$0x3F98];
	_ =	swait.ge [sflag:s4], $0x0  }
0x19: {  	s7 =	sld [smem:$0x3F99]  }
0x1a: {  	s8 =	sadd.s32 $0xFFFFE003, lr  }
0x1b: {  	s9 =	sadd.s32 $0xFFFFFEF7, lr;
	s5 =	simm.s32 $0xFFFFFFFF;
	p2 =	slt.u32 s8, $0xFFFFF086  }
0x1c: {  	p1 =	slt.u32 s9, $0xF7A;
	s5 =	simm.s32 @!p2 $0x0  }
0x1d: {  	s5 =	simm.s32 @p1 $0x1;
	p0 =	seq.s32 s7, s2  }
0x1e: {  	s7 =	smul.u32 @!p0 $0xF7A, s2;
	p2 =	seq.s32 @!p0 s5, $0x0  }
0x1f: {  	s9 =	smul.u32 $0xF7A, s1;
	s8 =	simm.s32 @!p0 $0x1BF5;
	p2 =	por !p2, p0  }
0x20: {  	[sflag:s8] =	ssyncset.s32 @!p0 $0xFFFFF086;
	s6 =	sadd.s32 @!p0 s3, s7;
	s7 =	simm.s32 @!p0 $0x108  }
0x21: {  	s3 =	sadd.s32 s3, s9;
	s6 =	sadd.s32 @!p0 $0x88, s6;
	s7 =	simm.s32 @p2 $0x1082  }
0x22: {  	[simem:s7], [sflag:s8] =	dma.local @!p0 [hbm:s6], $0xF7A  }
0x23: {  	s9 =	sor.u32 $0xD0000000, s2;
	s6 =	simm.s32 $0x108;
	_ =	swait.ge @!p0 [sflag:s8], $0x0  }
0x24: {  	s3 =	sadd.s32 $0x88, s3;
	s6 =	simm.s32 @!p1 $0x1082;
	[sflag:s4] =	ssyncset.s32 $0xFFFFF086  }
0x25: {  	[simem:s6], [sflag:s4] =	dma.local [hbm:s3], $0xF7A  }
0x26: {  	[smem:$0x3F99] =	sst s1;
	(tag) =	ssettag s2;
	_ =	strace s9  }
0x27: {  	s1 =	sld [smem:$0x3FA9]  }
0x28: {  	s2 =	sld [smem:$0x3FAA]  }
0x29: {  	s4 =	sld [smem:$0x3FAC]  }
0x2a: {  	p0 =	seq.s32 s5, $0x0;
	s5 =	sld [smem:$0x3FAD]  }
0x2b: {  	s6 =	sld [smem:$0x3FAE]  }
0x2c: {  	s7 =	sld [smem:$0x3FAF]  }
0x2d: {  	s3 =	simm.s32 $0x108;
	s8 =	sld [smem:$0x3FB0]  }
0x2e: {  	s3 =	simm.s32 @!p0 $0x1082;
	s9 =	sld [smem:$0x3FB1]  }
0x2f: {  	lr =	sadd.s32 s0, s3;
	s0 =	sld [smem:$0x3FA8]  }
0x30: {  	s3 =	sld [smem:$0x3FAB]  }
0x31: {  	[smem:$0x3FB4] =	sst s10  }
0x32: {  	s10 =	sld [smem:$0x3FB2];
	_ =	sdelay $0x3  }
0x33: {  	p0 =	seq.s32 s10, $0x1;
	s10 =	sld [smem:$0x3FB4];
	_ =	sdelay $0x3  }
0x34: {  	[smem:$0x3FB4] =	sst s10  }
0x35: {  	s10 =	sld [smem:$0x3FB3];
	_ =	sdelay $0x3  }
0x36: {  	p1 =	seq.s32 s10, $0x1;
	s10 =	sld [smem:$0x3FB4];
	_ =	sdelay $0x3  }
0x37: {  	[smem:$0x3FB4] =	sst s10  }
0x38: {  	s10 =	sld [smem:$0x3FB5]  }
0x39: {  	_ = 	snop;
	(pc) =	sbr.ind lr, $3  }
0x3a: {  	_ = 	snop  }
0x3b: {  	_ = 	snop  }
0x3c: {  	p2 =	seq.s32 s10, $0x1;
	s10 =	sld [smem:$0x3FB4]  }
0x3d: {  	_ =	shalt  }
0x3e: {  	_ =	shalt  }
0x3f: {  	_ =	shalt  }
0x40: {  	_ =	shalt  }
0x41: {  	_ =	shalt  }
0x42: {  	_ =	shalt  }
0x43: {  	_ =	shalt  }
0x44: {  	_ =	shalt  }
0x45: {  	_ =	shalt  }
0x46: {  	_ =	shalt  }
0x47: {  	_ =	shalt  }
0x48: {  	_ =	shalt  }
0x49: {  	_ =	shalt  }
0x4a: {  	_ =	shalt  }
0x4b: {  	_ =	shalt  }
0x4c: {  	_ =	shalt  }
0x4d: {  	_ =	shalt  }
0x4e: {  	_ =	shalt  }
0x4f: {  	_ =	shalt  }
0x50: {  	_ =	shalt  }
0x51: {  	_ =	shalt  }
0x52: {  	_ =	shalt  }
0x53: {  	_ =	shalt  }
0x54: {  	_ =	shalt  }
0x55: {  	_ =	shalt  }
0x56: {  	_ =	shalt  }
0x57: {  	_ =	shalt  }
0x58: {  	_ =	shalt  }
0x59: {  	_ =	shalt  }
0x5a: {  	_ =	shalt  }
0x5b: {  	_ =	shalt  }
0x5c: {  	_ =	shalt  }
0x5d: {  	_ =	shalt  }
0x5e: {  	_ =	shalt  }
0x5f: {  	_ =	shalt  }
0x60: {  	_ =	shalt  }
0x61: {  	_ =	shalt  }
0x62: {  	_ =	shalt  }
0x63: {  	_ =	shalt  }
0x64: {  	_ =	shalt  }
0x65: {  	_ =	shalt  }
0x66: {  	_ =	shalt  }
0x67: {  	_ =	shalt  }
0x68: {  	_ =	shalt  }
0x69: {  	_ =	shalt  }
0x6a: {  	_ =	shalt  }
0x6b: {  	_ =	shalt  }
0x6c: {  	_ =	shalt  }
0x6d: {  	_ =	shalt  }
0x6e: {  	_ =	shalt  }
0x6f: {  	_ =	shalt  }
0x70: {  	_ =	shalt  }
0x71: {  	_ =	shalt  }
0x72: {  	_ =	shalt  }
0x73: {  	_ =	shalt  }
0x74: {  	_ =	shalt  }
0x75: {  	_ =	shalt  }
0x76: {  	_ =	shalt  }
0x77: {  	_ =	shalt  }
0x78: {  	_ =	shalt  }
0x79: {  	_ =	shalt  }
0x7a: {  	_ =	shalt  }
0x7b: {  	_ =	shalt  }
0x7c: {  	_ =	shalt  }
0x7d: {  	_ =	shalt  }
0x7e: {  	_ =	shalt  }
0x7f: {  	_ =	shalt  }
0x80: {  	_ =	shalt  }
0x81: {  	_ =	shalt  }
0x82: {  	_ =	shalt  }
0x83: {  	_ =	shalt  }
0x84: {  	_ =	shalt  }
0x85: {  	_ =	shalt  }
0x86: {  	_ =	shalt  }
0x87: {  	_ =	shalt  }
.Lfunc_end0:
.L_simem_size_0:
called_computation.1_lowered:
.L_overlay_start_0:
0x88: {  	s2 =	sld [smem:$0x3FD9]  }
0x89: {  	s3 =	sld [smem:$0x3FFE];
	_ =	sdelay $0x1  }
0x8a: {  	s1 =	srdreg.scid  }
0x8b: {  	s0 =	sand.u32 $0x1, s1  }
0x8c: {  	s16 =	sshll.u32 s0, $0xA;
	s2 =	sadd.s32 s3, s2  }
0x8d: {  	s2 =	sadd.s32 s2, s16  }
0x8e: {  	[smem:$0x3FC0] =	sst s2  }
0x8f: {  	_ = 	snop  }
0x90: {  	(tm) =	ssettm $0x1  }
0x91: {  	s17 =	sld [smem:$0x3FFB];
	_ =	sdelay $0x3  }
0x92: {  	_ =	strace s17  }
0x93: {  	s2 =	sld [smem:$0x3FFC];
	_ =	sdelay $0x3  }
0x94: {  	_ =	strace s2  }
0x95: {  	s2 =	sld [smem:$0x3FFD];
	_ =	sdelay $0x3  }
0x96: {  	_ =	strace s2  }
0x97: {  	_ =	strace $0x8FFFFFFF  }
0x98: {  	s18 =	sld [smem:$0x3FDB];
	_ =	sdelay $0x1  }
0x99: {  	s19 =	simm.s32 $_scs_section_size  }
0x9a: {  	s4 =	simm.s32 $_size__tile_overlayer_lowered;
	s5 =	simm.s32 $_tile_overlayer_lowered  }
0x9b: {  	s22 =	simm.s32 $0x1BFF;
	s21 =	sshll.u32 s5, $0x1;
	s2 =	sadd.s32 s19, s18  }
0x9c: {  	s6 =	simm.s32 $0x0;
	s20 =	sshll.u32 s4, $0x1;
	s4 =	sadd.s32 s21, s2  }
0x9d: {  	[timem:s6], [sflag:s22] =	dma.local [hbm:s4], s20  }
0x9e: {  	_ =	swait.ge [sflag:s22], s20  }
0x9f: {  	s3 =	ssub.s32 $0x0, s20;
	[sflag:s22] =	ssyncset.done $0x0  }
0xa0: {  	[sflag:s22] =	ssyncadd.s32 s3;
	_ =	sdelay $0x1  }
0xa1: {  	s23 =	simm.s32 $0x1B8B  }
0xa2: {  	_ =	swait.ge [sflag:s23], $0x1  }
0xa3: {  	[sflag:s23] =	ssyncset.done $0x0  }
0xa4: {  	s25 =	simm.s32 $0x1B8E;
	s24 =	sld [smem:$0x3FFE];
	[sflag:s23] =	ssyncadd.s32 $0xFFFFFFFF  }
0xa5: {  	s26 =	simm.s32 $execute0_lowered;
	[smem:$0x3FD2] =	sst s25  }
0xa6: {  	s4 =	sshll.u32 s26, $0x1;
	_ =	strace $0x80000049;
	[dreg:$0x1] =	wrdreg $0xFFFFFFFF  }
0xa7: {  	s28 =	simm.s32 $_size_execute0_lowered;
	s2 =	sadd.s32 s2, s4;
	[dreg:$0x0] =	wrdreg $0x0  }
0xa8: {  	s4 =	sshll.u32 s28, $0x1;
	[dreg:$0x2] =	wrdreg s2  }
0xa9: {  	[dreg:$0x3] =	wrdreg s4  }
0xaa: {  	[dreg:$0x4] =	wrdreg $0xC0  }
0xab: {  	_ =	task [dreg:s6], $0x5FFFF  }
0xac: {  	[dreg:$0x1] =	wrdreg $0xFFFFFFFF  }
0xad: {  	[dreg:$0x0] =	wrdreg $0x60  }
0xae: {  	[dreg:$0x2] =	wrdreg s24  }
0xaf: {  	[dreg:$0x3] =	wrdreg $0x84800  }
0xb0: {  	[dreg:$0x4] =	wrdreg $0x9  }
0xb1: {  	_ =	task.clear_ibuf [dreg:s6], $0x5FFFF;
	_ =	strace $0x90000049  }
0xb2: {  	s29 =	simm.s32 $0x9;
	_ =	strace $0x8000004B  }
0xb3: {  	_ =	swait.ge [sflag:s29], $0x1  }
0xb4: {  	[sflag:s29] =	ssyncadd.s32 $0xFFFFFFFF  }
0xb5: {  	_ =	strace $0x9000004B  }
0xb6: {  	_ =	sfence  }
0xb7: {  	s30 =	sld [smem:$0x0];
	_ =	sdelay $0x2  }
0xb8: {  	s31 =	sshll.u32 s1, $0xD;
	s1 =	sshrl.u32 s1, $0x2  }
0xb9: {  	s3 =	sand.u32 $0x4000, s31;
	s1 =	sadd.s32 s1, s30  }
0xba: {  	s0 =	sor.u32 s3, s0;
	s1 =	sshll.u32 s1, $0x11  }
0xbb: {  	s0 =	sor.u32 s1, s0  }
0xbc: {  	s0 =	sadd.s32 $0x8F2B, s0  }
0xbd: {  	[sflag:s0] =	ssyncadd.remote.s32 $0x1  }
0xbe: {  	_ =	sfence.sel $0xFFFF  }
0xbf: {  	[dreg:$0x0] =	wrdreg $0xFFFFFFFF;
	(pc) =	sbr.abs _section_cstart, $3  }
0xc0: {  	[dreg:$0x1] =	wrdreg $0xFFFFFFFF  }
0xc1: {  	_ =	task.clear_ibuf [dreg:s6], $0x2FFFF;
	_ =	strace $0x9FFFFFFF  }
0xc2: {  	(tm) =	ssettm $0x7FFFFFFF  }
0xc3: {  	_ =	shalt  }
tec
execute0_lowered:
.L_overlay_start_1:
0x0: {  	(tag) =	ssettag $0x1  }
0x1: {  	s0 =	rddreg [dreg:$0x0]  }
0x2: {  	s1 =	rddreg [dreg:$0x1];
	s2 =	simm.s32 $0x0  }
0x3: {  	s3 =	srdreg.scid;
	s11 =	stileid.u32;
	s12 =	simm.s32 $0x4C  }
0x4: {  	s28 =	simm.s32 $0x1;
	s29 =	simm.s32 $0x80;
	s31 =	simm.s32 $0x4400  }
0x5: {  	s30 =	simm.s32 $0x3;
	[smem:$0x7FF] =	sst s2;
	s7 =	smul.u32 $0x3, s11  }
0x6: {  	s4 =	sadd.s32 $0x16000, s0;
	s3 =	sand.u32 $0x1, s3;
	s9 =	smul.u32 $0x4D, s11  }
0x7: {  	s5 =	sadd.s32 $0x2000, s0;
	s0 =	sadd.s32 $0x3D200, s0;
	s10 =	smul.u32 $0x50000, s11  }
0x8: {  	s18 =	smul.u32 $0x14000, s11;
	_ =	strace $0x8000004A;
	s6 =	ssub.s32 $0x2, s3  }
0x9: {  	p0 =	seq.s32 s3, $0x0;
	s3 =	smul.u32 $0x140000, s3;
	s8 =	sshrl.u32 s6, $0x1  }
0xa: {  	s12 =	simm.s32 @!p0 $0x2;
	s7 =	sadd.s32 $0x4D0, s7;
	s10 =	sshrl.u32 s10, $0x2  }
0xb: {  	s20 =	sadd.s32 $0x4000, s18;
	s14 =	sadd.s32 $0x8000, s18;
	s15 =	sadd.s32 $0xC000, s18  }
0xc: {  	s6 =	ssub.s32 s6, s8;
	s7 =	smov.u32 @p0 s9;
	s21 =	sadd.s32 s18, s3  }
0xd: {  	s13 =	sadd.s32 s3, s20;
	s23 =	sadd.s32 s3, s14;
	s24 =	sadd.s32 s3, s15  }
0xe: {  	s8 =	sadd.s32 $0x10000, s18;
	s25 =	sadd.s32 s15, s1;
	s9 =	sshll.u32 s7, $0x6  }
0xf: {  	s13 =	sshrl.u32 s13, $0x3;
	s3 =	sadd.s32 s3, s8;
	s26 =	sadd.s32 s8, s1  }
0x10: {  	s16 =	smax.u32 s6, $0x1;
	s19 =	sadd.s32 s5, s9;
	s9 =	sadd.s32 s10, s1  }
0x11: {  	s22 =	sadd.s32 s0, s13;
	s10 =	sadd.s32 s20, s1;
	[dreg:$0x3] =	wrdreg s19  }
0x12: {  	s3 =	sshrl.u32 s3, $0x3;
	s11 =	sadd.s32 $0x40, s19;
	[dreg:$0x6] =	wrdreg s22  }
0x13: {  	s15 =	sadd.s32 s0, s3;
	s17 =	sadd.s32 $0x4000, s9;
	s18 =	sadd.s32 $0x8000, s9  }
0x14: {  	s19 =	sadd.s32 $0xC000, s9;
	[dreg:$0x4] =	wrdreg s11;
	s11 =	sshrl.u32 s21, $0x3  }
0x15: {  	s20 =	sadd.s32 $0x10000, s9;
	s22 =	sshrl.u32 s10, $0x3;
	s11 =	sadd.s32 s0, s11  }
0x16: {  	s3 =	simm.s32 $0x0;
	[dreg:$0x5] =	wrdreg s11;
	s11 =	sshrl.u32 s23, $0x3  }
0x17: {  	s21 =	simm.s32 $0x400;
	s23 =	sadd.s32 s14, s1;
	s11 =	sadd.s32 s0, s11  }
0x18: {  	s23 =	sshrl.u32 s23, $0x3;
	[dreg:$0x7] =	wrdreg s11;
	s11 =	sshrl.u32 s24, $0x3  }
0x19: {  	s24 =	sshrl.u32 s25, $0x3;
	s25 =	sshrl.u32 s26, $0x3;
	s11 =	sadd.s32 s0, s11  }
0x1a: {  	v0 =	vimm.f32 $0.0e+00;
	v1 =	vimm.f32 $1.000000000e+00;
	s26 =	simm.s32 $0x4;
	s0 =	simm.s32 $0x2;
	[dreg:$0x8] =	wrdreg s11  }
.LBB2_1:
0x1b: {  	s6 =	rddreg [dreg:$0x3]  }
0x1c: {  	[tilespmem:s2], [sflag:$0x1] =	stream.linear.gather [hbm4b:s6+s2], $0x200, $0x38;
	[tilespmem:$0x1C480] =	vst v63  }
0x1d: {  	s8 =	simm.s32 $0x0;
	s6 =	simm.s32 $0x200  }
.LBB2_2:
0x1e: {  	p0 =	sne.s32 s6, $0xFE00;
	[tilespmem:s8+$0x470] =	vst v0  }
0x1f: {  	[tilespmem:s8+$0x400] =	vst v0  }
0x20: {  	[tilespmem:s8+$0x410] =	vst v0  }
.Ltmp0:
0x21: {  	[tilespmem:s8+$0x420] =	vst v0;
	(pc) =	sbr.rel @p0 .LBB2_2-.Ltmp0, $4  }
0x22: {  	[tilespmem:s8+$0x430] =	vst v0  }
0x23: {  	[tilespmem:s8+$0x440] =	vst v0  }
0x24: {  	[tilespmem:s8+$0x450] =	vst v0  }
0x25: {  	[tilespmem:s8+$0x460] =	vst v0;
	s8 =	sshra.s32 s6, $0x2;
	s6 =	sadd.s32 $0x200, s6  }
0x26: {  	[tilespmem:s8+$0x470] =	vst v0  }
0x27: {  	[tilespmem:s8+$0x400] =	vst v0  }
0x28: {  	[tilespmem:s8+$0x410] =	vst v0  }
0x29: {  	[tilespmem:s8+$0x420] =	vst v0  }
0x2a: {  	[tilespmem:s8+$0x430] =	vst v0  }
0x2b: {  	[tilespmem:s8+$0x440] =	vst v0  }
0x2c: {  	[tilespmem:s8+$0x450] =	vst v0  }
0x2d: {  	[tilespmem:s8+$0x460] =	vst v0  }
0x2e: {  	[tilespmem:$0x8400] =	vst v1  }
0x2f: {  	[tilespmem:$0x8410] =	vst v1  }
0x30: {  	[tilespmem:$0x8420] =	vst v1  }
0x31: {  	[tilespmem:$0x8430] =	vst v1  }
0x32: {  	[tilespmem:$0x8440] =	vst v1  }
0x33: {  	[tilespmem:$0x8450] =	vst v1  }
0x34: {  	[tilespmem:$0x8460] =	vst v1  }
0x35: {  	[tilespmem:$0x8470] =	vst v1  }
0x36: {  	[spmem:s9] =	stream.linear.scatter [tilespmem:s21], [sflag:$0x4], $0x4000, $0x38;
	[tilespmem:$0x1C480] =	vst v63  }
0x37: {  	_ =	swait.ge [sflag:s26], $0x4000  }
0x38: {  	[sflag:s26] =	ssyncset.done $0x0  }
0x39: {  	[sflag:s26] =	ssyncadd.s32 $0xFFFFC000  }
0x3a: {  	[spmem:s17] =	stream.linear.scatter [tilespmem:s21], [sflag:$0x4], $0x4000, $0x38;
	[tilespmem:$0x1C480] =	vst v63  }
0x3b: {  	_ =	swait.ge [sflag:s26], $0x4000  }
0x3c: {  	[sflag:s26] =	ssyncset.done $0x0  }
0x3d: {  	[sflag:s26] =	ssyncadd.s32 $0xFFFFC000  }
0x3e: {  	[spmem:s18] =	stream.linear.scatter [tilespmem:s21], [sflag:$0x4], $0x4000, $0x38;
	[tilespmem:$0x1C480] =	vst v63  }
0x3f: {  	_ =	swait.ge [sflag:s26], $0x4000  }
0x40: {  	[sflag:s26] =	ssyncset.done $0x0  }
0x41: {  	[sflag:s26] =	ssyncadd.s32 $0xFFFFC000  }
0x42: {  	[spmem:s19] =	stream.linear.scatter [tilespmem:s21], [sflag:$0x4], $0x4000, $0x38;
	[tilespmem:$0x1C480] =	vst v63  }
0x43: {  	_ =	swait.ge [sflag:s26], $0x4000  }
0x44: {  	[sflag:s26] =	ssyncset.done $0x0  }
0x45: {  	[sflag:s26] =	ssyncadd.s32 $0xFFFFC000  }
0x46: {  	[spmem:s20] =	stream.linear.scatter [tilespmem:s21], [sflag:$0x4], $0x4000, $0x38;
	[tilespmem:$0x1C480] =	vst v63  }
0x47: {  	_ =	swait.ge [sflag:s26], $0x4000  }
0x48: {  	[sflag:s26] =	ssyncset.done $0x0  }
0x49: {  	[sflag:s26] =	ssyncadd.s32 $0xFFFFC000  }
0x4a: {  	[bflag:$0x0] =	sbarrier.arrive $0xFFFF  }
0x4b: {  	_ =	swait.ge [sflag:s28], $0x200  }
0x4c: {  	s6 =	simm.s32 $0x0;
	[sflag:s28] =	ssyncset.done $0x0  }
0x4d: {  	s8 =	simm.s32 $0x200;
	s10 =	rddreg [dreg:$0x4];
	[sflag:s28] =	ssyncadd.s32 $0xFFFFFE00  }
0x4e: {  	[tilespmem:s8], [sflag:$0x1] =	stream.linear.gather [hbm4b:s10+s6], $0x200, $0x38;
	[tilespmem:$0x1C480] =	vst v63  }
0x4f: {  	_ = 	snop  }
0x50: {  	[tilespmem:s21], [sflag:$0x2] =	stream.indirect.gather [hbm4b:s4+s29], $0x80, s6, s29, $0xb8;
	[tilespmem:$0x1C480] =	vst v63  }
0x51: {  	s13 =	simm.s32 $0x100  }
0x52: {  	[tilespmem:s31], [sflag:$0x2] =	stream.indirect.gather [hbm4b:s4+s29], $0x80, s13, s29, $0xb8;
	[tilespmem:$0x1C480] =	vst v63  }
0x53: {  	_ =	swait.ge [sflag:s0], $0x4000  }
0x54: {  	[sflag:s0] =	ssyncset.done $0x0  }
0x55: {  	[sflag:s0] =	ssyncadd.s32 $0xFFFFC000  }
0x56: {  	_ =	swait.ge [sflag:s0], $0x4000  }
0x57: {  	[sflag:s0] =	ssyncset.done $0x0  }
0x58: {  	[sflag:s0] =	ssyncadd.s32 $0xFFFFC000  }
0x59: {  	[spmem:s1] =	stream.indirect.scatter.add.f32 [tilespmem:s21], [sflag:$0x3], $0x80, s29, s29, $0xb8;
	[tilespmem:$0x1C480] =	vst v63  }
0x5a: {  	s14 =	simm.s32 $0x180  }
0x5b: {  	[spmem:s1] =	stream.indirect.scatter.add.f32 [tilespmem:s31], [sflag:$0x3], $0x80, s14, s29, $0xb8;
	[tilespmem:$0x1C480] =	vst v63  }
0x5c: {  	p1 =	sne.s32 s12, $0x1;
	_ =	swait.ge [sflag:s30], $0x4000  }
.Ltmp1:
0x5d: {  	[sflag:s30] =	ssyncset.done $0x0;
	(pc) =	sbr.rel @!p1 .LBB2_4-.Ltmp1, $4  }
0x5e: {  	[sflag:s30] =	ssyncadd.s32 $0xFFFFC000  }
0x5f: {  	p0 =	sgt.s32 s12, $0x2;
	_ =	swait.ge [sflag:s30], $0x4000  }
0x60: {  	s10 =	simm.s32 $0x2;
	s6 =	smov.u32 s12;
	[sflag:s30] =	ssyncset.done $0x0  }
0x61: {  	s6 =	smov.u32 @p0 s10;
	p0 =	por $0x0, $0x0;
	[sflag:s30] =	ssyncadd.s32 $0xFFFFC000  }
0x62: {  	s6 =	sadd.s32 s7, s6  }
0x63: {  	_ =	swait.ge [sflag:s28], $0x200;
	s6 =	sshll.u32 s6, $0x6  }
0x64: {  	s10 =	simm.s32 $0x400;
	[sflag:s28] =	ssyncset.done $0x0;
	s6 =	sand.u32 $0x1FFFFFC0, s6  }
0x65: {  	s11 =	sand.u32 $0x200, s10;
	[sflag:s28] =	ssyncadd.s32 $0xFFFFFE00;
	s6 =	sadd.s32 s5, s6  }
0x66: {  	[tilespmem:s11], [sflag:$0x1] =	stream.linear.gather [hbm4b:s6+s2], $0x200, $0x38;
	[tilespmem:$0x1C480] =	vst v63  }
0x67: {  	s13 =	sand.u32 $0x200, s8  }
0x68: {  	[tilespmem:s21], [sflag:$0x2] =	stream.indirect.gather [hbm4b:s4+s29], $0x80, s13, s29, $0xb8;
	[tilespmem:$0x1C480] =	vst v63  }
0x69: {  	s8 =	sor.u32 $0x100, s13  }
0x6a: {  	[tilespmem:s31], [sflag:$0x2] =	stream.indirect.gather [hbm4b:s4+s29], $0x80, s8, s29, $0xb8;
	[tilespmem:$0x1C480] =	vst v63  }
0x6b: {  	_ =	swait.ge [sflag:s0], $0x4000  }
0x6c: {  	[sflag:s0] =	ssyncset.done $0x0  }
0x6d: {  	[sflag:s0] =	ssyncadd.s32 $0xFFFFC000  }
0x6e: {  	_ =	swait.ge [sflag:s0], $0x4000  }
0x6f: {  	[sflag:s0] =	ssyncset.done $0x0  }
0x70: {  	s14 =	sor.u32 $0x80, s13;
	[sflag:s0] =	ssyncadd.s32 $0xFFFFC000  }
0x71: {  	[spmem:s1] =	stream.indirect.scatter.add.f32 [tilespmem:s21], [sflag:$0x3], $0x80, s14, s29, $0xb8;
	[tilespmem:$0x1C480] =	vst v63  }
0x72: {  	p1 =	sne.s32 s12, $0x2;
	s6 =	sor.u32 $0x180, s13  }
0x73: {  	[spmem:s1] =	stream.indirect.scatter.add.f32 [tilespmem:s31], [sflag:$0x3], $0x80, s6, s29, $0xb8;
	[tilespmem:$0x1C480] =	vst v63  }
.Ltmp2:
0x74: {  	_ =	swait.ge [sflag:s30], $0x4000;
	(pc) =	sbr.rel @!p1 .LBB2_6-.Ltmp2, $4  }
0x75: {  	p0 =	sgt.s32 s12, $0x3;
	[sflag:s30] =	ssyncset.done $0x0  }
0x76: {  	s11 =	simm.s32 $0x3;
	s6 =	smov.u32 s12;
	[sflag:s30] =	ssyncadd.s32 $0xFFFFC000  }
0x77: {  	s8 =	simm.s32 $0x2;
	s6 =	smov.u32 @p0 s11;
	_ =	swait.ge [sflag:s30], $0x4000  }
0x78: {  	p0 =	por $0x1, $0x1;
	s11 =	simm.s32 $0x400;
	[sflag:s30] =	ssyncset.done $0x0  }
.LBB2_7:
0x79: {  	s6 =	sadd.s32 s7, s6  }
0x7a: {  	[sflag:s30] =	ssyncadd.s32 $0xFFFFC000;
	s13 =	smov.u32 s8;
	s8 =	sadd.s32 $0x1, s8  }
0x7b: {  	p1 =	sne.s32 s12, s8;
	_ =	swait.ge [sflag:s28], $0x200;
	s6 =	sshll.u32 s6, $0x6  }
0x7c: {  	s10 =	sadd.s32 $0x200, s10;
	[sflag:s28] =	ssyncset.done $0x0;
	s6 =	sand.u32 $0x1FFFFFC0, s6  }
0x7d: {  	s14 =	sand.u32 $0x200, s10;
	[sflag:s28] =	ssyncadd.s32 $0xFFFFFE00;
	s6 =	sadd.s32 s5, s6  }
0x7e: {  	[tilespmem:s14], [sflag:$0x1] =	stream.linear.gather [hbm4b:s6+s2], $0x200, $0x38;
	[tilespmem:$0x1C480] =	vst v63  }
0x7f: {  	s6 =	sand.u32 $0x200, s11;
	s11 =	smov.u32 s10  }
0x80: {  	[tilespmem:s21], [sflag:$0x2] =	stream.indirect.gather [hbm4b:s4+s29], $0x80, s6, s29, $0xb8;
	[tilespmem:$0x1C480] =	vst v63  }
0x81: {  	s14 =	sor.u32 $0x100, s6  }
0x82: {  	[tilespmem:s31], [sflag:$0x2] =	stream.indirect.gather [hbm4b:s4+s29], $0x80, s14, s29, $0xb8;
	[tilespmem:$0x1C480] =	vst v63  }
0x83: {  	_ =	swait.ge [sflag:s0], $0x4000  }
0x84: {  	[sflag:s0] =	ssyncset.done $0x0  }
0x85: {  	[sflag:s0] =	ssyncadd.s32 $0xFFFFC000  }
0x86: {  	_ =	swait.ge [sflag:s0], $0x4000  }
0x87: {  	[sflag:s0] =	ssyncset.done $0x0  }
0x88: {  	s14 =	sor.u32 $0x80, s6;
	[sflag:s0] =	ssyncadd.s32 $0xFFFFC000  }
0x89: {  	[spmem:s1] =	stream.indirect.scatter.add.f32 [tilespmem:s21], [sflag:$0x3], $0x80, s14, s29, $0xb8;
	[tilespmem:$0x1C480] =	vst v63  }
0x8a: {  	s6 =	sor.u32 $0x180, s6  }
0x8b: {  	[spmem:s1] =	stream.indirect.scatter.add.f32 [tilespmem:s31], [sflag:$0x3], $0x80, s6, s29, $0xb8;
	[tilespmem:$0x1C480] =	vst v63  }
.Ltmp3:
0x8c: {  	_ =	swait.ge [sflag:s30], $0x4000;
	(pc) =	sbr.rel @p1 .LBB2_7-.Ltmp3, $4  }
0x8d: {  	[sflag:s30] =	ssyncset.done $0x0  }
0x8e: {  	s13 =	sadd.s32 $0x2, s13;
	[sflag:s30] =	ssyncadd.s32 $0xFFFFC000  }
0x8f: {  	p2 =	slt.s32 s13, s12;
	s6 =	smov.u32 s12;
	_ =	swait.ge [sflag:s30], $0x4000  }
0x90: {  	s6 =	smov.u32 @p2 s13;
	[sflag:s30] =	ssyncset.done $0x0  }
0x91: {  	s8 =	smov.u32 s10  }
.LBB2_9:
0x92: {  	s6 =	sadd.s32 s7, s6;
	[sflag:s30] =	ssyncadd.s32 @p0 $0xFFFFC000  }
0x93: {  	_ =	swait.ge [sflag:s28], $0x200;
	s6 =	sshll.u32 s6, $0x6  }
0x94: {  	s8 =	sadd.s32 $0x200, s8;
	[sflag:s28] =	ssyncset.done $0x0;
	s6 =	sand.u32 $0x1FFFFFC0, s6  }
0x95: {  	s8 =	sand.u32 $0x200, s8;
	[sflag:s28] =	ssyncadd.s32 $0xFFFFFE00;
	s6 =	sadd.s32 s5, s6  }
0x96: {  	[tilespmem:s8], [sflag:$0x1] =	stream.linear.gather [hbm4b:s6+s2], $0x200, $0x38;
	[tilespmem:$0x1C480] =	vst v63  }
0x97: {  	s14 =	sand.u32 $0x200, s11  }
0x98: {  	[tilespmem:s21], [sflag:$0x2] =	stream.indirect.gather [hbm4b:s4+s29], $0x80, s14, s29, $0xb8;
	[tilespmem:$0x1C480] =	vst v63  }
0x99: {  	s10 =	sor.u32 $0x100, s14  }
0x9a: {  	[tilespmem:s31], [sflag:$0x2] =	stream.indirect.gather [hbm4b:s4+s29], $0x80, s10, s29, $0xb8;
	[tilespmem:$0x1C480] =	vst v63  }
0x9b: {  	_ =	swait.ge [sflag:s0], $0x4000  }
0x9c: {  	[sflag:s0] =	ssyncset.done $0x0  }
0x9d: {  	[sflag:s0] =	ssyncadd.s32 $0xFFFFC000  }
0x9e: {  	_ =	swait.ge [sflag:s0], $0x4000  }
0x9f: {  	[sflag:s0] =	ssyncset.done $0x0  }
0xa0: {  	s11 =	sor.u32 $0x80, s14;
	[sflag:s0] =	ssyncadd.s32 $0xFFFFC000  }
0xa1: {  	[spmem:s1] =	stream.indirect.scatter.add.f32 [tilespmem:s21], [sflag:$0x3], $0x80, s11, s29, $0xb8;
	[tilespmem:$0x1C480] =	vst v63  }
0xa2: {  	s6 =	sor.u32 $0x180, s14  }
0xa3: {  	[spmem:s1] =	stream.indirect.scatter.add.f32 [tilespmem:s31], [sflag:$0x3], $0x80, s6, s29, $0xb8;
	[tilespmem:$0x1C480] =	vst v63  }
0xa4: {  	_ =	swait.ge [sflag:s30], $0x4000  }
0xa5: {  	[sflag:s30] =	ssyncset.done $0x0  }
0xa6: {  	[sflag:s30] =	ssyncadd.s32 $0xFFFFC000  }
0xa7: {  	_ =	swait.ge [sflag:s30], $0x4000  }
0xa8: {  	[sflag:s30] =	ssyncset.done $0x0  }
0xa9: {  	[sflag:s30] =	ssyncadd.s32 $0xFFFFC000  }
0xaa: {  	_ =	swait.ge [sflag:s28], $0x200  }
0xab: {  	[sflag:s28] =	ssyncset.done $0x0  }
0xac: {  	s13 =	stileid.u32;
	[sflag:s28] =	ssyncadd.s32 $0xFFFFFE00  }
0xad: {  	s6 =	sshll.u32 s13, $0x6;
	[bflag:$0x0] =	sbarrier.arrive $0xFFFF  }
0xae: {  	s14 =	sshrl.u32 s9, $0x3;
	s6 =	sor.u32 $0x1C01, s6;
	s10 =	rddreg [dreg:$0x5]  }
0xaf: {  	[hbm:s10], [sflag:s6] =	dma.local [spmem:s14], $0x800  }
0xb0: {  	s8 =	rddreg [dreg:$0x6]  }
0xb1: {  	[hbm:s8], [sflag:s6] =	dma.local [spmem:s22], $0x800  }
0xb2: {  	s8 =	rddreg [dreg:$0x7]  }
0xb3: {  	[hbm:s8], [sflag:s6] =	dma.local [spmem:s23], $0x800  }
0xb4: {  	s8 =	rddreg [dreg:$0x8]  }
0xb5: {  	[hbm:s8], [sflag:s6] =	dma.local [spmem:s24], $0x800  }
0xb6: {  	[hbm:s15], [sflag:s6] =	dma.local [spmem:s25], $0x800  }
0xb7: {  	_ =	swait.ge [sflag:s28], $0x800  }
0xb8: {  	[sflag:s28] =	ssyncset.done $0x0  }
0xb9: {  	[sflag:s28] =	ssyncadd.s32 $0xFFFFF800  }
0xba: {  	_ =	swait.ge [sflag:s28], $0x800  }
0xbb: {  	[sflag:s28] =	ssyncset.done $0x0  }
0xbc: {  	[sflag:s28] =	ssyncadd.s32 $0xFFFFF800  }
0xbd: {  	_ =	swait.ge [sflag:s28], $0x800  }
0xbe: {  	[sflag:s28] =	ssyncset.done $0x0  }
0xbf: {  	s3 =	sadd.s32 $0x1, s3;
	[sflag:s28] =	ssyncadd.s32 $0xFFFFF800  }
0xc0: {  	p0 =	sne.s32 s3, s16;
	_ =	swait.ge [sflag:s28], $0x800  }
.Ltmp4:
0xc1: {  	[sflag:s28] =	ssyncset.done $0x0;
	(pc) =	sbr.rel @p0 .LBB2_1-.Ltmp4, $4  }
.Ltmp5:
0xc2: {  	[sflag:s28] =	ssyncadd.s32 $0xFFFFF800;
	(pc) =	sbr.rel @!p0 .LBB2_10-.Ltmp5, $4  }
0xc3: {  	_ =	swait.ge [sflag:s28], $0x800  }
0xc4: {  	[sflag:s28] =	ssyncset.done $0x0  }
0xc5: {  	[sflag:s28] =	ssyncadd.s32 $0xFFFFF800  }
0xc6: {  	_ = 	snop  }
.LBB2_4:
.Ltmp6:
0xc7: {  	(pc) =	sbr.rel .LBB2_9-.Ltmp6, $2  }
0xc8: {  	_ =	sdelay $0x2  }
0xc9: {  	s11 =	simm.s32 $0x200  }
.LBB2_6:
.Ltmp7:
0xca: {  	(pc) =	sbr.rel .LBB2_9-.Ltmp7, $2  }
0xcb: {  	_ =	sdelay $0x2  }
0xcc: {  	s8 =	simm.s32 $0x400;
	s11 =	simm.s32 $0x400  }
.LBB2_10:
0xcd: {  	_ =	sfence.sel $0x180000  }
0xce: {  	[bflag:$0x0] =	sbarrier.arrive $0xFFFF  }
0xcf: {  	_ =	strace $0x9000004A  }
0xd0: {  	s0 =	stileid.u32;
	[bflag:$0x2] =	sbarrier.arrive $0xFFFF  }
0xd1: {  	p0 =	sne.s32 s0, $0x0;
	s0 =	rddreg [dreg:$0x2]  }
0xd2: {  	s0 =	sadd.s32 @!p0 $0x100000, s0  }
0xd3: {  	[sflag:s0] =	ssyncadd.tile.s32 @!p0 $0x1;
	_ =	shalt  }
.Lfunc_end2:
_tile_overlayer_lowered:
.L_overlay_start_2:
0xd4: {  	(tag) =	ssettag $0x2  }
0xd5: {  	s0 =	rddreg [dreg:$0x0];
	s2 =	stileid.u32  }
0xd6: {  	s1 =	rddreg [dreg:$0x1];
	p0 =	sne.s32 s2, $0x0  }
0xd7: {  	s3 =	rddreg [dreg:$0x2];
	[bflag:$0x3] =	sbarrier.arrive $0xFFFF;
	s2 =	simm.s32 @!p0 $0x1C04  }
0xd8: {  	[timem:s3], [sflag:s2] =	dma.local @!p0 [hbm:s0], s1  }
0xd9: {  	s0 =	simm.s32 @!p0 $0x4  }
0xda: {  	_ =	swait.ge @!p0 [sflag:s0], s1  }
0xdb: {  	s1 =	ssub.s32 @!p0 $0x0, s1;
	[sflag:s0] =	ssyncset.done @!p0 $0x0  }
0xdc: {  	[sflag:s0] =	ssyncadd.s32 @!p0 s1  }
0xdd: {  	[bflag:$0x3] =	sbarrier.arrive $0xFFFF  }
0xde: {  	_ =	shalt  }

</sc_bundles>
